<compile_context>
chip_gen: v7x
topology: tpu7x:2x2x1
jax: 0.10.2.dev20260603
libtpu: 0.0.44.dev20260713+nightly
codegen_flags: <defaults>
</compile_context>

<pallas_src>
import functools

import jax
import jax.numpy as jnp
from jax import lax
from jax.experimental import pallas as pl
from jax.experimental.pallas import tpu as pltpu
from jax.experimental.pallas import tpu_sc as plsc

_NC = 2
_NS = 16
_NW = _NC * _NS

_CH = 80
_ZR = 80
_CHK = 512
_EPSBN = 1e-5


def _segment_sum_sc(h, src, dst):
    n, f = h.shape
    e = src.shape[0]
    epw = e // _NW
    assert epw * _NW == e and epw % _CH == 0
    nrc = n // _ZR
    assert nrc * _ZR == n

    mesh = plsc.VectorSubcoreMesh(core_axis_name="c", subcore_axis_name="s")

    @functools.partial(
        pl.kernel,
        out_type=jax.ShapeDtypeStruct((_NC, n, f), jnp.float32),
        mesh=mesh,
        scratch_types=[
            pltpu.VMEM((2, _CH), jnp.int32),
            pltpu.VMEM((2, _CH), jnp.int32),
            pltpu.VMEM((2, _CH, f), jnp.float32),
            pltpu.VMEM((_ZR, f), jnp.float32),
            pltpu.VMEM_SHARED((n, f), jnp.float32),
            pltpu.SemaphoreType.DMA,
            pltpu.SemaphoreType.DMA,
        ],
    )
    def agg_kernel(h_hbm, src_hbm, dst_hbm, out_hbm,
                   src_v, dst_v, rows_v, zbuf, acc, sem0, sem1):
        cid = lax.axis_index("c")
        sid = lax.axis_index("s")
        sems = (sem0, sem1)

        @pl.loop(0, _ZR)
        def _(r):
            @pl.loop(0, f, step=16)
            def _(c):
                zbuf[r, pl.ds(c, 16)] = jnp.zeros((16,), jnp.float32)

        @pl.loop(sid, nrc, step=_NS)
        def _(ci):
            pltpu.sync_copy(zbuf, acc.at[pl.ds(ci * _ZR, _ZR)])

        plsc.subcore_barrier()

        base = (cid * _NS + sid) * epw
        nch = epw // _CH

        def load_idx(ci, b):
            off = base + ci * _CH
            pltpu.sync_copy(src_hbm.at[pl.ds(off, _CH)], src_v.at[b])
            pltpu.sync_copy(dst_hbm.at[pl.ds(off, _CH)], dst_v.at[b])

        def start_gather(b):
            pltpu.async_copy(h_hbm.at[src_v.at[b]], rows_v.at[b], sems[b])

        def wait_gather(b):
            pltpu.make_async_copy(h_hbm.at[src_v.at[b]], rows_v.at[b],
                                  sems[b]).wait()

        def scatter(b):
            pltpu.sync_copy(rows_v.at[b], acc.at[dst_v.at[b]], add=True)

        load_idx(0, 0)
        start_gather(0)

        @pl.loop(0, nch - 1, step=2)
        def _(i):
            for j in range(2):
                load_idx(i + j + 1, 1 - j)
                start_gather(1 - j)
                wait_gather(j)
                scatter(j)

        b_last = (nch - 1) % 2
        wait_gather(b_last)
        scatter(b_last)

        plsc.subcore_barrier()

        @pl.loop(sid, nrc, step=_NS)
        def _(ci):
            pltpu.sync_copy(acc.at[pl.ds(ci * _ZR, _ZR)],
                            out_hbm.at[cid, pl.ds(ci * _ZR, _ZR)])

    return agg_kernel(h, src, dst)


def _bn(z, g, b):
    m = jnp.mean(z, axis=0, keepdims=True)
    c = z - m
    v = jnp.mean(c * c, axis=0, keepdims=True)
    return c * lax.rsqrt(v + _EPSBN) * g + b


def _gelu(z):
    return 0.5 * z * (1.0 + lax.erf(z * 0.7071067811865476))


def _bn_starts_body(x_ref, g_ref, b_ref, batch_ref, h_ref, starts_ref):
    x = x_ref[...]
    h_ref[...] = _bn(x, g_ref[...], b_ref[...])
    gids = lax.broadcasted_iota(jnp.int32, (1, 128), 1)
    cmp = (batch_ref[...] < gids).astype(jnp.int32)
    starts_ref[...] = jnp.sum(cmp, axis=0, keepdims=True)


def _mlp_body(h_ref, p0_ref, p1_ref, eps_ref, w1_ref, b1_ref,
              mg_ref, mb_ref, w2_ref, b2_ref, g_ref, bb_ref, o_ref):
    z = (1.0 + eps_ref[...]) * h_ref[...] + (p0_ref[...] + p1_ref[...])
    z = jnp.dot(z, w1_ref[...], preferred_element_type=jnp.float32) + b1_ref[...]
    z = _gelu(_bn(z, mg_ref[...], mb_ref[...]))
    z = jnp.dot(z, w2_ref[...], preferred_element_type=jnp.float32) + b2_ref[...]
    o_ref[...] = _gelu(_bn(z, g_ref[...], bb_ref[...]))


def _final_body(starts_sref, z1_ref, z2_ref, z3_ref, attw_ref, pw_ref,
                w1_ref, b1_ref, lng_ref, lnb_ref, w2_ref, b2_ref,
                out_ref, xj_s, sum_s, max_s, cnt_s):
    n = z1_ref.shape[0]
    f = z1_ref.shape[1]
    z1, z2, z3 = z1_ref[...], z2_ref[...], z3_ref[...]

    inv_f = 1.0 / f
    s1 = jnp.sum(z1 * attw_ref[0:1, :], axis=1, keepdims=True) * inv_f
    s2 = jnp.sum(z2 * attw_ref[1:2, :], axis=1, keepdims=True) * inv_f
    s3 = jnp.sum(z3 * attw_ref[2:3, :], axis=1, keepdims=True) * inv_f
    m = jnp.maximum(jnp.maximum(s1, s2), s3)
    e1 = jnp.exp(s1 - m)
    e2 = jnp.exp(s2 - m)
    e3 = jnp.exp(s3 - m)
    inv = 1.0 / (e1 + e2 + e3)
    xj_s[0:n, :] = (e1 * z1 + e2 * z2 + e3 * z3) * inv
    xj_s[pl.ds(n, _CHK), :] = jnp.zeros((_CHK, f), jnp.float32)

    ng = out_ref.shape[0]

    def pool_g(g, _):
        start = starts_sref[0, g]
        end = starts_sref[0, g + 1]

        def cond(c):
            return c[0] < end

        def body(c):
            pos, s, mx = c
            rows = xj_s[pl.ds(pos, _CHK), :]
            ridx = lax.broadcasted_iota(jnp.int32, (_CHK, 1), 0) + pos
            keep = ridx < end
            s = s + jnp.sum(jnp.where(keep, rows, 0.0), axis=0, keepdims=True)
            mx = jnp.maximum(
                mx, jnp.max(jnp.where(keep, rows, -jnp.inf), axis=0,
                            keepdims=True))
            return pos + _CHK, s, mx

        _, s, mx = lax.while_loop(
            cond, body,
            (start, jnp.zeros((1, f), jnp.float32),
             jnp.full((1, f), -jnp.inf, jnp.float32)))
        sum_s[pl.ds(g, 1), :] = s
        max_s[pl.ds(g, 1), :] = mx
        cnt_s[pl.ds(g, 1), :] = jnp.full((1, f), (end - start).astype(jnp.float32))
        return 0

    lax.fori_loop(0, ng, pool_g, 0)

    addp = sum_s[...]
    cnt = cnt_s[...]
    meanp = addp / jnp.maximum(cnt, 1.0)
    maxp = jnp.where(cnt > 0.0, max_s[...], 0.0)

    p = pw_ref[...]
    pe = jnp.exp(p - jnp.max(p))
    pw = pe / jnp.sum(pe)
    pooled = (addp * pw[:, 0:1] + meanp * pw[:, 1:2] + maxp * pw[:, 2:3])

    o = jnp.dot(pooled, w1_ref[...], preferred_element_type=jnp.float32) + b1_ref[...]
    mu = jnp.mean(o, axis=1, keepdims=True)
    c = o - mu
    v = jnp.mean(c * c, axis=1, keepdims=True)
    o = c * lax.rsqrt(v + _EPSBN) * lng_ref[...] + lnb_ref[...]
    o = _gelu(o) + pooled
    out_ref[...] = jnp.dot(o, w2_ref[...], preferred_element_type=jnp.float32) + b2_ref[...]


def _vmem():
    return pl.BlockSpec(memory_space=pltpu.ANY)


@jax.jit
def kernel(x, edge_index, batch, params):
    n, d = x.shape
    h_dim = params["fc1_w0"].shape[0]
    lat = params["fc2_w"].shape[0]
    num_l = 3
    g_num = 64

    src = edge_index[0]
    dst = edge_index[1]
    batch_col = batch.reshape(n, 1).astype(jnp.int32)

    vspec = pl.BlockSpec(memory_space=pltpu.VMEM)

    h0, starts = pl.pallas_call(
        _bn_starts_body,
        out_shape=(jax.ShapeDtypeStruct((n, d), jnp.float32),
                   jax.ShapeDtypeStruct((1, 128), jnp.int32)),
        in_specs=[vspec] * 4,
        out_specs=(vspec, vspec),
    )(x, params["bn_in_g"].reshape(1, d), params["bn_in_b"].reshape(1, d),
      batch_col)

    mlp = pl.pallas_call(
        _mlp_body,
        out_shape=jax.ShapeDtypeStruct((n, h_dim), jnp.float32),
        in_specs=[vspec] * 12,
        out_specs=vspec,
    )

    h = h0
    hidden = []
    for l in range(num_l):
        parts = _segment_sum_sc(h, src, dst)
        h = mlp(h, parts[0], parts[1],
                params["eps%d" % l].reshape(1, 1),
                params["fc1_w%d" % l].T,
                params["fc1_b%d" % l].reshape(1, h_dim),
                params["mbn_g%d" % l].reshape(1, h_dim),
                params["mbn_b%d" % l].reshape(1, h_dim),
                params["fc2_w%d" % l].T,
                params["fc2_b%d" % l].reshape(1, h_dim),
                params["bn_g%d" % l].reshape(1, h_dim),
                params["bn_b%d" % l].reshape(1, h_dim))
        hidden.append(h)

    smem_spec = pl.BlockSpec(memory_space=pltpu.SMEM)
    out = pl.pallas_call(
        _final_body,
        out_shape=jax.ShapeDtypeStruct((g_num, lat), jnp.float32),
        in_specs=[smem_spec] + [vspec] * 11,
        out_specs=vspec,
        scratch_shapes=[
            pltpu.VMEM((n + _CHK, h_dim), jnp.float32),
            pltpu.VMEM((g_num, h_dim), jnp.float32),
            pltpu.VMEM((g_num, h_dim), jnp.float32),
            pltpu.VMEM((g_num, h_dim), jnp.float32),
        ],
    )(starts, hidden[0], hidden[1], hidden[2],
      params["att_w"], params["pool_w"].reshape(1, 3),
      params["fc1_w"].T, params["fc1_b"].reshape(1, h_dim),
      params["ln_g"].reshape(1, h_dim), params["ln_b"].reshape(1, h_dim),
      params["fc2_w"].T, params["fc2_b"].reshape(1, lat))
    return out

# --- scband reference (transcript-rebuilt; emitter-appended) ---
"""Pipeline reference for scband-enhanced-gin-20048907337871 (READ-ONLY COPY).

The authoritative reference and input builder live on the scoring server;
editing this copy changes nothing except your own understanding.
"""

import jax, jax.numpy as jnp
import numpy as np

N = 10000
E = 320000
D = 128
H = 128
LAT = 64
L = 3
G = 64

def _bn(x, g, b, eps=1e-5):
    m = jnp.mean(x, axis=0)
    v = jnp.var(x, axis=0)
    return (x - m) / jnp.sqrt(v + eps) * g + b

def _ln(x, g, b, eps=1e-5):
    m = jnp.mean(x, axis=-1, keepdims=True)
    v = jnp.var(x, axis=-1, keepdims=True)
    return (x - m) / jnp.sqrt(v + eps) * g + b

def setup_inputs(seed: int = 0):
    key = jax.random.key(seed)
    ks = jax.random.split(key, 40)
    x = jax.random.normal(ks[0], (N, D), dtype=jnp.float32)
    edge_index = jax.random.randint(ks[1], (2, E), 0, N)
    batch = jnp.sort(jax.random.randint(ks[2], (N,), 0, G))
    params = {}
    params['bn_in_g'] = jnp.ones((D,), jnp.float32)
    params['bn_in_b'] = jnp.zeros((D,), jnp.float32)
    kidx = 3
    for l in range(L):
        ind = D if l == 0 else H
        s1 = 1.0 / np.sqrt(ind)
        s2 = 1.0 / np.sqrt(H)
        params['eps%d' % l] = jnp.zeros((), jnp.float32)
        params['fc1_w%d' % l] = jax.random.uniform(ks[kidx], (H, ind), jnp.float32, -s1, s1); kidx += 1
        params['fc1_b%d' % l] = jnp.zeros((H,), jnp.float32)
        params['mbn_g%d' % l] = jnp.ones((H,), jnp.float32)
        params['mbn_b%d' % l] = jnp.zeros((H,), jnp.float32)
        params['fc2_w%d' % l] = jax.random.uniform(ks[kidx], (H, H), jnp.float32, -s2, s2); kidx += 1
        params['fc2_b%d' % l] = jnp.zeros((H,), jnp.float32)
        params['bn_g%d' % l] = jnp.ones((H,), jnp.float32)
        params['bn_b%d' % l] = jnp.zeros((H,), jnp.float32)
    params['att_w'] = jax.random.normal(ks[kidx], (L, H), jnp.float32); kidx += 1
    params['pool_w'] = jnp.ones((3,), jnp.float32)
    s = 1.0 / np.sqrt(H)
    params['fc1_w'] = jax.random.uniform(ks[kidx], (H, H), jnp.float32, -s, s); kidx += 1
    params['fc1_b'] = jnp.zeros((H,), jnp.float32)
    params['ln_g'] = jnp.ones((H,), jnp.float32)
    params['ln_b'] = jnp.zeros((H,), jnp.float32)
    params['fc2_w'] = jax.random.uniform(ks[kidx], (LAT, H), jnp.float32, -s, s); kidx += 1
    params['fc2_b'] = jnp.zeros((LAT,), jnp.float32)
    return {'x': x, 'edge_index': edge_index, 'batch': batch, 'params': params}

def _forward(x, params, edge_index, batch):
    src = edge_index[0]
    dst = edge_index[1]
    h = _bn(x, params['bn_in_g'], params['bn_in_b'])
    hidden = []
    for l in range(L):
        agg = jax.ops.segment_sum(h[src], dst, num_segments=N)
        z = (1.0 + params['eps%d' % l]) * h + agg
        z = z @ params['fc1_w%d' % l].T + params['fc1_b%d' % l]
        z = _bn(z, params['mbn_g%d' % l], params['mbn_b%d' % l])
        z = jax.nn.gelu(z, approximate=False)
        z = z @ params['fc2_w%d' % l].T + params['fc2_b%d' % l]
        z = _bn(z, params['bn_g%d' % l], params['bn_b%d' % l])
        z = jax.nn.gelu(z, approximate=False)
        hidden.append(z)
        h = z
    x_all = jnp.stack(hidden, axis=0)
    scores = jnp.mean(x_all * params['att_w'][:, None, :], axis=-1)
    alpha = jax.nn.softmax(scores, axis=0)
    xj = jnp.sum(x_all * alpha[..., None], axis=0)
    pw = jax.nn.softmax(params['pool_w'], axis=0)
    addp = jax.ops.segment_sum(xj, batch, num_segments=G)
    cnt = jax.ops.segment_sum(jnp.ones((N,), xj.dtype), batch, num_segments=G)
    meanp = addp / jnp.maximum(cnt, 1.0)[:, None]
    maxp = jax.ops.segment_max(xj, batch, num_segments=G)
    maxp = jnp.where((cnt > 0)[:, None], maxp, 0.0)
    pooled = addp * pw[0] + meanp * pw[1] + maxp * pw[2]
    out = pooled @ params['fc1_w'].T + params['fc1_b']
    out = _ln(out, params['ln_g'], params['ln_b'])
    out = jax.nn.gelu(out, approximate=False)
    out = out + pooled
    out = out @ params['fc2_w'].T + params['fc2_b']
    return out

def reference(x, edge_index, batch, params):
    return _forward(x, params, edge_index, batch)

if __name__ == "__main__":
    import jax
    _d = setup_inputs()
    print(jax.jit(kernel)(*tuple(_d.values())))

</pallas_src>

<mosaic_0001>
#map = affine_map<(d0, d1) -> (0, 0)>
#map1 = affine_map<(d0, d1) -> (0)>
#map2 = affine_map<(d0, d1) -> (0, 0, 0)>
module attributes {stable_mosaic.version = 14 : i64} {
  func.func @agg_kernel(%arg0: i32, %arg1: i32, %arg2: memref<10000x128xf32, #tpu.memory_space<hbm>>, %arg3: memref<320000xi32, #tpu.memory_space<hbm>>, %arg4: memref<320000xi32, #tpu.memory_space<hbm>>, %arg5: memref<2x10000x128xf32, #tpu.memory_space<hbm>>, %arg6: memref<2x80xi32, #tpu.memory_space<vmem>>, %arg7: memref<2x80xi32, #tpu.memory_space<vmem>>, %arg8: memref<2x80x128xf32, #tpu.memory_space<vmem>>, %arg9: memref<80x128xf32, #tpu.memory_space<vmem>>, %arg10: memref<10000x128xf32, #tpu.memory_space<vmem_shared>>, %arg11: memref<!tpu.dma_semaphore, #tpu.memory_space<semaphore_mem>>, %arg12: memref<!tpu.dma_semaphore, #tpu.memory_space<semaphore_mem>>) attributes {dimension_semantics = [#tpu.dimension_semantics<core_parallel>, #tpu.dimension_semantics<subcore_parallel>], iteration_bounds = array<i64: 2, 16>, scalar_prefetch = 0 : i64, scratch_operands = 7 : i64, tpu.core_type = #tpu.core_type<sc_vector_subcore>, window_params = [{transform_indices = #map}, {transform_indices = #map1}, {transform_indices = #map1}, {transform_indices = #map2}]} {
    %scan3A = arith.constant 0 : i32
    %scan3A_0 = arith.constant 80 : i32
    %scan3A_1 = arith.addi %scan3A, %scan3A_0 : i32
    %scan3A_2 = arith.constant 1 : i32
    scf.for %scan3A_73 = %scan3A to %scan3A_1 step %scan3A_2  : i32 {
      %mul3A_74 = arith.constant 1 : i32
      %mul3A_75 = arith.muli %scan3A_73, %mul3A_74 : i32
      %add3A_76 = arith.constant 0 : i32
      %add3A_77 = arith.addi %add3A_76, %mul3A_75 : i32
      %scan3A_78 = arith.constant 0 : i32
      %scan3A_79 = arith.constant 8 : i32
      %scan3A_80 = arith.addi %scan3A_78, %scan3A_79 : i32
      %scan3A_81 = arith.constant 1 : i32
      scf.for %scan3A_83 = %scan3A_78 to %scan3A_80 step %scan3A_81  : i32 {
        %mul3A_84 = arith.constant 16 : i32
        %mul3A_85 = arith.muli %scan3A_83, %mul3A_84 : i32
        %add3A_86 = arith.constant 0 : i32
        %add3A_87 = arith.addi %add3A_86, %mul3A_85 : i32
        %broadcast_in_dim3A = arith.constant 0.000000e+00 : f32
        %broadcast_in_dim3A_88 = vector.broadcast %broadcast_in_dim3A : f32 to vector<16xf32>
        %swap3A = arith.index_cast %add3A_77 : i32 to index
        %swap3A_89 = arith.index_cast %add3A_87 : i32 to index
        %swap3A_90 = tpu.vector_load %arg9[%swap3A, %swap3A_89] {strides = array<i32>} : memref<80x128xf32, #tpu.memory_space<vmem>>, vector<1x16xf32>,
        %swap3A_91 = vector.shape_cast %swap3A_90 : vector<1x16xf32> to vector<16xf32>
        %swap3A_92 = vector.shape_cast %broadcast_in_dim3A_88 : vector<16xf32> to vector<1x16xf32>
        tpu.vector_store %arg9[%swap3A, %swap3A_89], %swap3A_92 {strides = array<i32>} : memref<80x128xf32, #tpu.memory_space<vmem>>, vector<1x16xf32>,
      }
      %scan3A_82 = arith.constant 8 : i32
    }
    %scan3A_3 = arith.constant 80 : i32
    %sub3A = arith.constant 125 : i32
    %sub3A_4 = arith.subi %sub3A, %arg1 : i32
    %sub3A_5 = arith.constant 16 : i32
    %sub3A_6 = arith.constant 1 : i32
    %sub3A_7 = arith.subi %sub3A_5, %sub3A_6 : i32
    %add3A = arith.addi %sub3A_4, %sub3A_7 : i32
    %div3A = arith.constant 16 : i32
    %div3A_8 = arith.divsi %add3A, %div3A : i32
    %while3A = arith.constant 16 : i32
    %while3A_9 = arith.constant 0 : i32
    %while3A_10 = arith.subi %div3A_8, %while3A_9 : i32
    %while3A_11 = arith.addi %while3A_9, %while3A_10 : i32
    %while3A_12 = arith.constant 1 : i32
    %while3A_13 = arith.divsi %while3A_10, %while3A_12 : i32
    %while3A_14 = arith.muli %while3A_13, %while3A_12 : i32
    %while3A_15 = arith.addi %while3A_9, %while3A_14 : i32
    %while3A_16 = arith.constant 1 : i32
    scf.for %while3A_73 = %while3A_9 to %while3A_15 step %while3A_16  : i32 {
      %mul3A_74 = arith.muli %while3A_73, %while3A : i32
      %add3A_75 = arith.addi %arg1, %mul3A_74 : i32
      %mul3A_76 = arith.constant 80 : i32
      %mul3A_77 = arith.muli %add3A_75, %mul3A_76 : i32
      "tpu.region"() ({
        %run_scoped3A_78 = tpu.sem_alloc : memref<!tpu.dma_semaphore, #tpu.memory_space<semaphore_mem>>
        %dma_start3A_79 = arith.constant 0 : i32
        %dma_start3A_80 = tpu.memref_slice %arg10[%mul3A_77, %dma_start3A_79] : memref<10000x128xf32, #tpu.memory_space<vmem_shared>> -> memref<80x128xf32, #tpu.memory_space<vmem_shared>>
        %dma_start3A_81 = arith.constant 0 : i32
        %dma_start3A_82 = tpu.memref_slice %arg10[%mul3A_77, %dma_start3A_81] : memref<10000x128xf32, #tpu.memory_space<vmem_shared>> -> memref<80x128xf32, #tpu.memory_space<vmem_shared>>
        tpu.enqueue_dma source(%arg9 : memref<80x128xf32, #tpu.memory_space<vmem>>) target(%dma_start3A_82 : memref<80x128xf32, #tpu.memory_space<vmem_shared>>) target_semaphore(%run_scoped3A_78 : memref<!tpu.dma_semaphore, #tpu.memory_space<semaphore_mem>>)
        %dma_wait3A_83 = arith.constant 0 : i32
        %dma_wait3A_84 = tpu.memref_slice %arg10[%mul3A_77, %dma_wait3A_83] : memref<10000x128xf32, #tpu.memory_space<vmem_shared>> -> memref<80x128xf32, #tpu.memory_space<vmem_shared>>
        %dma_wait3A_85 = arith.constant 0 : i32
        %dma_wait3A_86 = tpu.memref_slice %arg10[%mul3A_77, %dma_wait3A_85] : memref<10000x128xf32, #tpu.memory_space<vmem_shared>> -> memref<80x128xf32, #tpu.memory_space<vmem_shared>>
        tpu.wait_dma2 semaphore(%run_scoped3A_78 : memref<!tpu.dma_semaphore, #tpu.memory_space<semaphore_mem>>) src(%arg9 : memref<80x128xf32, #tpu.memory_space<vmem>>) dst(%dma_wait3A_86 : memref<80x128xf32, #tpu.memory_space<vmem_shared>>)
        tpu.yield
      }) : () -> ()
    }
    %while3A_17 = arith.constant 1 : i32
    scf.for %while3A_73 = %while3A_15 to %while3A_11 step %while3A_17  : i32 {
      %mul3A_74 = arith.muli %while3A_73, %while3A : i32
      %add3A_75 = arith.addi %arg1, %mul3A_74 : i32
      %mul3A_76 = arith.constant 80 : i32
      %mul3A_77 = arith.muli %add3A_75, %mul3A_76 : i32
      "tpu.region"() ({
        %run_scoped3A_78 = tpu.sem_alloc : memref<!tpu.dma_semaphore, #tpu.memory_space<semaphore_mem>>
        %dma_start3A_79 = arith.constant 0 : i32
        %dma_start3A_80 = tpu.memref_slice %arg10[%mul3A_77, %dma_start3A_79] : memref<10000x128xf32, #tpu.memory_space<vmem_shared>> -> memref<80x128xf32, #tpu.memory_space<vmem_shared>>
        %dma_start3A_81 = arith.constant 0 : i32
        %dma_start3A_82 = tpu.memref_slice %arg10[%mul3A_77, %dma_start3A_81] : memref<10000x128xf32, #tpu.memory_space<vmem_shared>> -> memref<80x128xf32, #tpu.memory_space<vmem_shared>>
        tpu.enqueue_dma source(%arg9 : memref<80x128xf32, #tpu.memory_space<vmem>>) target(%dma_start3A_82 : memref<80x128xf32, #tpu.memory_space<vmem_shared>>) target_semaphore(%run_scoped3A_78 : memref<!tpu.dma_semaphore, #tpu.memory_space<semaphore_mem>>)
        %dma_wait3A_83 = arith.constant 0 : i32
        %dma_wait3A_84 = tpu.memref_slice %arg10[%mul3A_77, %dma_wait3A_83] : memref<10000x128xf32, #tpu.memory_space<vmem_shared>> -> memref<80x128xf32, #tpu.memory_space<vmem_shared>>
        %dma_wait3A_85 = arith.constant 0 : i32
        %dma_wait3A_86 = tpu.memref_slice %arg10[%mul3A_77, %dma_wait3A_85] : memref<10000x128xf32, #tpu.memory_space<vmem_shared>> -> memref<80x128xf32, #tpu.memory_space<vmem_shared>>
        tpu.wait_dma2 semaphore(%run_scoped3A_78 : memref<!tpu.dma_semaphore, #tpu.memory_space<semaphore_mem>>) src(%arg9 : memref<80x128xf32, #tpu.memory_space<vmem>>) dst(%dma_wait3A_86 : memref<80x128xf32, #tpu.memory_space<vmem_shared>>)
        tpu.yield
      }) : () -> ()
    }
    %barrier3A = arith.constant 0 : index
    tpu.barrier barrier_id(%barrier3A)
    %mul3A = arith.constant 16 : i32
    %mul3A_18 = arith.muli %arg0, %mul3A : i32
    %add3A_19 = arith.addi %mul3A_18, %arg1 : i32
    %mul3A_20 = arith.constant 10000 : i32
    %mul3A_21 = arith.muli %add3A_19, %mul3A_20 : i32
    %add3A_22 = arith.constant 0 : i32
    %add3A_23 = arith.addi %mul3A_21, %add3A_22 : i32
    %run_scoped3A = arith.constant 0 : i32
    "tpu.region"() ({
      %run_scoped3A_73 = tpu.sem_alloc : memref<!tpu.dma_semaphore, #tpu.memory_space<semaphore_mem>>
      %dma_start3A_74 = arith.constant 0 : i32
      %dma_start3A_75 = tpu.memref_slice %arg6[%run_scoped3A, %dma_start3A_74] : memref<2x80xi32, #tpu.memory_space<vmem>> -> memref<1x80xi32, #tpu.memory_space<vmem>>
      %dma_start3A_76 = tpu.memref_squeeze %dma_start3A_75 : memref<1x80xi32, #tpu.memory_space<vmem>> -> memref<80xi32, #tpu.memory_space<vmem>>
      %dma_start3A_77 = tpu.memref_slice %arg3[%add3A_23] : memref<320000xi32, #tpu.memory_space<hbm>> -> memref<80xi32, #tpu.memory_space<hbm>>
      %dma_start3A_78 = arith.constant 0 : i32
      %dma_start3A_79 = tpu.memref_slice %arg6[%run_scoped3A, %dma_start3A_78] : memref<2x80xi32, #tpu.memory_space<vmem>> -> memref<1x80xi32, #tpu.memory_space<vmem>>
      %dma_start3A_80 = tpu.memref_squeeze %dma_start3A_79 : memref<1x80xi32, #tpu.memory_space<vmem>> -> memref<80xi32, #tpu.memory_space<vmem>>
      %dma_start3A_81 = tpu.memref_slice %arg3[%add3A_23] : memref<320000xi32, #tpu.memory_space<hbm>> -> memref<80xi32, #tpu.memory_space<hbm>>
      tpu.enqueue_dma source(%dma_start3A_81 : memref<80xi32, #tpu.memory_space<hbm>>) target(%dma_start3A_80 : memref<80xi32, #tpu.memory_space<vmem>>) target_semaphore(%run_scoped3A_73 : memref<!tpu.dma_semaphore, #tpu.memory_space<semaphore_mem>>)
      %dma_wait3A_82 = arith.constant 0 : i32
      %dma_wait3A_83 = tpu.memref_slice %arg6[%run_scoped3A, %dma_wait3A_82] : memref<2x80xi32, #tpu.memory_space<vmem>> -> memref<1x80xi32, #tpu.memory_space<vmem>>
      %dma_wait3A_84 = tpu.memref_squeeze %dma_wait3A_83 : memref<1x80xi32, #tpu.memory_space<vmem>> -> memref<80xi32, #tpu.memory_space<vmem>>
      %dma_wait3A_85 = tpu.memref_slice %arg3[%add3A_23] : memref<320000xi32, #tpu.memory_space<hbm>> -> memref<80xi32, #tpu.memory_space<hbm>>
      %dma_wait3A_86 = arith.constant 0 : i32
      %dma_wait3A_87 = tpu.memref_slice %arg6[%run_scoped3A, %dma_wait3A_86] : memref<2x80xi32, #tpu.memory_space<vmem>> -> memref<1x80xi32, #tpu.memory_space<vmem>>
      %dma_wait3A_88 = tpu.memref_squeeze %dma_wait3A_87 : memref<1x80xi32, #tpu.memory_space<vmem>> -> memref<80xi32, #tpu.memory_space<vmem>>
      %dma_wait3A_89 = tpu.memref_slice %arg3[%add3A_23] : memref<320000xi32, #tpu.memory_space<hbm>> -> memref<80xi32, #tpu.memory_space<hbm>>
      tpu.wait_dma2 semaphore(%run_scoped3A_73 : memref<!tpu.dma_semaphore, #tpu.memory_space<semaphore_mem>>) src(%dma_wait3A_89 : memref<80xi32, #tpu.memory_space<hbm>>) dst(%dma_wait3A_88 : memref<80xi32, #tpu.memory_space<vmem>>)
      tpu.yield
    }) : () -> ()
    %run_scoped3A_24 = arith.constant 0 : i32
    "tpu.region"() ({
      %run_scoped3A_73 = tpu.sem_alloc : memref<!tpu.dma_semaphore, #tpu.memory_space<semaphore_mem>>
      %dma_start3A_74 = arith.constant 0 : i32
      %dma_start3A_75 = tpu.memref_slice %arg7[%run_scoped3A_24, %dma_start3A_74] : memref<2x80xi32, #tpu.memory_space<vmem>> -> memref<1x80xi32, #tpu.memory_space<vmem>>
      %dma_start3A_76 = tpu.memref_squeeze %dma_start3A_75 : memref<1x80xi32, #tpu.memory_space<vmem>> -> memref<80xi32, #tpu.memory_space<vmem>>
      %dma_start3A_77 = tpu.memref_slice %arg4[%add3A_23] : memref<320000xi32, #tpu.memory_space<hbm>> -> memref<80xi32, #tpu.memory_space<hbm>>
      %dma_start3A_78 = arith.constant 0 : i32
      %dma_start3A_79 = tpu.memref_slice %arg7[%run_scoped3A_24, %dma_start3A_78] : memref<2x80xi32, #tpu.memory_space<vmem>> -> memref<1x80xi32, #tpu.memory_space<vmem>>
      %dma_start3A_80 = tpu.memref_squeeze %dma_start3A_79 : memref<1x80xi32, #tpu.memory_space<vmem>> -> memref<80xi32, #tpu.memory_space<vmem>>
      %dma_start3A_81 = tpu.memref_slice %arg4[%add3A_23] : memref<320000xi32, #tpu.memory_space<hbm>> -> memref<80xi32, #tpu.memory_space<hbm>>
      tpu.enqueue_dma source(%dma_start3A_81 : memref<80xi32, #tpu.memory_space<hbm>>) target(%dma_start3A_80 : memref<80xi32, #tpu.memory_space<vmem>>) target_semaphore(%run_scoped3A_73 : memref<!tpu.dma_semaphore, #tpu.memory_space<semaphore_mem>>)
      %dma_wait3A_82 = arith.constant 0 : i32
      %dma_wait3A_83 = tpu.memref_slice %arg7[%run_scoped3A_24, %dma_wait3A_82] : memref<2x80xi32, #tpu.memory_space<vmem>> -> memref<1x80xi32, #tpu.memory_space<vmem>>
      %dma_wait3A_84 = tpu.memref_squeeze %dma_wait3A_83 : memref<1x80xi32, #tpu.memory_space<vmem>> -> memref<80xi32, #tpu.memory_space<vmem>>
      %dma_wait3A_85 = tpu.memref_slice %arg4[%add3A_23] : memref<320000xi32, #tpu.memory_space<hbm>> -> memref<80xi32, #tpu.memory_space<hbm>>
      %dma_wait3A_86 = arith.constant 0 : i32
      %dma_wait3A_87 = tpu.memref_slice %arg7[%run_scoped3A_24, %dma_wait3A_86] : memref<2x80xi32, #tpu.memory_space<vmem>> -> memref<1x80xi32, #tpu.memory_space<vmem>>
      %dma_wait3A_88 = tpu.memref_squeeze %dma_wait3A_87 : memref<1x80xi32, #tpu.memory_space<vmem>> -> memref<80xi32, #tpu.memory_space<vmem>>
      %dma_wait3A_89 = tpu.memref_slice %arg4[%add3A_23] : memref<320000xi32, #tpu.memory_space<hbm>> -> memref<80xi32, #tpu.memory_space<hbm>>
      tpu.wait_dma2 semaphore(%run_scoped3A_73 : memref<!tpu.dma_semaphore, #tpu.memory_space<semaphore_mem>>) src(%dma_wait3A_89 : memref<80xi32, #tpu.memory_space<hbm>>) dst(%dma_wait3A_88 : memref<80xi32, #tpu.memory_space<vmem>>)
      tpu.yield
    }) : () -> ()
    %dma_start3A = arith.constant 0 : i32
    %dma_start3A_25 = arith.constant 0 : i32
    %dma_start3A_26 = arith.constant 0 : i32
    %dma_start3A_27 = arith.constant 0 : i32
    %dma_start3A_28 = tpu.memref_slice %arg8[%dma_start3A_25, %dma_start3A_26, %dma_start3A_27] : memref<2x80x128xf32, #tpu.memory_space<vmem>> -> memref<1x80x128xf32, #tpu.memory_space<vmem>>
    %dma_start3A_29 = tpu.memref_squeeze %dma_start3A_28 : memref<1x80x128xf32, #tpu.memory_space<vmem>> -> memref<80x128xf32, #tpu.memory_space<vmem>>
    %dma_start3A_30 = arith.constant 0 : i32
    %dma_start3A_31 = tpu.memref_slice %arg6[%dma_start3A, %dma_start3A_30] : memref<2x80xi32, #tpu.memory_space<vmem>> -> memref<1x80xi32, #tpu.memory_space<vmem>>
    %dma_start3A_32 = tpu.memref_squeeze %dma_start3A_31 : memref<1x80xi32, #tpu.memory_space<vmem>> -> memref<80xi32, #tpu.memory_space<vmem>>
    %dma_start3A_33 = arith.constant 0 : i32
    %dma_start3A_34 = arith.constant 0 : i32
    %dma_start3A_35 = tpu.memref_slice %arg2[%dma_start3A_33, %dma_start3A_34] : memref<10000x128xf32, #tpu.memory_space<hbm>> -> memref<10000x128xf32, #tpu.memory_space<hbm>>
    tpu.enqueue_indirect_dma source(%dma_start3A_35 : memref<10000x128xf32, #tpu.memory_space<hbm>>) target(%dma_start3A_29 : memref<80x128xf32, #tpu.memory_space<vmem>>) offsets(%dma_start3A_32 : memref<80xi32, #tpu.memory_space<vmem>>) semaphore(%arg11 : memref<!tpu.dma_semaphore, #tpu.memory_space<semaphore_mem>>)
    %scan3A_36 = arith.constant 0 : i32
    %scan3A_37 = arith.constant 62 : i32
    %scan3A_38 = arith.addi %scan3A_36, %scan3A_37 : i32
    %scan3A_39 = arith.constant 1 : i32
    scf.for %scan3A_73 = %scan3A_36 to %scan3A_38 step %scan3A_39  : i32 {
      %mul3A_74 = arith.constant 2 : i32
      %mul3A_75 = arith.muli %scan3A_73, %mul3A_74 : i32
      %add3A_76 = arith.constant 0 : i32
      %add3A_77 = arith.addi %add3A_76, %mul3A_75 : i32
      %add3A_78 = arith.constant 0 : i32
      %add3A_79 = arith.addi %add3A_77, %add3A_78 : i32
      %add3A_80 = arith.constant 1 : i32
      %add3A_81 = arith.addi %add3A_79, %add3A_80 : i32
      %mul3A_82 = arith.constant 80 : i32
      %mul3A_83 = arith.muli %add3A_81, %mul3A_82 : i32
      %add3A_84 = arith.addi %mul3A_21, %mul3A_83 : i32
      %run_scoped3A_85 = arith.constant 1 : i32
      "tpu.region"() ({
        %run_scoped3A_148 = tpu.sem_alloc : memref<!tpu.dma_semaphore, #tpu.memory_space<semaphore_mem>>
        %dma_start3A_149 = arith.constant 0 : i32
        %dma_start3A_150 = tpu.memref_slice %arg6[%run_scoped3A_85, %dma_start3A_149] : memref<2x80xi32, #tpu.memory_space<vmem>> -> memref<1x80xi32, #tpu.memory_space<vmem>>
        %dma_start3A_151 = tpu.memref_squeeze %dma_start3A_150 : memref<1x80xi32, #tpu.memory_space<vmem>> -> memref<80xi32, #tpu.memory_space<vmem>>
        %dma_start3A_152 = tpu.memref_slice %arg3[%add3A_84] : memref<320000xi32, #tpu.memory_space<hbm>> -> memref<80xi32, #tpu.memory_space<hbm>>
        %dma_start3A_153 = arith.constant 0 : i32
        %dma_start3A_154 = tpu.memref_slice %arg6[%run_scoped3A_85, %dma_start3A_153] : memref<2x80xi32, #tpu.memory_space<vmem>> -> memref<1x80xi32, #tpu.memory_space<vmem>>
        %dma_start3A_155 = tpu.memref_squeeze %dma_start3A_154 : memref<1x80xi32, #tpu.memory_space<vmem>> -> memref<80xi32, #tpu.memory_space<vmem>>
        %dma_start3A_156 = tpu.memref_slice %arg3[%add3A_84] : memref<320000xi32, #tpu.memory_space<hbm>> -> memref<80xi32, #tpu.memory_space<hbm>>
        tpu.enqueue_dma source(%dma_start3A_156 : memref<80xi32, #tpu.memory_space<hbm>>) target(%dma_start3A_155 : memref<80xi32, #tpu.memory_space<vmem>>) target_semaphore(%run_scoped3A_148 : memref<!tpu.dma_semaphore, #tpu.memory_space<semaphore_mem>>)
        %dma_wait3A_157 = arith.constant 0 : i32
        %dma_wait3A_158 = tpu.memref_slice %arg6[%run_scoped3A_85, %dma_wait3A_157] : memref<2x80xi32, #tpu.memory_space<vmem>> -> memref<1x80xi32, #tpu.memory_space<vmem>>
        %dma_wait3A_159 = tpu.memref_squeeze %dma_wait3A_158 : memref<1x80xi32, #tpu.memory_space<vmem>> -> memref<80xi32, #tpu.memory_space<vmem>>
        %dma_wait3A_160 = tpu.memref_slice %arg3[%add3A_84] : memref<320000xi32, #tpu.memory_space<hbm>> -> memref<80xi32, #tpu.memory_space<hbm>>
        %dma_wait3A_161 = arith.constant 0 : i32
        %dma_wait3A_162 = tpu.memref_slice %arg6[%run_scoped3A_85, %dma_wait3A_161] : memref<2x80xi32, #tpu.memory_space<vmem>> -> memref<1x80xi32, #tpu.memory_space<vmem>>
        %dma_wait3A_163 = tpu.memref_squeeze %dma_wait3A_162 : memref<1x80xi32, #tpu.memory_space<vmem>> -> memref<80xi32, #tpu.memory_space<vmem>>
        %dma_wait3A_164 = tpu.memref_slice %arg3[%add3A_84] : memref<320000xi32, #tpu.memory_space<hbm>> -> memref<80xi32, #tpu.memory_space<hbm>>
        tpu.wait_dma2 semaphore(%run_scoped3A_148 : memref<!tpu.dma_semaphore, #tpu.memory_space<semaphore_mem>>) src(%dma_wait3A_164 : memref<80xi32, #tpu.memory_space<hbm>>) dst(%dma_wait3A_163 : memref<80xi32, #tpu.memory_space<vmem>>)
        tpu.yield
      }) : () -> ()
      %run_scoped3A_86 = arith.constant 1 : i32
      "tpu.region"() ({
        %run_scoped3A_148 = tpu.sem_alloc : memref<!tpu.dma_semaphore, #tpu.memory_space<semaphore_mem>>
        %dma_start3A_149 = arith.constant 0 : i32
        %dma_start3A_150 = tpu.memref_slice %arg7[%run_scoped3A_86, %dma_start3A_149] : memref<2x80xi32, #tpu.memory_space<vmem>> -> memref<1x80xi32, #tpu.memory_space<vmem>>
        %dma_start3A_151 = tpu.memref_squeeze %dma_start3A_150 : memref<1x80xi32, #tpu.memory_space<vmem>> -> memref<80xi32, #tpu.memory_space<vmem>>
        %dma_start3A_152 = tpu.memref_slice %arg4[%add3A_84] : memref<320000xi32, #tpu.memory_space<hbm>> -> memref<80xi32, #tpu.memory_space<hbm>>
        %dma_start3A_153 = arith.constant 0 : i32
        %dma_start3A_154 = tpu.memref_slice %arg7[%run_scoped3A_86, %dma_start3A_153] : memref<2x80xi32, #tpu.memory_space<vmem>> -> memref<1x80xi32, #tpu.memory_space<vmem>>
        %dma_start3A_155 = tpu.memref_squeeze %dma_start3A_154 : memref<1x80xi32, #tpu.memory_space<vmem>> -> memref<80xi32, #tpu.memory_space<vmem>>
        %dma_start3A_156 = tpu.memref_slice %arg4[%add3A_84] : memref<320000xi32, #tpu.memory_space<hbm>> -> memref<80xi32, #tpu.memory_space<hbm>>
        tpu.enqueue_dma source(%dma_start3A_156 : memref<80xi32, #tpu.memory_space<hbm>>) target(%dma_start3A_155 : memref<80xi32, #tpu.memory_space<vmem>>) target_semaphore(%run_scoped3A_148 : memref<!tpu.dma_semaphore, #tpu.memory_space<semaphore_mem>>)
        %dma_wait3A_157 = arith.constant 0 : i32
        %dma_wait3A_158 = tpu.memref_slice %arg7[%run_scoped3A_86, %dma_wait3A_157] : memref<2x80xi32, #tpu.memory_space<vmem>> -> memref<1x80xi32, #tpu.memory_space<vmem>>
        %dma_wait3A_159 = tpu.memref_squeeze %dma_wait3A_158 : memref<1x80xi32, #tpu.memory_space<vmem>> -> memref<80xi32, #tpu.memory_space<vmem>>
        %dma_wait3A_160 = tpu.memref_slice %arg4[%add3A_84] : memref<320000xi32, #tpu.memory_space<hbm>> -> memref<80xi32, #tpu.memory_space<hbm>>
        %dma_wait3A_161 = arith.constant 0 : i32
        %dma_wait3A_162 = tpu.memref_slice %arg7[%run_scoped3A_86, %dma_wait3A_161] : memref<2x80xi32, #tpu.memory_space<vmem>> -> memref<1x80xi32, #tpu.memory_space<vmem>>
        %dma_wait3A_163 = tpu.memref_squeeze %dma_wait3A_162 : memref<1x80xi32, #tpu.memory_space<vmem>> -> memref<80xi32, #tpu.memory_space<vmem>>
        %dma_wait3A_164 = tpu.memref_slice %arg4[%add3A_84] : memref<320000xi32, #tpu.memory_space<hbm>> -> memref<80xi32, #tpu.memory_space<hbm>>
        tpu.wait_dma2 semaphore(%run_scoped3A_148 : memref<!tpu.dma_semaphore, #tpu.memory_space<semaphore_mem>>) src(%dma_wait3A_164 : memref<80xi32, #tpu.memory_space<hbm>>) dst(%dma_wait3A_163 : memref<80xi32, #tpu.memory_space<vmem>>)
        tpu.yield
      }) : () -> ()
      %dma_start3A_87 = arith.constant 1 : i32
      %dma_start3A_88 = arith.constant 1 : i32
      %dma_start3A_89 = arith.constant 0 : i32
      %dma_start3A_90 = arith.constant 0 : i32
      %dma_start3A_91 = tpu.memref_slice %arg8[%dma_start3A_88, %dma_start3A_89, %dma_start3A_90] : memref<2x80x128xf32, #tpu.memory_space<vmem>> -> memref<1x80x128xf32, #tpu.memory_space<vmem>>
      %dma_start3A_92 = tpu.memref_squeeze %dma_start3A_91 : memref<1x80x128xf32, #tpu.memory_space<vmem>> -> memref<80x128xf32, #tpu.memory_space<vmem>>
      %dma_start3A_93 = arith.constant 0 : i32
      %dma_start3A_94 = tpu.memref_slice %arg6[%dma_start3A_87, %dma_start3A_93] : memref<2x80xi32, #tpu.memory_space<vmem>> -> memref<1x80xi32, #tpu.memory_space<vmem>>
      %dma_start3A_95 = tpu.memref_squeeze %dma_start3A_94 : memref<1x80xi32, #tpu.memory_space<vmem>> -> memref<80xi32, #tpu.memory_space<vmem>>
      %dma_start3A_96 = arith.constant 0 : i32
      %dma_start3A_97 = arith.constant 0 : i32
      %dma_start3A_98 = tpu.memref_slice %arg2[%dma_start3A_96, %dma_start3A_97] : memref<10000x128xf32, #tpu.memory_space<hbm>> -> memref<10000x128xf32, #tpu.memory_space<hbm>>
      tpu.enqueue_indirect_dma source(%dma_start3A_98 : memref<10000x128xf32, #tpu.memory_space<hbm>>) target(%dma_start3A_92 : memref<80x128xf32, #tpu.memory_space<vmem>>) offsets(%dma_start3A_95 : memref<80xi32, #tpu.memory_space<vmem>>) semaphore(%arg12 : memref<!tpu.dma_semaphore, #tpu.memory_space<semaphore_mem>>)
      %dma_wait3A_99 = arith.constant 0 : i32
      %dma_wait3A_100 = arith.constant 0 : i32
      %dma_wait3A_101 = arith.constant 0 : i32
      %dma_wait3A_102 = arith.constant 0 : i32
      %dma_wait3A_103 = tpu.memref_slice %arg8[%dma_wait3A_100, %dma_wait3A_101, %dma_wait3A_102] : memref<2x80x128xf32, #tpu.memory_space<vmem>> -> memref<1x80x128xf32, #tpu.memory_space<vmem>>
      %dma_wait3A_104 = tpu.memref_squeeze %dma_wait3A_103 : memref<1x80x128xf32, #tpu.memory_space<vmem>> -> memref<80x128xf32, #tpu.memory_space<vmem>>
      %dma_wait3A_105 = arith.constant 0 : i32
      %dma_wait3A_106 = tpu.memref_slice %arg6[%dma_wait3A_99, %dma_wait3A_105] : memref<2x80xi32, #tpu.memory_space<vmem>> -> memref<1x80xi32, #tpu.memory_space<vmem>>
      %dma_wait3A_107 = tpu.memref_squeeze %dma_wait3A_106 : memref<1x80xi32, #tpu.memory_space<vmem>> -> memref<80xi32, #tpu.memory_space<vmem>>
      %dma_wait3A_108 = arith.constant 0 : i32
      %dma_wait3A_109 = arith.constant 0 : i32
      %dma_wait3A_110 = tpu.memref_slice %arg2[%dma_wait3A_108, %dma_wait3A_109] : memref<10000x128xf32, #tpu.memory_space<hbm>> -> memref<10000x128xf32, #tpu.memory_space<hbm>>
      tpu.wait_indirect_dma semaphore(%arg11 : memref<!tpu.dma_semaphore, #tpu.memory_space<semaphore_mem>>) src(%dma_wait3A_110 : memref<10000x128xf32, #tpu.memory_space<hbm>>) dst(%dma_wait3A_104 : memref<80x128xf32, #tpu.memory_space<vmem>>)
      %run_scoped3A_111 = arith.constant 0 : i32
      %run_scoped3A_112 = arith.constant 0 : i32
      "tpu.region"() ({
        %run_scoped3A_148 = tpu.sem_alloc : memref<!tpu.dma_semaphore, #tpu.memory_space<semaphore_mem>>
        %dma_start3A_149 = arith.constant 0 : i32
        %dma_start3A_150 = arith.constant 0 : i32
        %dma_start3A_151 = tpu.memref_slice %arg8[%run_scoped3A_111, %dma_start3A_149, %dma_start3A_150] : memref<2x80x128xf32, #tpu.memory_space<vmem>> -> memref<1x80x128xf32, #tpu.memory_space<vmem>>
        %dma_start3A_152 = tpu.memref_squeeze %dma_start3A_151 : memref<1x80x128xf32, #tpu.memory_space<vmem>> -> memref<80x128xf32, #tpu.memory_space<vmem>>
        %dma_start3A_153 = arith.constant 0 : i32
        %dma_start3A_154 = tpu.memref_slice %arg7[%run_scoped3A_112, %dma_start3A_153] : memref<2x80xi32, #tpu.memory_space<vmem>> -> memref<1x80xi32, #tpu.memory_space<vmem>>
        %dma_start3A_155 = tpu.memref_squeeze %dma_start3A_154 : memref<1x80xi32, #tpu.memory_space<vmem>> -> memref<80xi32, #tpu.memory_space<vmem>>
        %dma_start3A_156 = arith.constant 0 : i32
        %dma_start3A_157 = arith.constant 0 : i32
        %dma_start3A_158 = tpu.memref_slice %arg10[%dma_start3A_156, %dma_start3A_157] : memref<10000x128xf32, #tpu.memory_space<vmem_shared>> -> memref<10000x128xf32, #tpu.memory_space<vmem_shared>>
        tpu.enqueue_indirect_dma source(%dma_start3A_152 : memref<80x128xf32, #tpu.memory_space<vmem>>) target(%dma_start3A_158 : memref<10000x128xf32, #tpu.memory_space<vmem_shared>>) offsets(%dma_start3A_155 : memref<80xi32, #tpu.memory_space<vmem>>) semaphore(%run_scoped3A_148 : memref<!tpu.dma_semaphore, #tpu.memory_space<semaphore_mem>>) {add = true}
        %dma_wait3A_159 = arith.constant 0 : i32
        %dma_wait3A_160 = arith.constant 0 : i32
        %dma_wait3A_161 = tpu.memref_slice %arg8[%run_scoped3A_111, %dma_wait3A_159, %dma_wait3A_160] : memref<2x80x128xf32, #tpu.memory_space<vmem>> -> memref<1x80x128xf32, #tpu.memory_space<vmem>>
        %dma_wait3A_162 = tpu.memref_squeeze %dma_wait3A_161 : memref<1x80x128xf32, #tpu.memory_space<vmem>> -> memref<80x128xf32, #tpu.memory_space<vmem>>
        %dma_wait3A_163 = arith.constant 0 : i32
        %dma_wait3A_164 = tpu.memref_slice %arg7[%run_scoped3A_112, %dma_wait3A_163] : memref<2x80xi32, #tpu.memory_space<vmem>> -> memref<1x80xi32, #tpu.memory_space<vmem>>
        %dma_wait3A_165 = tpu.memref_squeeze %dma_wait3A_164 : memref<1x80xi32, #tpu.memory_space<vmem>> -> memref<80xi32, #tpu.memory_space<vmem>>
        %dma_wait3A_166 = arith.constant 0 : i32
        %dma_wait3A_167 = arith.constant 0 : i32
        %dma_wait3A_168 = tpu.memref_slice %arg10[%dma_wait3A_166, %dma_wait3A_167] : memref<10000x128xf32, #tpu.memory_space<vmem_shared>> -> memref<10000x128xf32, #tpu.memory_space<vmem_shared>>
        tpu.wait_indirect_dma semaphore(%run_scoped3A_148 : memref<!tpu.dma_semaphore, #tpu.memory_space<semaphore_mem>>) src(%dma_wait3A_162 : memref<80x128xf32, #tpu.memory_space<vmem>>) dst(%dma_wait3A_168 : memref<10000x128xf32, #tpu.memory_space<vmem_shared>>)
        tpu.yield
      }) : () -> ()
      %add3A_113 = arith.constant 1 : i32
      %add3A_114 = arith.addi %add3A_77, %add3A_113 : i32
      %add3A_115 = arith.constant 1 : i32
      %add3A_116 = arith.addi %add3A_114, %add3A_115 : i32
      %mul3A_117 = arith.constant 80 : i32
      %mul3A_118 = arith.muli %add3A_116, %mul3A_117 : i32
      %add3A_119 = arith.addi %mul3A_21, %mul3A_118 : i32
      %run_scoped3A_120 = arith.constant 0 : i32
      "tpu.region"() ({
        %run_scoped3A_148 = tpu.sem_alloc : memref<!tpu.dma_semaphore, #tpu.memory_space<semaphore_mem>>
        %dma_start3A_149 = arith.constant 0 : i32
        %dma_start3A_150 = tpu.memref_slice %arg6[%run_scoped3A_120, %dma_start3A_149] : memref<2x80xi32, #tpu.memory_space<vmem>> -> memref<1x80xi32, #tpu.memory_space<vmem>>
        %dma_start3A_151 = tpu.memref_squeeze %dma_start3A_150 : memref<1x80xi32, #tpu.memory_space<vmem>> -> memref<80xi32, #tpu.memory_space<vmem>>
        %dma_start3A_152 = tpu.memref_slice %arg3[%add3A_119] : memref<320000xi32, #tpu.memory_space<hbm>> -> memref<80xi32, #tpu.memory_space<hbm>>
        %dma_start3A_153 = arith.constant 0 : i32
        %dma_start3A_154 = tpu.memref_slice %arg6[%run_scoped3A_120, %dma_start3A_153] : memref<2x80xi32, #tpu.memory_space<vmem>> -> memref<1x80xi32, #tpu.memory_space<vmem>>
        %dma_start3A_155 = tpu.memref_squeeze %dma_start3A_154 : memref<1x80xi32, #tpu.memory_space<vmem>> -> memref<80xi32, #tpu.memory_space<vmem>>
        %dma_start3A_156 = tpu.memref_slice %arg3[%add3A_119] : memref<320000xi32, #tpu.memory_space<hbm>> -> memref<80xi32, #tpu.memory_space<hbm>>
        tpu.enqueue_dma source(%dma_start3A_156 : memref<80xi32, #tpu.memory_space<hbm>>) target(%dma_start3A_155 : memref<80xi32, #tpu.memory_space<vmem>>) target_semaphore(%run_scoped3A_148 : memref<!tpu.dma_semaphore, #tpu.memory_space<semaphore_mem>>)
        %dma_wait3A_157 = arith.constant 0 : i32
        %dma_wait3A_158 = tpu.memref_slice %arg6[%run_scoped3A_120, %dma_wait3A_157] : memref<2x80xi32, #tpu.memory_space<vmem>> -> memref<1x80xi32, #tpu.memory_space<vmem>>
        %dma_wait3A_159 = tpu.memref_squeeze %dma_wait3A_158 : memref<1x80xi32, #tpu.memory_space<vmem>> -> memref<80xi32, #tpu.memory_space<vmem>>
        %dma_wait3A_160 = tpu.memref_slice %arg3[%add3A_119] : memref<320000xi32, #tpu.memory_space<hbm>> -> memref<80xi32, #tpu.memory_space<hbm>>
        %dma_wait3A_161 = arith.constant 0 : i32
        %dma_wait3A_162 = tpu.memref_slice %arg6[%run_scoped3A_120, %dma_wait3A_161] : memref<2x80xi32, #tpu.memory_space<vmem>> -> memref<1x80xi32, #tpu.memory_space<vmem>>
        %dma_wait3A_163 = tpu.memref_squeeze %dma_wait3A_162 : memref<1x80xi32, #tpu.memory_space<vmem>> -> memref<80xi32, #tpu.memory_space<vmem>>
        %dma_wait3A_164 = tpu.memref_slice %arg3[%add3A_119] : memref<320000xi32, #tpu.memory_space<hbm>> -> memref<80xi32, #tpu.memory_space<hbm>>
        tpu.wait_dma2 semaphore(%run_scoped3A_148 : memref<!tpu.dma_semaphore, #tpu.memory_space<semaphore_mem>>) src(%dma_wait3A_164 : memref<80xi32, #tpu.memory_space<hbm>>) dst(%dma_wait3A_163 : memref<80xi32, #tpu.memory_space<vmem>>)
        tpu.yield
      }) : () -> ()
      %run_scoped3A_121 = arith.constant 0 : i32
      "tpu.region"() ({
        %run_scoped3A_148 = tpu.sem_alloc : memref<!tpu.dma_semaphore, #tpu.memory_space<semaphore_mem>>
        %dma_start3A_149 = arith.constant 0 : i32
        %dma_start3A_150 = tpu.memref_slice %arg7[%run_scoped3A_121, %dma_start3A_149] : memref<2x80xi32, #tpu.memory_space<vmem>> -> memref<1x80xi32, #tpu.memory_space<vmem>>
        %dma_start3A_151 = tpu.memref_squeeze %dma_start3A_150 : memref<1x80xi32, #tpu.memory_space<vmem>> -> memref<80xi32, #tpu.memory_space<vmem>>
        %dma_start3A_152 = tpu.memref_slice %arg4[%add3A_119] : memref<320000xi32, #tpu.memory_space<hbm>> -> memref<80xi32, #tpu.memory_space<hbm>>
        %dma_start3A_153 = arith.constant 0 : i32
        %dma_start3A_154 = tpu.memref_slice %arg7[%run_scoped3A_121, %dma_start3A_153] : memref<2x80xi32, #tpu.memory_space<vmem>> -> memref<1x80xi32, #tpu.memory_space<vmem>>
        %dma_start3A_155 = tpu.memref_squeeze %dma_start3A_154 : memref<1x80xi32, #tpu.memory_space<vmem>> -> memref<80xi32, #tpu.memory_space<vmem>>
        %dma_start3A_156 = tpu.memref_slice %arg4[%add3A_119] : memref<320000xi32, #tpu.memory_space<hbm>> -> memref<80xi32, #tpu.memory_space<hbm>>
        tpu.enqueue_dma source(%dma_start3A_156 : memref<80xi32, #tpu.memory_space<hbm>>) target(%dma_start3A_155 : memref<80xi32, #tpu.memory_space<vmem>>) target_semaphore(%run_scoped3A_148 : memref<!tpu.dma_semaphore, #tpu.memory_space<semaphore_mem>>)
        %dma_wait3A_157 = arith.constant 0 : i32
        %dma_wait3A_158 = tpu.memref_slice %arg7[%run_scoped3A_121, %dma_wait3A_157] : memref<2x80xi32, #tpu.memory_space<vmem>> -> memref<1x80xi32, #tpu.memory_space<vmem>>
        %dma_wait3A_159 = tpu.memref_squeeze %dma_wait3A_158 : memref<1x80xi32, #tpu.memory_space<vmem>> -> memref<80xi32, #tpu.memory_space<vmem>>
        %dma_wait3A_160 = tpu.memref_slice %arg4[%add3A_119] : memref<320000xi32, #tpu.memory_space<hbm>> -> memref<80xi32, #tpu.memory_space<hbm>>
        %dma_wait3A_161 = arith.constant 0 : i32
        %dma_wait3A_162 = tpu.memref_slice %arg7[%run_scoped3A_121, %dma_wait3A_161] : memref<2x80xi32, #tpu.memory_space<vmem>> -> memref<1x80xi32, #tpu.memory_space<vmem>>
        %dma_wait3A_163 = tpu.memref_squeeze %dma_wait3A_162 : memref<1x80xi32, #tpu.memory_space<vmem>> -> memref<80xi32, #tpu.memory_space<vmem>>
        %dma_wait3A_164 = tpu.memref_slice %arg4[%add3A_119] : memref<320000xi32, #tpu.memory_space<hbm>> -> memref<80xi32, #tpu.memory_space<hbm>>
        tpu.wait_dma2 semaphore(%run_scoped3A_148 : memref<!tpu.dma_semaphore, #tpu.memory_space<semaphore_mem>>) src(%dma_wait3A_164 : memref<80xi32, #tpu.memory_space<hbm>>) dst(%dma_wait3A_163 : memref<80xi32, #tpu.memory_space<vmem>>)
        tpu.yield
      }) : () -> ()
      %dma_start3A_122 = arith.constant 0 : i32
      %dma_start3A_123 = arith.constant 0 : i32
      %dma_start3A_124 = arith.constant 0 : i32
      %dma_start3A_125 = arith.constant 0 : i32
      %dma_start3A_126 = tpu.memref_slice %arg8[%dma_start3A_123, %dma_start3A_124, %dma_start3A_125] : memref<2x80x128xf32, #tpu.memory_space<vmem>> -> memref<1x80x128xf32, #tpu.memory_space<vmem>>
      %dma_start3A_127 = tpu.memref_squeeze %dma_start3A_126 : memref<1x80x128xf32, #tpu.memory_space<vmem>> -> memref<80x128xf32, #tpu.memory_space<vmem>>
      %dma_start3A_128 = arith.constant 0 : i32
      %dma_start3A_129 = tpu.memref_slice %arg6[%dma_start3A_122, %dma_start3A_128] : memref<2x80xi32, #tpu.memory_space<vmem>> -> memref<1x80xi32, #tpu.memory_space<vmem>>
      %dma_start3A_130 = tpu.memref_squeeze %dma_start3A_129 : memref<1x80xi32, #tpu.memory_space<vmem>> -> memref<80xi32, #tpu.memory_space<vmem>>
      %dma_start3A_131 = arith.constant 0 : i32
      %dma_start3A_132 = arith.constant 0 : i32
      %dma_start3A_133 = tpu.memref_slice %arg2[%dma_start3A_131, %dma_start3A_132] : memref<10000x128xf32, #tpu.memory_space<hbm>> -> memref<10000x128xf32, #tpu.memory_space<hbm>>
      tpu.enqueue_indirect_dma source(%dma_start3A_133 : memref<10000x128xf32, #tpu.memory_space<hbm>>) target(%dma_start3A_127 : memref<80x128xf32, #tpu.memory_space<vmem>>) offsets(%dma_start3A_130 : memref<80xi32, #tpu.memory_space<vmem>>) semaphore(%arg11 : memref<!tpu.dma_semaphore, #tpu.memory_space<semaphore_mem>>)
      %dma_wait3A_134 = arith.constant 1 : i32
      %dma_wait3A_135 = arith.constant 1 : i32
      %dma_wait3A_136 = arith.constant 0 : i32
      %dma_wait3A_137 = arith.constant 0 : i32
      %dma_wait3A_138 = tpu.memref_slice %arg8[%dma_wait3A_135, %dma_wait3A_136, %dma_wait3A_137] : memref<2x80x128xf32, #tpu.memory_space<vmem>> -> memref<1x80x128xf32, #tpu.memory_space<vmem>>
      %dma_wait3A_139 = tpu.memref_squeeze %dma_wait3A_138 : memref<1x80x128xf32, #tpu.memory_space<vmem>> -> memref<80x128xf32, #tpu.memory_space<vmem>>
      %dma_wait3A_140 = arith.constant 0 : i32
      %dma_wait3A_141 = tpu.memref_slice %arg6[%dma_wait3A_134, %dma_wait3A_140] : memref<2x80xi32, #tpu.memory_space<vmem>> -> memref<1x80xi32, #tpu.memory_space<vmem>>
      %dma_wait3A_142 = tpu.memref_squeeze %dma_wait3A_141 : memref<1x80xi32, #tpu.memory_space<vmem>> -> memref<80xi32, #tpu.memory_space<vmem>>
      %dma_wait3A_143 = arith.constant 0 : i32
      %dma_wait3A_144 = arith.constant 0 : i32
      %dma_wait3A_145 = tpu.memref_slice %arg2[%dma_wait3A_143, %dma_wait3A_144] : memref<10000x128xf32, #tpu.memory_space<hbm>> -> memref<10000x128xf32, #tpu.memory_space<hbm>>
      tpu.wait_indirect_dma semaphore(%arg12 : memref<!tpu.dma_semaphore, #tpu.memory_space<semaphore_mem>>) src(%dma_wait3A_145 : memref<10000x128xf32, #tpu.memory_space<hbm>>) dst(%dma_wait3A_139 : memref<80x128xf32, #tpu.memory_space<vmem>>)
      %run_scoped3A_146 = arith.constant 1 : i32
      %run_scoped3A_147 = arith.constant 1 : i32
      "tpu.region"() ({
        %run_scoped3A_148 = tpu.sem_alloc : memref<!tpu.dma_semaphore, #tpu.memory_space<semaphore_mem>>
        %dma_start3A_149 = arith.constant 0 : i32
        %dma_start3A_150 = arith.constant 0 : i32
        %dma_start3A_151 = tpu.memref_slice %arg8[%run_scoped3A_146, %dma_start3A_149, %dma_start3A_150] : memref<2x80x128xf32, #tpu.memory_space<vmem>> -> memref<1x80x128xf32, #tpu.memory_space<vmem>>
        %dma_start3A_152 = tpu.memref_squeeze %dma_start3A_151 : memref<1x80x128xf32, #tpu.memory_space<vmem>> -> memref<80x128xf32, #tpu.memory_space<vmem>>
        %dma_start3A_153 = arith.constant 0 : i32
        %dma_start3A_154 = tpu.memref_slice %arg7[%run_scoped3A_147, %dma_start3A_153] : memref<2x80xi32, #tpu.memory_space<vmem>> -> memref<1x80xi32, #tpu.memory_space<vmem>>
        %dma_start3A_155 = tpu.memref_squeeze %dma_start3A_154 : memref<1x80xi32, #tpu.memory_space<vmem>> -> memref<80xi32, #tpu.memory_space<vmem>>
        %dma_start3A_156 = arith.constant 0 : i32
        %dma_start3A_157 = arith.constant 0 : i32
        %dma_start3A_158 = tpu.memref_slice %arg10[%dma_start3A_156, %dma_start3A_157] : memref<10000x128xf32, #tpu.memory_space<vmem_shared>> -> memref<10000x128xf32, #tpu.memory_space<vmem_shared>>
        tpu.enqueue_indirect_dma source(%dma_start3A_152 : memref<80x128xf32, #tpu.memory_space<vmem>>) target(%dma_start3A_158 : memref<10000x128xf32, #tpu.memory_space<vmem_shared>>) offsets(%dma_start3A_155 : memref<80xi32, #tpu.memory_space<vmem>>) semaphore(%run_scoped3A_148 : memref<!tpu.dma_semaphore, #tpu.memory_space<semaphore_mem>>) {add = true}
        %dma_wait3A_159 = arith.constant 0 : i32
        %dma_wait3A_160 = arith.constant 0 : i32
        %dma_wait3A_161 = tpu.memref_slice %arg8[%run_scoped3A_146, %dma_wait3A_159, %dma_wait3A_160] : memref<2x80x128xf32, #tpu.memory_space<vmem>> -> memref<1x80x128xf32, #tpu.memory_space<vmem>>
        %dma_wait3A_162 = tpu.memref_squeeze %dma_wait3A_161 : memref<1x80x128xf32, #tpu.memory_space<vmem>> -> memref<80x128xf32, #tpu.memory_space<vmem>>
        %dma_wait3A_163 = arith.constant 0 : i32
        %dma_wait3A_164 = tpu.memref_slice %arg7[%run_scoped3A_147, %dma_wait3A_163] : memref<2x80xi32, #tpu.memory_space<vmem>> -> memref<1x80xi32, #tpu.memory_space<vmem>>
        %dma_wait3A_165 = tpu.memref_squeeze %dma_wait3A_164 : memref<1x80xi32, #tpu.memory_space<vmem>> -> memref<80xi32, #tpu.memory_space<vmem>>
        %dma_wait3A_166 = arith.constant 0 : i32
        %dma_wait3A_167 = arith.constant 0 : i32
        %dma_wait3A_168 = tpu.memref_slice %arg10[%dma_wait3A_166, %dma_wait3A_167] : memref<10000x128xf32, #tpu.memory_space<vmem_shared>> -> memref<10000x128xf32, #tpu.memory_space<vmem_shared>>
        tpu.wait_indirect_dma semaphore(%run_scoped3A_148 : memref<!tpu.dma_semaphore, #tpu.memory_space<semaphore_mem>>) src(%dma_wait3A_162 : memref<80x128xf32, #tpu.memory_space<vmem>>) dst(%dma_wait3A_168 : memref<10000x128xf32, #tpu.memory_space<vmem_shared>>)
        tpu.yield
      }) : () -> ()
    }
    %scan3A_40 = arith.constant 62 : i32
    %dma_wait3A = arith.constant 0 : i32
    %dma_wait3A_41 = arith.constant 0 : i32
    %dma_wait3A_42 = arith.constant 0 : i32
    %dma_wait3A_43 = arith.constant 0 : i32
    %dma_wait3A_44 = tpu.memref_slice %arg8[%dma_wait3A_41, %dma_wait3A_42, %dma_wait3A_43] : memref<2x80x128xf32, #tpu.memory_space<vmem>> -> memref<1x80x128xf32, #tpu.memory_space<vmem>>
    %dma_wait3A_45 = tpu.memref_squeeze %dma_wait3A_44 : memref<1x80x128xf32, #tpu.memory_space<vmem>> -> memref<80x128xf32, #tpu.memory_space<vmem>>
    %dma_wait3A_46 = arith.constant 0 : i32
    %dma_wait3A_47 = tpu.memref_slice %arg6[%dma_wait3A, %dma_wait3A_46] : memref<2x80xi32, #tpu.memory_space<vmem>> -> memref<1x80xi32, #tpu.memory_space<vmem>>
    %dma_wait3A_48 = tpu.memref_squeeze %dma_wait3A_47 : memref<1x80xi32, #tpu.memory_space<vmem>> -> memref<80xi32, #tpu.memory_space<vmem>>
    %dma_wait3A_49 = arith.constant 0 : i32
    %dma_wait3A_50 = arith.constant 0 : i32
    %dma_wait3A_51 = tpu.memref_slice %arg2[%dma_wait3A_49, %dma_wait3A_50] : memref<10000x128xf32, #tpu.memory_space<hbm>> -> memref<10000x128xf32, #tpu.memory_space<hbm>>
    tpu.wait_indirect_dma semaphore(%arg11 : memref<!tpu.dma_semaphore, #tpu.memory_space<semaphore_mem>>) src(%dma_wait3A_51 : memref<10000x128xf32, #tpu.memory_space<hbm>>) dst(%dma_wait3A_45 : memref<80x128xf32, #tpu.memory_space<vmem>>)
    %run_scoped3A_52 = arith.constant 0 : i32
    %run_scoped3A_53 = arith.constant 0 : i32
    "tpu.region"() ({
      %run_scoped3A_73 = tpu.sem_alloc : memref<!tpu.dma_semaphore, #tpu.memory_space<semaphore_mem>>
      %dma_start3A_74 = arith.constant 0 : i32
      %dma_start3A_75 = arith.constant 0 : i32
      %dma_start3A_76 = tpu.memref_slice %arg8[%run_scoped3A_52, %dma_start3A_74, %dma_start3A_75] : memref<2x80x128xf32, #tpu.memory_space<vmem>> -> memref<1x80x128xf32, #tpu.memory_space<vmem>>
      %dma_start3A_77 = tpu.memref_squeeze %dma_start3A_76 : memref<1x80x128xf32, #tpu.memory_space<vmem>> -> memref<80x128xf32, #tpu.memory_space<vmem>>
      %dma_start3A_78 = arith.constant 0 : i32
      %dma_start3A_79 = tpu.memref_slice %arg7[%run_scoped3A_53, %dma_start3A_78] : memref<2x80xi32, #tpu.memory_space<vmem>> -> memref<1x80xi32, #tpu.memory_space<vmem>>
      %dma_start3A_80 = tpu.memref_squeeze %dma_start3A_79 : memref<1x80xi32, #tpu.memory_space<vmem>> -> memref<80xi32, #tpu.memory_space<vmem>>
      %dma_start3A_81 = arith.constant 0 : i32
      %dma_start3A_82 = arith.constant 0 : i32
      %dma_start3A_83 = tpu.memref_slice %arg10[%dma_start3A_81, %dma_start3A_82] : memref<10000x128xf32, #tpu.memory_space<vmem_shared>> -> memref<10000x128xf32, #tpu.memory_space<vmem_shared>>
      tpu.enqueue_indirect_dma source(%dma_start3A_77 : memref<80x128xf32, #tpu.memory_space<vmem>>) target(%dma_start3A_83 : memref<10000x128xf32, #tpu.memory_space<vmem_shared>>) offsets(%dma_start3A_80 : memref<80xi32, #tpu.memory_space<vmem>>) semaphore(%run_scoped3A_73 : memref<!tpu.dma_semaphore, #tpu.memory_space<semaphore_mem>>) {add = true}
      %dma_wait3A_84 = arith.constant 0 : i32
      %dma_wait3A_85 = arith.constant 0 : i32
      %dma_wait3A_86 = tpu.memref_slice %arg8[%run_scoped3A_52, %dma_wait3A_84, %dma_wait3A_85] : memref<2x80x128xf32, #tpu.memory_space<vmem>> -> memref<1x80x128xf32, #tpu.memory_space<vmem>>
      %dma_wait3A_87 = tpu.memref_squeeze %dma_wait3A_86 : memref<1x80x128xf32, #tpu.memory_space<vmem>> -> memref<80x128xf32, #tpu.memory_space<vmem>>
      %dma_wait3A_88 = arith.constant 0 : i32
      %dma_wait3A_89 = tpu.memref_slice %arg7[%run_scoped3A_53, %dma_wait3A_88] : memref<2x80xi32, #tpu.memory_space<vmem>> -> memref<1x80xi32, #tpu.memory_space<vmem>>
      %dma_wait3A_90 = tpu.memref_squeeze %dma_wait3A_89 : memref<1x80xi32, #tpu.memory_space<vmem>> -> memref<80xi32, #tpu.memory_space<vmem>>
      %dma_wait3A_91 = arith.constant 0 : i32
      %dma_wait3A_92 = arith.constant 0 : i32
      %dma_wait3A_93 = tpu.memref_slice %arg10[%dma_wait3A_91, %dma_wait3A_92] : memref<10000x128xf32, #tpu.memory_space<vmem_shared>> -> memref<10000x128xf32, #tpu.memory_space<vmem_shared>>
      tpu.wait_indirect_dma semaphore(%run_scoped3A_73 : memref<!tpu.dma_semaphore, #tpu.memory_space<semaphore_mem>>) src(%dma_wait3A_87 : memref<80x128xf32, #tpu.memory_space<vmem>>) dst(%dma_wait3A_93 : memref<10000x128xf32, #tpu.memory_space<vmem_shared>>)
      tpu.yield
    }) : () -> ()
    %barrier3A_54 = arith.constant 0 : index
    tpu.barrier barrier_id(%barrier3A_54)
    %sub3A_55 = arith.constant 125 : i32
    %sub3A_56 = arith.subi %sub3A_55, %arg1 : i32
    %sub3A_57 = arith.constant 16 : i32
    %sub3A_58 = arith.constant 1 : i32
    %sub3A_59 = arith.subi %sub3A_57, %sub3A_58 : i32
    %add3A_60 = arith.addi %sub3A_56, %sub3A_59 : i32
    %div3A_61 = arith.constant 16 : i32
    %div3A_62 = arith.divsi %add3A_60, %div3A_61 : i32
    %while3A_63 = arith.constant 16 : i32
    %while3A_64 = arith.constant 0 : i32
    %while3A_65 = arith.subi %div3A_62, %while3A_64 : i32
    %while3A_66 = arith.addi %while3A_64, %while3A_65 : i32
    %while3A_67 = arith.constant 1 : i32
    %while3A_68 = arith.divsi %while3A_65, %while3A_67 : i32
    %while3A_69 = arith.muli %while3A_68, %while3A_67 : i32
    %while3A_70 = arith.addi %while3A_64, %while3A_69 : i32
    %while3A_71 = arith.constant 1 : i32
    scf.for %while3A_73 = %while3A_64 to %while3A_70 step %while3A_71  : i32 {
      %mul3A_74 = arith.muli %while3A_73, %while3A_63 : i32
      %add3A_75 = arith.addi %arg1, %mul3A_74 : i32
      %mul3A_76 = arith.constant 80 : i32
      %mul3A_77 = arith.muli %add3A_75, %mul3A_76 : i32
      %mul3A_78 = arith.constant 80 : i32
      %mul3A_79 = arith.muli %add3A_75, %mul3A_78 : i32
      "tpu.region"() ({
        %run_scoped3A_80 = tpu.sem_alloc : memref<!tpu.dma_semaphore, #tpu.memory_space<semaphore_mem>>
        %dma_start3A_81 = arith.constant 0 : i32
        %dma_start3A_82 = tpu.memref_slice %arg5[%arg0, %mul3A_79, %dma_start3A_81] : memref<2x10000x128xf32, #tpu.memory_space<hbm>> -> memref<1x80x128xf32, #tpu.memory_space<hbm>>
        %dma_start3A_83 = tpu.memref_squeeze %dma_start3A_82 : memref<1x80x128xf32, #tpu.memory_space<hbm>> -> memref<80x128xf32, #tpu.memory_space<hbm>>
        %dma_start3A_84 = arith.constant 0 : i32
        %dma_start3A_85 = tpu.memref_slice %arg10[%mul3A_77, %dma_start3A_84] : memref<10000x128xf32, #tpu.memory_space<vmem_shared>> -> memref<80x128xf32, #tpu.memory_space<vmem_shared>>
        tpu.enqueue_dma source(%dma_start3A_85 : memref<80x128xf32, #tpu.memory_space<vmem_shared>>) target(%dma_start3A_83 : memref<80x128xf32, #tpu.memory_space<hbm>>) target_semaphore(%run_scoped3A_80 : memref<!tpu.dma_semaphore, #tpu.memory_space<semaphore_mem>>)
        %dma_wait3A_86 = arith.constant 0 : i32
        %dma_wait3A_87 = tpu.memref_slice %arg5[%arg0, %mul3A_79, %dma_wait3A_86] : memref<2x10000x128xf32, #tpu.memory_space<hbm>> -> memref<1x80x128xf32, #tpu.memory_space<hbm>>
        %dma_wait3A_88 = tpu.memref_squeeze %dma_wait3A_87 : memref<1x80x128xf32, #tpu.memory_space<hbm>> -> memref<80x128xf32, #tpu.memory_space<hbm>>
        %dma_wait3A_89 = arith.constant 0 : i32
        %dma_wait3A_90 = tpu.memref_slice %arg10[%mul3A_77, %dma_wait3A_89] : memref<10000x128xf32, #tpu.memory_space<vmem_shared>> -> memref<80x128xf32, #tpu.memory_space<vmem_shared>>
        tpu.wait_dma2 semaphore(%run_scoped3A_80 : memref<!tpu.dma_semaphore, #tpu.memory_space<semaphore_mem>>) src(%dma_wait3A_90 : memref<80x128xf32, #tpu.memory_space<vmem_shared>>) dst(%dma_wait3A_88 : memref<80x128xf32, #tpu.memory_space<hbm>>)
        tpu.yield
      }) : () -> ()
    }
    %while3A_72 = arith.constant 1 : i32
    scf.for %while3A_73 = %while3A_70 to %while3A_66 step %while3A_72  : i32 {
      %mul3A_74 = arith.muli %while3A_73, %while3A_63 : i32
      %add3A_75 = arith.addi %arg1, %mul3A_74 : i32
      %mul3A_76 = arith.constant 80 : i32
      %mul3A_77 = arith.muli %add3A_75, %mul3A_76 : i32
      %mul3A_78 = arith.constant 80 : i32
      %mul3A_79 = arith.muli %add3A_75, %mul3A_78 : i32
      "tpu.region"() ({
        %run_scoped3A_80 = tpu.sem_alloc : memref<!tpu.dma_semaphore, #tpu.memory_space<semaphore_mem>>
        %dma_start3A_81 = arith.constant 0 : i32
        %dma_start3A_82 = tpu.memref_slice %arg5[%arg0, %mul3A_79, %dma_start3A_81] : memref<2x10000x128xf32, #tpu.memory_space<hbm>> -> memref<1x80x128xf32, #tpu.memory_space<hbm>>
        %dma_start3A_83 = tpu.memref_squeeze %dma_start3A_82 : memref<1x80x128xf32, #tpu.memory_space<hbm>> -> memref<80x128xf32, #tpu.memory_space<hbm>>
        %dma_start3A_84 = arith.constant 0 : i32
        %dma_start3A_85 = tpu.memref_slice %arg10[%mul3A_77, %dma_start3A_84] : memref<10000x128xf32, #tpu.memory_space<vmem_shared>> -> memref<80x128xf32, #tpu.memory_space<vmem_shared>>
        tpu.enqueue_dma source(%dma_start3A_85 : memref<80x128xf32, #tpu.memory_space<vmem_shared>>) target(%dma_start3A_83 : memref<80x128xf32, #tpu.memory_space<hbm>>) target_semaphore(%run_scoped3A_80 : memref<!tpu.dma_semaphore, #tpu.memory_space<semaphore_mem>>)
        %dma_wait3A_86 = arith.constant 0 : i32
        %dma_wait3A_87 = tpu.memref_slice %arg5[%arg0, %mul3A_79, %dma_wait3A_86] : memref<2x10000x128xf32, #tpu.memory_space<hbm>> -> memref<1x80x128xf32, #tpu.memory_space<hbm>>
        %dma_wait3A_88 = tpu.memref_squeeze %dma_wait3A_87 : memref<1x80x128xf32, #tpu.memory_space<hbm>> -> memref<80x128xf32, #tpu.memory_space<hbm>>
        %dma_wait3A_89 = arith.constant 0 : i32
        %dma_wait3A_90 = tpu.memref_slice %arg10[%mul3A_77, %dma_wait3A_89] : memref<10000x128xf32, #tpu.memory_space<vmem_shared>> -> memref<80x128xf32, #tpu.memory_space<vmem_shared>>
        tpu.wait_dma2 semaphore(%run_scoped3A_80 : memref<!tpu.dma_semaphore, #tpu.memory_space<semaphore_mem>>) src(%dma_wait3A_90 : memref<80x128xf32, #tpu.memory_space<vmem_shared>>) dst(%dma_wait3A_88 : memref<80x128xf32, #tpu.memory_space<hbm>>)
        tpu.yield
      }) : () -> ()
    }
    return
  }
}

#map = affine_map<(d0, d1) -> (0, 0)>
#map1 = affine_map<(d0, d1) -> (0)>
#map2 = affine_map<(d0, d1) -> (0, 0, 0)>
module attributes {stable_mosaic.version = 14 : i64} {
  func.func @agg_kernel(%arg0: i32, %arg1: i32, %arg2: memref<10000x128xf32, #tpu.memory_space<hbm>>, %arg3: memref<320000xi32, #tpu.memory_space<hbm>>, %arg4: memref<320000xi32, #tpu.memory_space<hbm>>, %arg5: memref<2x10000x128xf32, #tpu.memory_space<hbm>>, %arg6: memref<2x80xi32, #tpu.memory_space<vmem>>, %arg7: memref<2x80xi32, #tpu.memory_space<vmem>>, %arg8: memref<2x80x128xf32, #tpu.memory_space<vmem>>, %arg9: memref<80x128xf32, #tpu.memory_space<vmem>>, %arg10: memref<10000x128xf32, #tpu.memory_space<vmem_shared>>, %arg11: memref<!tpu.dma_semaphore, #tpu.memory_space<semaphore_mem>>, %arg12: memref<!tpu.dma_semaphore, #tpu.memory_space<semaphore_mem>>) attributes {dimension_semantics = [#tpu.dimension_semantics<core_parallel>, #tpu.dimension_semantics<subcore_parallel>], iteration_bounds = array<i64: 2, 16>, scalar_prefetch = 0 : i64, scratch_operands = 7 : i64, tpu.core_type = #tpu.core_type<sc_vector_subcore>, window_params = [{transform_indices = #map}, {transform_indices = #map1}, {transform_indices = #map1}, {transform_indices = #map2}]} {
    %scan3A = arith.constant 0 : i32
    %scan3A_0 = arith.constant 80 : i32
    %scan3A_1 = arith.addi %scan3A, %scan3A_0 : i32
    %scan3A_2 = arith.constant 1 : i32
    scf.for %scan3A_73 = %scan3A to %scan3A_1 step %scan3A_2  : i32 {
      %mul3A_74 = arith.constant 1 : i32
      %mul3A_75 = arith.muli %scan3A_73, %mul3A_74 : i32
      %add3A_76 = arith.constant 0 : i32
      %add3A_77 = arith.addi %add3A_76, %mul3A_75 : i32
      %scan3A_78 = arith.constant 0 : i32
      %scan3A_79 = arith.constant 8 : i32
      %scan3A_80 = arith.addi %scan3A_78, %scan3A_79 : i32
      %scan3A_81 = arith.constant 1 : i32
      scf.for %scan3A_83 = %scan3A_78 to %scan3A_80 step %scan3A_81  : i32 {
        %mul3A_84 = arith.constant 16 : i32
        %mul3A_85 = arith.muli %scan3A_83, %mul3A_84 : i32
        %add3A_86 = arith.constant 0 : i32
        %add3A_87 = arith.addi %add3A_86, %mul3A_85 : i32
        %broadcast_in_dim3A = arith.constant 0.000000e+00 : f32
        %broadcast_in_dim3A_88 = vector.broadcast %broadcast_in_dim3A : f32 to vector<16xf32>
        %swap3A = arith.index_cast %add3A_77 : i32 to index
        %swap3A_89 = arith.index_cast %add3A_87 : i32 to index
        %swap3A_90 = tpu.vector_load %arg9[%swap3A, %swap3A_89] {strides = array<i32>} : memref<80x128xf32, #tpu.memory_space<vmem>>, vector<1x16xf32>,
        %swap3A_91 = vector.shape_cast %swap3A_90 : vector<1x16xf32> to vector<16xf32>
        %swap3A_92 = vector.shape_cast %broadcast_in_dim3A_88 : vector<16xf32> to vector<1x16xf32>
        tpu.vector_store %arg9[%swap3A, %swap3A_89], %swap3A_92 {strides = array<i32>} : memref<80x128xf32, #tpu.memory_space<vmem>>, vector<1x16xf32>,
      }
      %scan3A_82 = arith.constant 8 : i32
    }
    %scan3A_3 = arith.constant 80 : i32
    %sub3A = arith.constant 125 : i32
    %sub3A_4 = arith.subi %sub3A, %arg1 : i32
    %sub3A_5 = arith.constant 16 : i32
    %sub3A_6 = arith.constant 1 : i32
    %sub3A_7 = arith.subi %sub3A_5, %sub3A_6 : i32
    %add3A = arith.addi %sub3A_4, %sub3A_7 : i32
    %div3A = arith.constant 16 : i32
    %div3A_8 = arith.divsi %add3A, %div3A : i32
    %while3A = arith.constant 16 : i32
    %while3A_9 = arith.constant 0 : i32
    %while3A_10 = arith.subi %div3A_8, %while3A_9 : i32
    %while3A_11 = arith.addi %while3A_9, %while3A_10 : i32
    %while3A_12 = arith.constant 1 : i32
    %while3A_13 = arith.divsi %while3A_10, %while3A_12 : i32
    %while3A_14 = arith.muli %while3A_13, %while3A_12 : i32
    %while3A_15 = arith.addi %while3A_9, %while3A_14 : i32
    %while3A_16 = arith.constant 1 : i32
    scf.for %while3A_73 = %while3A_9 to %while3A_15 step %while3A_16  : i32 {
      %mul3A_74 = arith.muli %while3A_73, %while3A : i32
      %add3A_75 = arith.addi %arg1, %mul3A_74 : i32
      %mul3A_76 = arith.constant 80 : i32
      %mul3A_77 = arith.muli %add3A_75, %mul3A_76 : i32
      "tpu.region"() ({
        %run_scoped3A_78 = tpu.sem_alloc : memref<!tpu.dma_semaphore, #tpu.memory_space<semaphore_mem>>
        %dma_start3A_79 = arith.constant 0 : i32
        %dma_start3A_80 = tpu.memref_slice %arg10[%mul3A_77, %dma_start3A_79] : memref<10000x128xf32, #tpu.memory_space<vmem_shared>> -> memref<80x128xf32, #tpu.memory_space<vmem_shared>>
        %dma_start3A_81 = arith.constant 0 : i32
        %dma_start3A_82 = tpu.memref_slice %arg10[%mul3A_77, %dma_start3A_81] : memref<10000x128xf32, #tpu.memory_space<vmem_shared>> -> memref<80x128xf32, #tpu.memory_space<vmem_shared>>
        tpu.enqueue_dma source(%arg9 : memref<80x128xf32, #tpu.memory_space<vmem>>) target(%dma_start3A_82 : memref<80x128xf32, #tpu.memory_space<vmem_shared>>) target_semaphore(%run_scoped3A_78 : memref<!tpu.dma_semaphore, #tpu.memory_space<semaphore_mem>>)
        %dma_wait3A_83 = arith.constant 0 : i32
        %dma_wait3A_84 = tpu.memref_slice %arg10[%mul3A_77, %dma_wait3A_83] : memref<10000x128xf32, #tpu.memory_space<vmem_shared>> -> memref<80x128xf32, #tpu.memory_space<vmem_shared>>
        %dma_wait3A_85 = arith.constant 0 : i32
        %dma_wait3A_86 = tpu.memref_slice %arg10[%mul3A_77, %dma_wait3A_85] : memref<10000x128xf32, #tpu.memory_space<vmem_shared>> -> memref<80x128xf32, #tpu.memory_space<vmem_shared>>
        tpu.wait_dma2 semaphore(%run_scoped3A_78 : memref<!tpu.dma_semaphore, #tpu.memory_space<semaphore_mem>>) src(%arg9 : memref<80x128xf32, #tpu.memory_space<vmem>>) dst(%dma_wait3A_86 : memref<80x128xf32, #tpu.memory_space<vmem_shared>>)
        tpu.yield
      }) : () -> ()
    }
    %while3A_17 = arith.constant 1 : i32
    scf.for %while3A_73 = %while3A_15 to %while3A_11 step %while3A_17  : i32 {
      %mul3A_74 = arith.muli %while3A_73, %while3A : i32
      %add3A_75 = arith.addi %arg1, %mul3A_74 : i32
      %mul3A_76 = arith.constant 80 : i32
      %mul3A_77 = arith.muli %add3A_75, %mul3A_76 : i32
      "tpu.region"() ({
        %run_scoped3A_78 = tpu.sem_alloc : memref<!tpu.dma_semaphore, #tpu.memory_space<semaphore_mem>>
        %dma_start3A_79 = arith.constant 0 : i32
        %dma_start3A_80 = tpu.memref_slice %arg10[%mul3A_77, %dma_start3A_79] : memref<10000x128xf32, #tpu.memory_space<vmem_shared>> -> memref<80x128xf32, #tpu.memory_space<vmem_shared>>
        %dma_start3A_81 = arith.constant 0 : i32
        %dma_start3A_82 = tpu.memref_slice %arg10[%mul3A_77, %dma_start3A_81] : memref<10000x128xf32, #tpu.memory_space<vmem_shared>> -> memref<80x128xf32, #tpu.memory_space<vmem_shared>>
        tpu.enqueue_dma source(%arg9 : memref<80x128xf32, #tpu.memory_space<vmem>>) target(%dma_start3A_82 : memref<80x128xf32, #tpu.memory_space<vmem_shared>>) target_semaphore(%run_scoped3A_78 : memref<!tpu.dma_semaphore, #tpu.memory_space<semaphore_mem>>)
        %dma_wait3A_83 = arith.constant 0 : i32
        %dma_wait3A_84 = tpu.memref_slice %arg10[%mul3A_77, %dma_wait3A_83] : memref<10000x128xf32, #tpu.memory_space<vmem_shared>> -> memref<80x128xf32, #tpu.memory_space<vmem_shared>>
        %dma_wait3A_85 = arith.constant 0 : i32
        %dma_wait3A_86 = tpu.memref_slice %arg10[%mul3A_77, %dma_wait3A_85] : memref<10000x128xf32, #tpu.memory_space<vmem_shared>> -> memref<80x128xf32, #tpu.memory_space<vmem_shared>>
        tpu.wait_dma2 semaphore(%run_scoped3A_78 : memref<!tpu.dma_semaphore, #tpu.memory_space<semaphore_mem>>) src(%arg9 : memref<80x128xf32, #tpu.memory_space<vmem>>) dst(%dma_wait3A_86 : memref<80x128xf32, #tpu.memory_space<vmem_shared>>)
        tpu.yield
      }) : () -> ()
    }
    %barrier3A = arith.constant 0 : index
    tpu.barrier barrier_id(%barrier3A)
    %mul3A = arith.constant 16 : i32
    %mul3A_18 = arith.muli %arg0, %mul3A : i32
    %add3A_19 = arith.addi %mul3A_18, %arg1 : i32
    %mul3A_20 = arith.constant 10000 : i32
    %mul3A_21 = arith.muli %add3A_19, %mul3A_20 : i32
    %add3A_22 = arith.constant 0 : i32
    %add3A_23 = arith.addi %mul3A_21, %add3A_22 : i32
    %run_scoped3A = arith.constant 0 : i32
    "tpu.region"() ({
      %run_scoped3A_73 = tpu.sem_alloc : memref<!tpu.dma_semaphore, #tpu.memory_space<semaphore_mem>>
      %dma_start3A_74 = arith.constant 0 : i32
      %dma_start3A_75 = tpu.memref_slice %arg6[%run_scoped3A, %dma_start3A_74] : memref<2x80xi32, #tpu.memory_space<vmem>> -> memref<1x80xi32, #tpu.memory_space<vmem>>
      %dma_start3A_76 = tpu.memref_squeeze %dma_start3A_75 : memref<1x80xi32, #tpu.memory_space<vmem>> -> memref<80xi32, #tpu.memory_space<vmem>>
      %dma_start3A_77 = tpu.memref_slice %arg3[%add3A_23] : memref<320000xi32, #tpu.memory_space<hbm>> -> memref<80xi32, #tpu.memory_space<hbm>>
      %dma_start3A_78 = arith.constant 0 : i32
      %dma_start3A_79 = tpu.memref_slice %arg6[%run_scoped3A, %dma_start3A_78] : memref<2x80xi32, #tpu.memory_space<vmem>> -> memref<1x80xi32, #tpu.memory_space<vmem>>
      %dma_start3A_80 = tpu.memref_squeeze %dma_start3A_79 : memref<1x80xi32, #tpu.memory_space<vmem>> -> memref<80xi32, #tpu.memory_space<vmem>>
      %dma_start3A_81 = tpu.memref_slice %arg3[%add3A_23] : memref<320000xi32, #tpu.memory_space<hbm>> -> memref<80xi32, #tpu.memory_space<hbm>>
      tpu.enqueue_dma source(%dma_start3A_81 : memref<80xi32, #tpu.memory_space<hbm>>) target(%dma_start3A_80 : memref<80xi32, #tpu.memory_space<vmem>>) target_semaphore(%run_scoped3A_73 : memref<!tpu.dma_semaphore, #tpu.memory_space<semaphore_mem>>)
      %dma_wait3A_82 = arith.constant 0 : i32
      %dma_wait3A_83 = tpu.memref_slice %arg6[%run_scoped3A, %dma_wait3A_82] : memref<2x80xi32, #tpu.memory_space<vmem>> -> memref<1x80xi32, #tpu.memory_space<vmem>>
      %dma_wait3A_84 = tpu.memref_squeeze %dma_wait3A_83 : memref<1x80xi32, #tpu.memory_space<vmem>> -> memref<80xi32, #tpu.memory_space<vmem>>
      %dma_wait3A_85 = tpu.memref_slice %arg3[%add3A_23] : memref<320000xi32, #tpu.memory_space<hbm>> -> memref<80xi32, #tpu.memory_space<hbm>>
      %dma_wait3A_86 = arith.constant 0 : i32
      %dma_wait3A_87 = tpu.memref_slice %arg6[%run_scoped3A, %dma_wait3A_86] : memref<2x80xi32, #tpu.memory_space<vmem>> -> memref<1x80xi32, #tpu.memory_space<vmem>>
      %dma_wait3A_88 = tpu.memref_squeeze %dma_wait3A_87 : memref<1x80xi32, #tpu.memory_space<vmem>> -> memref<80xi32, #tpu.memory_space<vmem>>
      %dma_wait3A_89 = tpu.memref_slice %arg3[%add3A_23] : memref<320000xi32, #tpu.memory_space<hbm>> -> memref<80xi32, #tpu.memory_space<hbm>>
      tpu.wait_dma2 semaphore(%run_scoped3A_73 : memref<!tpu.dma_semaphore, #tpu.memory_space<semaphore_mem>>) src(%dma_wait3A_89 : memref<80xi32, #tpu.memory_space<hbm>>) dst(%dma_wait3A_88 : memref<80xi32, #tpu.memory_space<vmem>>)
      tpu.yield
    }) : () -> ()
    %run_scoped3A_24 = arith.constant 0 : i32
    "tpu.region"() ({
      %run_scoped3A_73 = tpu.sem_alloc : memref<!tpu.dma_semaphore, #tpu.memory_space<semaphore_mem>>
      %dma_start3A_74 = arith.constant 0 : i32
      %dma_start3A_75 = tpu.memref_slice %arg7[%run_scoped3A_24, %dma_start3A_74] : memref<2x80xi32, #tpu.memory_space<vmem>> -> memref<1x80xi32, #tpu.memory_space<vmem>>
      %dma_start3A_76 = tpu.memref_squeeze %dma_start3A_75 : memref<1x80xi32, #tpu.memory_space<vmem>> -> memref<80xi32, #tpu.memory_space<vmem>>
      %dma_start3A_77 = tpu.memref_slice %arg4[%add3A_23] : memref<320000xi32, #tpu.memory_space<hbm>> -> memref<80xi32, #tpu.memory_space<hbm>>
      %dma_start3A_78 = arith.constant 0 : i32
      %dma_start3A_79 = tpu.memref_slice %arg7[%run_scoped3A_24, %dma_start3A_78] : memref<2x80xi32, #tpu.memory_space<vmem>> -> memref<1x80xi32, #tpu.memory_space<vmem>>
      %dma_start3A_80 = tpu.memref_squeeze %dma_start3A_79 : memref<1x80xi32, #tpu.memory_space<vmem>> -> memref<80xi32, #tpu.memory_space<vmem>>
      %dma_start3A_81 = tpu.memref_slice %arg4[%add3A_23] : memref<320000xi32, #tpu.memory_space<hbm>> -> memref<80xi32, #tpu.memory_space<hbm>>
      tpu.enqueue_dma source(%dma_start3A_81 : memref<80xi32, #tpu.memory_space<hbm>>) target(%dma_start3A_80 : memref<80xi32, #tpu.memory_space<vmem>>) target_semaphore(%run_scoped3A_73 : memref<!tpu.dma_semaphore, #tpu.memory_space<semaphore_mem>>)
      %dma_wait3A_82 = arith.constant 0 : i32
      %dma_wait3A_83 = tpu.memref_slice %arg7[%run_scoped3A_24, %dma_wait3A_82] : memref<2x80xi32, #tpu.memory_space<vmem>> -> memref<1x80xi32, #tpu.memory_space<vmem>>
      %dma_wait3A_84 = tpu.memref_squeeze %dma_wait3A_83 : memref<1x80xi32, #tpu.memory_space<vmem>> -> memref<80xi32, #tpu.memory_space<vmem>>
      %dma_wait3A_85 = tpu.memref_slice %arg4[%add3A_23] : memref<320000xi32, #tpu.memory_space<hbm>> -> memref<80xi32, #tpu.memory_space<hbm>>
      %dma_wait3A_86 = arith.constant 0 : i32
      %dma_wait3A_87 = tpu.memref_slice %arg7[%run_scoped3A_24, %dma_wait3A_86] : memref<2x80xi32, #tpu.memory_space<vmem>> -> memref<1x80xi32, #tpu.memory_space<vmem>>
      %dma_wait3A_88 = tpu.memref_squeeze %dma_wait3A_87 : memref<1x80xi32, #tpu.memory_space<vmem>> -> memref<80xi32, #tpu.memory_space<vmem>>
      %dma_wait3A_89 = tpu.memref_slice %arg4[%add3A_23] : memref<320000xi32, #tpu.memory_space<hbm>> -> memref<80xi32, #tpu.memory_space<hbm>>
      tpu.wait_dma2 semaphore(%run_scoped3A_73 : memref<!tpu.dma_semaphore, #tpu.memory_space<semaphore_mem>>) src(%dma_wait3A_89 : memref<80xi32, #tpu.memory_space<hbm>>) dst(%dma_wait3A_88 : memref<80xi32, #tpu.memory_space<vmem>>)
      tpu.yield
    }) : () -> ()
    %dma_start3A = arith.constant 0 : i32
    %dma_start3A_25 = arith.constant 0 : i32
    %dma_start3A_26 = arith.constant 0 : i32
    %dma_start3A_27 = arith.constant 0 : i32
    %dma_start3A_28 = tpu.memref_slice %arg8[%dma_start3A_25, %dma_start3A_26, %dma_start3A_27] : memref<2x80x128xf32, #tpu.memory_space<vmem>> -> memref<1x80x128xf32, #tpu.memory_space<vmem>>
    %dma_start3A_29 = tpu.memref_squeeze %dma_start3A_28 : memref<1x80x128xf32, #tpu.memory_space<vmem>> -> memref<80x128xf32, #tpu.memory_space<vmem>>
    %dma_start3A_30 = arith.constant 0 : i32
    %dma_start3A_31 = tpu.memref_slice %arg6[%dma_start3A, %dma_start3A_30] : memref<2x80xi32, #tpu.memory_space<vmem>> -> memref<1x80xi32, #tpu.memory_space<vmem>>
    %dma_start3A_32 = tpu.memref_squeeze %dma_start3A_31 : memref<1x80xi32, #tpu.memory_space<vmem>> -> memref<80xi32, #tpu.memory_space<vmem>>
    %dma_start3A_33 = arith.constant 0 : i32
    %dma_start3A_34 = arith.constant 0 : i32
    %dma_start3A_35 = tpu.memref_slice %arg2[%dma_start3A_33, %dma_start3A_34] : memref<10000x128xf32, #tpu.memory_space<hbm>> -> memref<10000x128xf32, #tpu.memory_space<hbm>>
    tpu.enqueue_indirect_dma source(%dma_start3A_35 : memref<10000x128xf32, #tpu.memory_space<hbm>>) target(%dma_start3A_29 : memref<80x128xf32, #tpu.memory_space<vmem>>) offsets(%dma_start3A_32 : memref<80xi32, #tpu.memory_space<vmem>>) semaphore(%arg11 : memref<!tpu.dma_semaphore, #tpu.memory_space<semaphore_mem>>)
    %scan3A_36 = arith.constant 0 : i32
    %scan3A_37 = arith.constant 62 : i32
    %scan3A_38 = arith.addi %scan3A_36, %scan3A_37 : i32
    %scan3A_39 = arith.constant 1 : i32
    scf.for %scan3A_73 = %scan3A_36 to %scan3A_38 step %scan3A_39  : i32 {
      %mul3A_74 = arith.constant 2 : i32
      %mul3A_75 = arith.muli %scan3A_73, %mul3A_74 : i32
      %add3A_76 = arith.constant 0 : i32
      %add3A_77 = arith.addi %add3A_76, %mul3A_75 : i32
      %add3A_78 = arith.constant 0 : i32
      %add3A_79 = arith.addi %add3A_77, %add3A_78 : i32
      %add3A_80 = arith.constant 1 : i32
      %add3A_81 = arith.addi %add3A_79, %add3A_80 : i32
      %mul3A_82 = arith.constant 80 : i32
      %mul3A_83 = arith.muli %add3A_81, %mul3A_82 : i32
      %add3A_84 = arith.addi %mul3A_21, %mul3A_83 : i32
      %run_scoped3A_85 = arith.constant 1 : i32
      "tpu.region"() ({
        %run_scoped3A_148 = tpu.sem_alloc : memref<!tpu.dma_semaphore, #tpu.memory_space<semaphore_mem>>
        %dma_start3A_149 = arith.constant 0 : i32
        %dma_start3A_150 = tpu.memref_slice %arg6[%run_scoped3A_85, %dma_start3A_149] : memref<2x80xi32, #tpu.memory_space<vmem>> -> memref<1x80xi32, #tpu.memory_space<vmem>>
        %dma_start3A_151 = tpu.memref_squeeze %dma_start3A_150 : memref<1x80xi32, #tpu.memory_space<vmem>> -> memref<80xi32, #tpu.memory_space<vmem>>
        %dma_start3A_152 = tpu.memref_slice %arg3[%add3A_84] : memref<320000xi32, #tpu.memory_space<hbm>> -> memref<80xi32, #tpu.memory_space<hbm>>
        %dma_start3A_153 = arith.constant 0 : i32
        %dma_start3A_154 = tpu.memref_slice %arg6[%run_scoped3A_85, %dma_start3A_153] : memref<2x80xi32, #tpu.memory_space<vmem>> -> memref<1x80xi32, #tpu.memory_space<vmem>>
        %dma_start3A_155 = tpu.memref_squeeze %dma_start3A_154 : memref<1x80xi32, #tpu.memory_space<vmem>> -> memref<80xi32, #tpu.memory_space<vmem>>
        %dma_start3A_156 = tpu.memref_slice %arg3[%add3A_84] : memref<320000xi32, #tpu.memory_space<hbm>> -> memref<80xi32, #tpu.memory_space<hbm>>
        tpu.enqueue_dma source(%dma_start3A_156 : memref<80xi32, #tpu.memory_space<hbm>>) target(%dma_start3A_155 : memref<80xi32, #tpu.memory_space<vmem>>) target_semaphore(%run_scoped3A_148 : memref<!tpu.dma_semaphore, #tpu.memory_space<semaphore_mem>>)
        %dma_wait3A_157 = arith.constant 0 : i32
        %dma_wait3A_158 = tpu.memref_slice %arg6[%run_scoped3A_85, %dma_wait3A_157] : memref<2x80xi32, #tpu.memory_space<vmem>> -> memref<1x80xi32, #tpu.memory_space<vmem>>
        %dma_wait3A_159 = tpu.memref_squeeze %dma_wait3A_158 : memref<1x80xi32, #tpu.memory_space<vmem>> -> memref<80xi32, #tpu.memory_space<vmem>>
        %dma_wait3A_160 = tpu.memref_slice %arg3[%add3A_84] : memref<320000xi32, #tpu.memory_space<hbm>> -> memref<80xi32, #tpu.memory_space<hbm>>
        %dma_wait3A_161 = arith.constant 0 : i32
        %dma_wait3A_162 = tpu.memref_slice %arg6[%run_scoped3A_85, %dma_wait3A_161] : memref<2x80xi32, #tpu.memory_space<vmem>> -> memref<1x80xi32, #tpu.memory_space<vmem>>
        %dma_wait3A_163 = tpu.memref_squeeze %dma_wait3A_162 : memref<1x80xi32, #tpu.memory_space<vmem>> -> memref<80xi32, #tpu.memory_space<vmem>>
        %dma_wait3A_164 = tpu.memref_slice %arg3[%add3A_84] : memref<320000xi32, #tpu.memory_space<hbm>> -> memref<80xi32, #tpu.memory_space<hbm>>
        tpu.wait_dma2 semaphore(%run_scoped3A_148 : memref<!tpu.dma_semaphore, #tpu.memory_space<semaphore_mem>>) src(%dma_wait3A_164 : memref<80xi32, #tpu.memory_space<hbm>>) dst(%dma_wait3A_163 : memref<80xi32, #tpu.memory_space<vmem>>)
        tpu.yield
      }) : () -> ()
      %run_scoped3A_86 = arith.constant 1 : i32
      "tpu.region"() ({
        %run_scoped3A_148 = tpu.sem_alloc : memref<!tpu.dma_semaphore, #tpu.memory_space<semaphore_mem>>
        %dma_start3A_149 = arith.constant 0 : i32
        %dma_start3A_150 = tpu.memref_slice %arg7[%run_scoped3A_86, %dma_start3A_149] : memref<2x80xi32, #tpu.memory_space<vmem>> -> memref<1x80xi32, #tpu.memory_space<vmem>>
        %dma_start3A_151 = tpu.memref_squeeze %dma_start3A_150 : memref<1x80xi32, #tpu.memory_space<vmem>> -> memref<80xi32, #tpu.memory_space<vmem>>
        %dma_start3A_152 = tpu.memref_slice %arg4[%add3A_84] : memref<320000xi32, #tpu.memory_space<hbm>> -> memref<80xi32, #tpu.memory_space<hbm>>
        %dma_start3A_153 = arith.constant 0 : i32
        %dma_start3A_154 = tpu.memref_slice %arg7[%run_scoped3A_86, %dma_start3A_153] : memref<2x80xi32, #tpu.memory_space<vmem>> -> memref<1x80xi32, #tpu.memory_space<vmem>>
        %dma_start3A_155 = tpu.memref_squeeze %dma_start3A_154 : memref<1x80xi32, #tpu.memory_space<vmem>> -> memref<80xi32, #tpu.memory_space<vmem>>
        %dma_start3A_156 = tpu.memref_slice %arg4[%add3A_84] : memref<320000xi32, #tpu.memory_space<hbm>> -> memref<80xi32, #tpu.memory_space<hbm>>
        tpu.enqueue_dma source(%dma_start3A_156 : memref<80xi32, #tpu.memory_space<hbm>>) target(%dma_start3A_155 : memref<80xi32, #tpu.memory_space<vmem>>) target_semaphore(%run_scoped3A_148 : memref<!tpu.dma_semaphore, #tpu.memory_space<semaphore_mem>>)
        %dma_wait3A_157 = arith.constant 0 : i32
        %dma_wait3A_158 = tpu.memref_slice %arg7[%run_scoped3A_86, %dma_wait3A_157] : memref<2x80xi32, #tpu.memory_space<vmem>> -> memref<1x80xi32, #tpu.memory_space<vmem>>
        %dma_wait3A_159 = tpu.memref_squeeze %dma_wait3A_158 : memref<1x80xi32, #tpu.memory_space<vmem>> -> memref<80xi32, #tpu.memory_space<vmem>>
        %dma_wait3A_160 = tpu.memref_slice %arg4[%add3A_84] : memref<320000xi32, #tpu.memory_space<hbm>> -> memref<80xi32, #tpu.memory_space<hbm>>
        %dma_wait3A_161 = arith.constant 0 : i32
        %dma_wait3A_162 = tpu.memref_slice %arg7[%run_scoped3A_86, %dma_wait3A_161] : memref<2x80xi32, #tpu.memory_space<vmem>> -> memref<1x80xi32, #tpu.memory_space<vmem>>
        %dma_wait3A_163 = tpu.memref_squeeze %dma_wait3A_162 : memref<1x80xi32, #tpu.memory_space<vmem>> -> memref<80xi32, #tpu.memory_space<vmem>>
        %dma_wait3A_164 = tpu.memref_slice %arg4[%add3A_84] : memref<320000xi32, #tpu.memory_space<hbm>> -> memref<80xi32, #tpu.memory_space<hbm>>
        tpu.wait_dma2 semaphore(%run_scoped3A_148 : memref<!tpu.dma_semaphore, #tpu.memory_space<semaphore_mem>>) src(%dma_wait3A_164 : memref<80xi32, #tpu.memory_space<hbm>>) dst(%dma_wait3A_163 : memref<80xi32, #tpu.memory_space<vmem>>)
        tpu.yield
      }) : () -> ()
      %dma_start3A_87 = arith.constant 1 : i32
      %dma_start3A_88 = arith.constant 1 : i32
      %dma_start3A_89 = arith.constant 0 : i32
      %dma_start3A_90 = arith.constant 0 : i32
      %dma_start3A_91 = tpu.memref_slice %arg8[%dma_start3A_88, %dma_start3A_89, %dma_start3A_90] : memref<2x80x128xf32, #tpu.memory_space<vmem>> -> memref<1x80x128xf32, #tpu.memory_space<vmem>>
      %dma_start3A_92 = tpu.memref_squeeze %dma_start3A_91 : memref<1x80x128xf32, #tpu.memory_space<vmem>> -> memref<80x128xf32, #tpu.memory_space<vmem>>
      %dma_start3A_93 = arith.constant 0 : i32
      %dma_start3A_94 = tpu.memref_slice %arg6[%dma_start3A_87, %dma_start3A_93] : memref<2x80xi32, #tpu.memory_space<vmem>> -> memref<1x80xi32, #tpu.memory_space<vmem>>
      %dma_start3A_95 = tpu.memref_squeeze %dma_start3A_94 : memref<1x80xi32, #tpu.memory_space<vmem>> -> memref<80xi32, #tpu.memory_space<vmem>>
      %dma_start3A_96 = arith.constant 0 : i32
      %dma_start3A_97 = arith.constant 0 : i32
      %dma_start3A_98 = tpu.memref_slice %arg2[%dma_start3A_96, %dma_start3A_97] : memref<10000x128xf32, #tpu.memory_space<hbm>> -> memref<10000x128xf32, #tpu.memory_space<hbm>>
      tpu.enqueue_indirect_dma source(%dma_start3A_98 : memref<10000x128xf32, #tpu.memory_space<hbm>>) target(%dma_start3A_92 : memref<80x128xf32, #tpu.memory_space<vmem>>) offsets(%dma_start3A_95 : memref<80xi32, #tpu.memory_space<vmem>>) semaphore(%arg12 : memref<!tpu.dma_semaphore, #tpu.memory_space<semaphore_mem>>)
      %dma_wait3A_99 = arith.constant 0 : i32
      %dma_wait3A_100 = arith.constant 0 : i32
      %dma_wait3A_101 = arith.constant 0 : i32
      %dma_wait3A_102 = arith.constant 0 : i32
      %dma_wait3A_103 = tpu.memref_slice %arg8[%dma_wait3A_100, %dma_wait3A_101, %dma_wait3A_102] : memref<2x80x128xf32, #tpu.memory_space<vmem>> -> memref<1x80x128xf32, #tpu.memory_space<vmem>>
      %dma_wait3A_104 = tpu.memref_squeeze %dma_wait3A_103 : memref<1x80x128xf32, #tpu.memory_space<vmem>> -> memref<80x128xf32, #tpu.memory_space<vmem>>
      %dma_wait3A_105 = arith.constant 0 : i32
      %dma_wait3A_106 = tpu.memref_slice %arg6[%dma_wait3A_99, %dma_wait3A_105] : memref<2x80xi32, #tpu.memory_space<vmem>> -> memref<1x80xi32, #tpu.memory_space<vmem>>
      %dma_wait3A_107 = tpu.memref_squeeze %dma_wait3A_106 : memref<1x80xi32, #tpu.memory_space<vmem>> -> memref<80xi32, #tpu.memory_space<vmem>>
      %dma_wait3A_108 = arith.constant 0 : i32
      %dma_wait3A_109 = arith.constant 0 : i32
      %dma_wait3A_110 = tpu.memref_slice %arg2[%dma_wait3A_108, %dma_wait3A_109] : memref<10000x128xf32, #tpu.memory_space<hbm>> -> memref<10000x128xf32, #tpu.memory_space<hbm>>
      tpu.wait_indirect_dma semaphore(%arg11 : memref<!tpu.dma_semaphore, #tpu.memory_space<semaphore_mem>>) src(%dma_wait3A_110 : memref<10000x128xf32, #tpu.memory_space<hbm>>) dst(%dma_wait3A_104 : memref<80x128xf32, #tpu.memory_space<vmem>>)
      %run_scoped3A_111 = arith.constant 0 : i32
      %run_scoped3A_112 = arith.constant 0 : i32
      "tpu.region"() ({
        %run_scoped3A_148 = tpu.sem_alloc : memref<!tpu.dma_semaphore, #tpu.memory_space<semaphore_mem>>
        %dma_start3A_149 = arith.constant 0 : i32
        %dma_start3A_150 = arith.constant 0 : i32
        %dma_start3A_151 = tpu.memref_slice %arg8[%run_scoped3A_111, %dma_start3A_149, %dma_start3A_150] : memref<2x80x128xf32, #tpu.memory_space<vmem>> -> memref<1x80x128xf32, #tpu.memory_space<vmem>>
        %dma_start3A_152 = tpu.memref_squeeze %dma_start3A_151 : memref<1x80x128xf32, #tpu.memory_space<vmem>> -> memref<80x128xf32, #tpu.memory_space<vmem>>
        %dma_start3A_153 = arith.constant 0 : i32
        %dma_start3A_154 = tpu.memref_slice %arg7[%run_scoped3A_112, %dma_start3A_153] : memref<2x80xi32, #tpu.memory_space<vmem>> -> memref<1x80xi32, #tpu.memory_space<vmem>>
        %dma_start3A_155 = tpu.memref_squeeze %dma_start3A_154 : memref<1x80xi32, #tpu.memory_space<vmem>> -> memref<80xi32, #tpu.memory_space<vmem>>
        %dma_start3A_156 = arith.constant 0 : i32
        %dma_start3A_157 = arith.constant 0 : i32
        %dma_start3A_158 = tpu.memref_slice %arg10[%dma_start3A_156, %dma_start3A_157] : memref<10000x128xf32, #tpu.memory_space<vmem_shared>> -> memref<10000x128xf32, #tpu.memory_space<vmem_shared>>
        tpu.enqueue_indirect_dma source(%dma_start3A_152 : memref<80x128xf32, #tpu.memory_space<vmem>>) target(%dma_start3A_158 : memref<10000x128xf32, #tpu.memory_space<vmem_shared>>) offsets(%dma_start3A_155 : memref<80xi32, #tpu.memory_space<vmem>>) semaphore(%run_scoped3A_148 : memref<!tpu.dma_semaphore, #tpu.memory_space<semaphore_mem>>) {add = true}
        %dma_wait3A_159 = arith.constant 0 : i32
        %dma_wait3A_160 = arith.constant 0 : i32
        %dma_wait3A_161 = tpu.memref_slice %arg8[%run_scoped3A_111, %dma_wait3A_159, %dma_wait3A_160] : memref<2x80x128xf32, #tpu.memory_space<vmem>> -> memref<1x80x128xf32, #tpu.memory_space<vmem>>
        %dma_wait3A_162 = tpu.memref_squeeze %dma_wait3A_161 : memref<1x80x128xf32, #tpu.memory_space<vmem>> -> memref<80x128xf32, #tpu.memory_space<vmem>>
        %dma_wait3A_163 = arith.constant 0 : i32
        %dma_wait3A_164 = tpu.memref_slice %arg7[%run_scoped3A_112, %dma_wait3A_163] : memref<2x80xi32, #tpu.memory_space<vmem>> -> memref<1x80xi32, #tpu.memory_space<vmem>>
        %dma_wait3A_165 = tpu.memref_squeeze %dma_wait3A_164 : memref<1x80xi32, #tpu.memory_space<vmem>> -> memref<80xi32, #tpu.memory_space<vmem>>
        %dma_wait3A_166 = arith.constant 0 : i32
        %dma_wait3A_167 = arith.constant 0 : i32
        %dma_wait3A_168 = tpu.memref_slice %arg10[%dma_wait3A_166, %dma_wait3A_167] : memref<10000x128xf32, #tpu.memory_space<vmem_shared>> -> memref<10000x128xf32, #tpu.memory_space<vmem_shared>>
        tpu.wait_indirect_dma semaphore(%run_scoped3A_148 : memref<!tpu.dma_semaphore, #tpu.memory_space<semaphore_mem>>) src(%dma_wait3A_162 : memref<80x128xf32, #tpu.memory_space<vmem>>) dst(%dma_wait3A_168 : memref<10000x128xf32, #tpu.memory_space<vmem_shared>>)
        tpu.yield
      }) : () -> ()
      %add3A_113 = arith.constant 1 : i32
      %add3A_114 = arith.addi %add3A_77, %add3A_113 : i32
      %add3A_115 = arith.constant 1 : i32
      %add3A_116 = arith.addi %add3A_114, %add3A_115 : i32
      %mul3A_117 = arith.constant 80 : i32
      %mul3A_118 = arith.muli %add3A_116, %mul3A_117 : i32
      %add3A_119 = arith.addi %mul3A_21, %mul3A_118 : i32
      %run_scoped3A_120 = arith.constant 0 : i32
      "tpu.region"() ({
        %run_scoped3A_148 = tpu.sem_alloc : memref<!tpu.dma_semaphore, #tpu.memory_space<semaphore_mem>>
        %dma_start3A_149 = arith.constant 0 : i32
        %dma_start3A_150 = tpu.memref_slice %arg6[%run_scoped3A_120, %dma_start3A_149] : memref<2x80xi32, #tpu.memory_space<vmem>> -> memref<1x80xi32, #tpu.memory_space<vmem>>
        %dma_start3A_151 = tpu.memref_squeeze %dma_start3A_150 : memref<1x80xi32, #tpu.memory_space<vmem>> -> memref<80xi32, #tpu.memory_space<vmem>>
        %dma_start3A_152 = tpu.memref_slice %arg3[%add3A_119] : memref<320000xi32, #tpu.memory_space<hbm>> -> memref<80xi32, #tpu.memory_space<hbm>>
        %dma_start3A_153 = arith.constant 0 : i32
        %dma_start3A_154 = tpu.memref_slice %arg6[%run_scoped3A_120, %dma_start3A_153] : memref<2x80xi32, #tpu.memory_space<vmem>> -> memref<1x80xi32, #tpu.memory_space<vmem>>
        %dma_start3A_155 = tpu.memref_squeeze %dma_start3A_154 : memref<1x80xi32, #tpu.memory_space<vmem>> -> memref<80xi32, #tpu.memory_space<vmem>>
        %dma_start3A_156 = tpu.memref_slice %arg3[%add3A_119] : memref<320000xi32, #tpu.memory_space<hbm>> -> memref<80xi32, #tpu.memory_space<hbm>>
        tpu.enqueue_dma source(%dma_start3A_156 : memref<80xi32, #tpu.memory_space<hbm>>) target(%dma_start3A_155 : memref<80xi32, #tpu.memory_space<vmem>>) target_semaphore(%run_scoped3A_148 : memref<!tpu.dma_semaphore, #tpu.memory_space<semaphore_mem>>)
        %dma_wait3A_157 = arith.constant 0 : i32
        %dma_wait3A_158 = tpu.memref_slice %arg6[%run_scoped3A_120, %dma_wait3A_157] : memref<2x80xi32, #tpu.memory_space<vmem>> -> memref<1x80xi32, #tpu.memory_space<vmem>>
        %dma_wait3A_159 = tpu.memref_squeeze %dma_wait3A_158 : memref<1x80xi32, #tpu.memory_space<vmem>> -> memref<80xi32, #tpu.memory_space<vmem>>
        %dma_wait3A_160 = tpu.memref_slice %arg3[%add3A_119] : memref<320000xi32, #tpu.memory_space<hbm>> -> memref<80xi32, #tpu.memory_space<hbm>>
        %dma_wait3A_161 = arith.constant 0 : i32
        %dma_wait3A_162 = tpu.memref_slice %arg6[%run_scoped3A_120, %dma_wait3A_161] : memref<2x80xi32, #tpu.memory_space<vmem>> -> memref<1x80xi32, #tpu.memory_space<vmem>>
        %dma_wait3A_163 = tpu.memref_squeeze %dma_wait3A_162 : memref<1x80xi32, #tpu.memory_space<vmem>> -> memref<80xi32, #tpu.memory_space<vmem>>
        %dma_wait3A_164 = tpu.memref_slice %arg3[%add3A_119] : memref<320000xi32, #tpu.memory_space<hbm>> -> memref<80xi32, #tpu.memory_space<hbm>>
        tpu.wait_dma2 semaphore(%run_scoped3A_148 : memref<!tpu.dma_semaphore, #tpu.memory_space<semaphore_mem>>) src(%dma_wait3A_164 : memref<80xi32, #tpu.memory_space<hbm>>) dst(%dma_wait3A_163 : memref<80xi32, #tpu.memory_space<vmem>>)
        tpu.yield
      }) : () -> ()
      %run_scoped3A_121 = arith.constant 0 : i32
      "tpu.region"() ({
        %run_scoped3A_148 = tpu.sem_alloc : memref<!tpu.dma_semaphore, #tpu.memory_space<semaphore_mem>>
        %dma_start3A_149 = arith.constant 0 : i32
        %dma_start3A_150 = tpu.memref_slice %arg7[%run_scoped3A_121, %dma_start3A_149] : memref<2x80xi32, #tpu.memory_space<vmem>> -> memref<1x80xi32, #tpu.memory_space<vmem>>
        %dma_start3A_151 = tpu.memref_squeeze %dma_start3A_150 : memref<1x80xi32, #tpu.memory_space<vmem>> -> memref<80xi32, #tpu.memory_space<vmem>>
        %dma_start3A_152 = tpu.memref_slice %arg4[%add3A_119] : memref<320000xi32, #tpu.memory_space<hbm>> -> memref<80xi32, #tpu.memory_space<hbm>>
        %dma_start3A_153 = arith.constant 0 : i32
        %dma_start3A_154 = tpu.memref_slice %arg7[%run_scoped3A_121, %dma_start3A_153] : memref<2x80xi32, #tpu.memory_space<vmem>> -> memref<1x80xi32, #tpu.memory_space<vmem>>
        %dma_start3A_155 = tpu.memref_squeeze %dma_start3A_154 : memref<1x80xi32, #tpu.memory_space<vmem>> -> memref<80xi32, #tpu.memory_space<vmem>>
        %dma_start3A_156 = tpu.memref_slice %arg4[%add3A_119] : memref<320000xi32, #tpu.memory_space<hbm>> -> memref<80xi32, #tpu.memory_space<hbm>>
        tpu.enqueue_dma source(%dma_start3A_156 : memref<80xi32, #tpu.memory_space<hbm>>) target(%dma_start3A_155 : memref<80xi32, #tpu.memory_space<vmem>>) target_semaphore(%run_scoped3A_148 : memref<!tpu.dma_semaphore, #tpu.memory_space<semaphore_mem>>)
        %dma_wait3A_157 = arith.constant 0 : i32
        %dma_wait3A_158 = tpu.memref_slice %arg7[%run_scoped3A_121, %dma_wait3A_157] : memref<2x80xi32, #tpu.memory_space<vmem>> -> memref<1x80xi32, #tpu.memory_space<vmem>>
        %dma_wait3A_159 = tpu.memref_squeeze %dma_wait3A_158 : memref<1x80xi32, #tpu.memory_space<vmem>> -> memref<80xi32, #tpu.memory_space<vmem>>
        %dma_wait3A_160 = tpu.memref_slice %arg4[%add3A_119] : memref<320000xi32, #tpu.memory_space<hbm>> -> memref<80xi32, #tpu.memory_space<hbm>>
        %dma_wait3A_161 = arith.constant 0 : i32
        %dma_wait3A_162 = tpu.memref_slice %arg7[%run_scoped3A_121, %dma_wait3A_161] : memref<2x80xi32, #tpu.memory_space<vmem>> -> memref<1x80xi32, #tpu.memory_space<vmem>>
        %dma_wait3A_163 = tpu.memref_squeeze %dma_wait3A_162 : memref<1x80xi32, #tpu.memory_space<vmem>> -> memref<80xi32, #tpu.memory_space<vmem>>
        %dma_wait3A_164 = tpu.memref_slice %arg4[%add3A_119] : memref<320000xi32, #tpu.memory_space<hbm>> -> memref<80xi32, #tpu.memory_space<hbm>>
        tpu.wait_dma2 semaphore(%run_scoped3A_148 : memref<!tpu.dma_semaphore, #tpu.memory_space<semaphore_mem>>) src(%dma_wait3A_164 : memref<80xi32, #tpu.memory_space<hbm>>) dst(%dma_wait3A_163 : memref<80xi32, #tpu.memory_space<vmem>>)
        tpu.yield
      }) : () -> ()
      %dma_start3A_122 = arith.constant 0 : i32
      %dma_start3A_123 = arith.constant 0 : i32
      %dma_start3A_124 = arith.constant 0 : i32
      %dma_start3A_125 = arith.constant 0 : i32
      %dma_start3A_126 = tpu.memref_slice %arg8[%dma_start3A_123, %dma_start3A_124, %dma_start3A_125] : memref<2x80x128xf32, #tpu.memory_space<vmem>> -> memref<1x80x128xf32, #tpu.memory_space<vmem>>
      %dma_start3A_127 = tpu.memref_squeeze %dma_start3A_126 : memref<1x80x128xf32, #tpu.memory_space<vmem>> -> memref<80x128xf32, #tpu.memory_space<vmem>>
      %dma_start3A_128 = arith.constant 0 : i32
      %dma_start3A_129 = tpu.memref_slice %arg6[%dma_start3A_122, %dma_start3A_128] : memref<2x80xi32, #tpu.memory_space<vmem>> -> memref<1x80xi32, #tpu.memory_space<vmem>>
      %dma_start3A_130 = tpu.memref_squeeze %dma_start3A_129 : memref<1x80xi32, #tpu.memory_space<vmem>> -> memref<80xi32, #tpu.memory_space<vmem>>
      %dma_start3A_131 = arith.constant 0 : i32
      %dma_start3A_132 = arith.constant 0 : i32
      %dma_start3A_133 = tpu.memref_slice %arg2[%dma_start3A_131, %dma_start3A_132] : memref<10000x128xf32, #tpu.memory_space<hbm>> -> memref<10000x128xf32, #tpu.memory_space<hbm>>
      tpu.enqueue_indirect_dma source(%dma_start3A_133 : memref<10000x128xf32, #tpu.memory_space<hbm>>) target(%dma_start3A_127 : memref<80x128xf32, #tpu.memory_space<vmem>>) offsets(%dma_start3A_130 : memref<80xi32, #tpu.memory_space<vmem>>) semaphore(%arg11 : memref<!tpu.dma_semaphore, #tpu.memory_space<semaphore_mem>>)
      %dma_wait3A_134 = arith.constant 1 : i32
      %dma_wait3A_135 = arith.constant 1 : i32
      %dma_wait3A_136 = arith.constant 0 : i32
      %dma_wait3A_137 = arith.constant 0 : i32
      %dma_wait3A_138 = tpu.memref_slice %arg8[%dma_wait3A_135, %dma_wait3A_136, %dma_wait3A_137] : memref<2x80x128xf32, #tpu.memory_space<vmem>> -> memref<1x80x128xf32, #tpu.memory_space<vmem>>
      %dma_wait3A_139 = tpu.memref_squeeze %dma_wait3A_138 : memref<1x80x128xf32, #tpu.memory_space<vmem>> -> memref<80x128xf32, #tpu.memory_space<vmem>>
      %dma_wait3A_140 = arith.constant 0 : i32
      %dma_wait3A_141 = tpu.memref_slice %arg6[%dma_wait3A_134, %dma_wait3A_140] : memref<2x80xi32, #tpu.memory_space<vmem>> -> memref<1x80xi32, #tpu.memory_space<vmem>>
      %dma_wait3A_142 = tpu.memref_squeeze %dma_wait3A_141 : memref<1x80xi32, #tpu.memory_space<vmem>> -> memref<80xi32, #tpu.memory_space<vmem>>
      %dma_wait3A_143 = arith.constant 0 : i32
      %dma_wait3A_144 = arith.constant 0 : i32
      %dma_wait3A_145 = tpu.memref_slice %arg2[%dma_wait3A_143, %dma_wait3A_144] : memref<10000x128xf32, #tpu.memory_space<hbm>> -> memref<10000x128xf32, #tpu.memory_space<hbm>>
      tpu.wait_indirect_dma semaphore(%arg12 : memref<!tpu.dma_semaphore, #tpu.memory_space<semaphore_mem>>) src(%dma_wait3A_145 : memref<10000x128xf32, #tpu.memory_space<hbm>>) dst(%dma_wait3A_139 : memref<80x128xf32, #tpu.memory_space<vmem>>)
      %run_scoped3A_146 = arith.constant 1 : i32
      %run_scoped3A_147 = arith.constant 1 : i32
      "tpu.region"() ({
        %run_scoped3A_148 = tpu.sem_alloc : memref<!tpu.dma_semaphore, #tpu.memory_space<semaphore_mem>>
        %dma_start3A_149 = arith.constant 0 : i32
        %dma_start3A_150 = arith.constant 0 : i32
        %dma_start3A_151 = tpu.memref_slice %arg8[%run_scoped3A_146, %dma_start3A_149, %dma_start3A_150] : memref<2x80x128xf32, #tpu.memory_space<vmem>> -> memref<1x80x128xf32, #tpu.memory_space<vmem>>
        %dma_start3A_152 = tpu.memref_squeeze %dma_start3A_151 : memref<1x80x128xf32, #tpu.memory_space<vmem>> -> memref<80x128xf32, #tpu.memory_space<vmem>>
        %dma_start3A_153 = arith.constant 0 : i32
        %dma_start3A_154 = tpu.memref_slice %arg7[%run_scoped3A_147, %dma_start3A_153] : memref<2x80xi32, #tpu.memory_space<vmem>> -> memref<1x80xi32, #tpu.memory_space<vmem>>
        %dma_start3A_155 = tpu.memref_squeeze %dma_start3A_154 : memref<1x80xi32, #tpu.memory_space<vmem>> -> memref<80xi32, #tpu.memory_space<vmem>>
        %dma_start3A_156 = arith.constant 0 : i32
        %dma_start3A_157 = arith.constant 0 : i32
        %dma_start3A_158 = tpu.memref_slice %arg10[%dma_start3A_156, %dma_start3A_157] : memref<10000x128xf32, #tpu.memory_space<vmem_shared>> -> memref<10000x128xf32, #tpu.memory_space<vmem_shared>>
        tpu.enqueue_indirect_dma source(%dma_start3A_152 : memref<80x128xf32, #tpu.memory_space<vmem>>) target(%dma_start3A_158 : memref<10000x128xf32, #tpu.memory_space<vmem_shared>>) offsets(%dma_start3A_155 : memref<80xi32, #tpu.memory_space<vmem>>) semaphore(%run_scoped3A_148 : memref<!tpu.dma_semaphore, #tpu.memory_space<semaphore_mem>>) {add = true}
        %dma_wait3A_159 = arith.constant 0 : i32
        %dma_wait3A_160 = arith.constant 0 : i32
        %dma_wait3A_161 = tpu.memref_slice %arg8[%run_scoped3A_146, %dma_wait3A_159, %dma_wait3A_160] : memref<2x80x128xf32, #tpu.memory_space<vmem>> -> memref<1x80x128xf32, #tpu.memory_space<vmem>>
        %dma_wait3A_162 = tpu.memref_squeeze %dma_wait3A_161 : memref<1x80x128xf32, #tpu.memory_space<vmem>> -> memref<80x128xf32, #tpu.memory_space<vmem>>
        %dma_wait3A_163 = arith.constant 0 : i32
        %dma_wait3A_164 = tpu.memref_slice %arg7[%run_scoped3A_147, %dma_wait3A_163] : memref<2x80xi32, #tpu.memory_space<vmem>> -> memref<1x80xi32, #tpu.memory_space<vmem>>
        %dma_wait3A_165 = tpu.memref_squeeze %dma_wait3A_164 : memref<1x80xi32, #tpu.memory_space<vmem>> -> memref<80xi32, #tpu.memory_space<vmem>>
        %dma_wait3A_166 = arith.constant 0 : i32
        %dma_wait3A_167 = arith.constant 0 : i32
        %dma_wait3A_168 = tpu.memref_slice %arg10[%dma_wait3A_166, %dma_wait3A_167] : memref<10000x128xf32, #tpu.memory_space<vmem_shared>> -> memref<10000x128xf32, #tpu.memory_space<vmem_shared>>
        tpu.wait_indirect_dma semaphore(%run_scoped3A_148 : memref<!tpu.dma_semaphore, #tpu.memory_space<semaphore_mem>>) src(%dma_wait3A_162 : memref<80x128xf32, #tpu.memory_space<vmem>>) dst(%dma_wait3A_168 : memref<10000x128xf32, #tpu.memory_space<vmem_shared>>)
        tpu.yield
      }) : () -> ()
    }
    %scan3A_40 = arith.constant 62 : i32
    %dma_wait3A = arith.constant 0 : i32
    %dma_wait3A_41 = arith.constant 0 : i32
    %dma_wait3A_42 = arith.constant 0 : i32
    %dma_wait3A_43 = arith.constant 0 : i32
    %dma_wait3A_44 = tpu.memref_slice %arg8[%dma_wait3A_41, %dma_wait3A_42, %dma_wait3A_43] : memref<2x80x128xf32, #tpu.memory_space<vmem>> -> memref<1x80x128xf32, #tpu.memory_space<vmem>>
    %dma_wait3A_45 = tpu.memref_squeeze %dma_wait3A_44 : memref<1x80x128xf32, #tpu.memory_space<vmem>> -> memref<80x128xf32, #tpu.memory_space<vmem>>
    %dma_wait3A_46 = arith.constant 0 : i32
    %dma_wait3A_47 = tpu.memref_slice %arg6[%dma_wait3A, %dma_wait3A_46] : memref<2x80xi32, #tpu.memory_space<vmem>> -> memref<1x80xi32, #tpu.memory_space<vmem>>
    %dma_wait3A_48 = tpu.memref_squeeze %dma_wait3A_47 : memref<1x80xi32, #tpu.memory_space<vmem>> -> memref<80xi32, #tpu.memory_space<vmem>>
    %dma_wait3A_49 = arith.constant 0 : i32
    %dma_wait3A_50 = arith.constant 0 : i32
    %dma_wait3A_51 = tpu.memref_slice %arg2[%dma_wait3A_49, %dma_wait3A_50] : memref<10000x128xf32, #tpu.memory_space<hbm>> -> memref<10000x128xf32, #tpu.memory_space<hbm>>
    tpu.wait_indirect_dma semaphore(%arg11 : memref<!tpu.dma_semaphore, #tpu.memory_space<semaphore_mem>>) src(%dma_wait3A_51 : memref<10000x128xf32, #tpu.memory_space<hbm>>) dst(%dma_wait3A_45 : memref<80x128xf32, #tpu.memory_space<vmem>>)
    %run_scoped3A_52 = arith.constant 0 : i32
    %run_scoped3A_53 = arith.constant 0 : i32
    "tpu.region"() ({
      %run_scoped3A_73 = tpu.sem_alloc : memref<!tpu.dma_semaphore, #tpu.memory_space<semaphore_mem>>
      %dma_start3A_74 = arith.constant 0 : i32
      %dma_start3A_75 = arith.constant 0 : i32
      %dma_start3A_76 = tpu.memref_slice %arg8[%run_scoped3A_52, %dma_start3A_74, %dma_start3A_75] : memref<2x80x128xf32, #tpu.memory_space<vmem>> -> memref<1x80x128xf32, #tpu.memory_space<vmem>>
      %dma_start3A_77 = tpu.memref_squeeze %dma_start3A_76 : memref<1x80x128xf32, #tpu.memory_space<vmem>> -> memref<80x128xf32, #tpu.memory_space<vmem>>
      %dma_start3A_78 = arith.constant 0 : i32
      %dma_start3A_79 = tpu.memref_slice %arg7[%run_scoped3A_53, %dma_start3A_78] : memref<2x80xi32, #tpu.memory_space<vmem>> -> memref<1x80xi32, #tpu.memory_space<vmem>>
      %dma_start3A_80 = tpu.memref_squeeze %dma_start3A_79 : memref<1x80xi32, #tpu.memory_space<vmem>> -> memref<80xi32, #tpu.memory_space<vmem>>
      %dma_start3A_81 = arith.constant 0 : i32
      %dma_start3A_82 = arith.constant 0 : i32
      %dma_start3A_83 = tpu.memref_slice %arg10[%dma_start3A_81, %dma_start3A_82] : memref<10000x128xf32, #tpu.memory_space<vmem_shared>> -> memref<10000x128xf32, #tpu.memory_space<vmem_shared>>
      tpu.enqueue_indirect_dma source(%dma_start3A_77 : memref<80x128xf32, #tpu.memory_space<vmem>>) target(%dma_start3A_83 : memref<10000x128xf32, #tpu.memory_space<vmem_shared>>) offsets(%dma_start3A_80 : memref<80xi32, #tpu.memory_space<vmem>>) semaphore(%run_scoped3A_73 : memref<!tpu.dma_semaphore, #tpu.memory_space<semaphore_mem>>) {add = true}
      %dma_wait3A_84 = arith.constant 0 : i32
      %dma_wait3A_85 = arith.constant 0 : i32
      %dma_wait3A_86 = tpu.memref_slice %arg8[%run_scoped3A_52, %dma_wait3A_84, %dma_wait3A_85] : memref<2x80x128xf32, #tpu.memory_space<vmem>> -> memref<1x80x128xf32, #tpu.memory_space<vmem>>
      %dma_wait3A_87 = tpu.memref_squeeze %dma_wait3A_86 : memref<1x80x128xf32, #tpu.memory_space<vmem>> -> memref<80x128xf32, #tpu.memory_space<vmem>>
      %dma_wait3A_88 = arith.constant 0 : i32
      %dma_wait3A_89 = tpu.memref_slice %arg7[%run_scoped3A_53, %dma_wait3A_88] : memref<2x80xi32, #tpu.memory_space<vmem>> -> memref<1x80xi32, #tpu.memory_space<vmem>>
      %dma_wait3A_90 = tpu.memref_squeeze %dma_wait3A_89 : memref<1x80xi32, #tpu.memory_space<vmem>> -> memref<80xi32, #tpu.memory_space<vmem>>
      %dma_wait3A_91 = arith.constant 0 : i32
      %dma_wait3A_92 = arith.constant 0 : i32
      %dma_wait3A_93 = tpu.memref_slice %arg10[%dma_wait3A_91, %dma_wait3A_92] : memref<10000x128xf32, #tpu.memory_space<vmem_shared>> -> memref<10000x128xf32, #tpu.memory_space<vmem_shared>>
      tpu.wait_indirect_dma semaphore(%run_scoped3A_73 : memref<!tpu.dma_semaphore, #tpu.memory_space<semaphore_mem>>) src(%dma_wait3A_87 : memref<80x128xf32, #tpu.memory_space<vmem>>) dst(%dma_wait3A_93 : memref<10000x128xf32, #tpu.memory_space<vmem_shared>>)
      tpu.yield
    }) : () -> ()
    %barrier3A_54 = arith.constant 0 : index
    tpu.barrier barrier_id(%barrier3A_54)
    %sub3A_55 = arith.constant 125 : i32
    %sub3A_56 = arith.subi %sub3A_55, %arg1 : i32
    %sub3A_57 = arith.constant 16 : i32
    %sub3A_58 = arith.constant 1 : i32
    %sub3A_59 = arith.subi %sub3A_57, %sub3A_58 : i32
    %add3A_60 = arith.addi %sub3A_56, %sub3A_59 : i32
    %div3A_61 = arith.constant 16 : i32
    %div3A_62 = arith.divsi %add3A_60, %div3A_61 : i32
    %while3A_63 = arith.constant 16 : i32
    %while3A_64 = arith.constant 0 : i32
    %while3A_65 = arith.subi %div3A_62, %while3A_64 : i32
    %while3A_66 = arith.addi %while3A_64, %while3A_65 : i32
    %while3A_67 = arith.constant 1 : i32
    %while3A_68 = arith.divsi %while3A_65, %while3A_67 : i32
    %while3A_69 = arith.muli %while3A_68, %while3A_67 : i32
    %while3A_70 = arith.addi %while3A_64, %while3A_69 : i32
    %while3A_71 = arith.constant 1 : i32
    scf.for %while3A_73 = %while3A_64 to %while3A_70 step %while3A_71  : i32 {
      %mul3A_74 = arith.muli %while3A_73, %while3A_63 : i32
      %add3A_75 = arith.addi %arg1, %mul3A_74 : i32
      %mul3A_76 = arith.constant 80 : i32
      %mul3A_77 = arith.muli %add3A_75, %mul3A_76 : i32
      %mul3A_78 = arith.constant 80 : i32
      %mul3A_79 = arith.muli %add3A_75, %mul3A_78 : i32
      "tpu.region"() ({
        %run_scoped3A_80 = tpu.sem_alloc : memref<!tpu.dma_semaphore, #tpu.memory_space<semaphore_mem>>
        %dma_start3A_81 = arith.constant 0 : i32
        %dma_start3A_82 = tpu.memref_slice %arg5[%arg0, %mul3A_79, %dma_start3A_81] : memref<2x10000x128xf32, #tpu.memory_space<hbm>> -> memref<1x80x128xf32, #tpu.memory_space<hbm>>
        %dma_start3A_83 = tpu.memref_squeeze %dma_start3A_82 : memref<1x80x128xf32, #tpu.memory_space<hbm>> -> memref<80x128xf32, #tpu.memory_space<hbm>>
        %dma_start3A_84 = arith.constant 0 : i32
        %dma_start3A_85 = tpu.memref_slice %arg10[%mul3A_77, %dma_start3A_84] : memref<10000x128xf32, #tpu.memory_space<vmem_shared>> -> memref<80x128xf32, #tpu.memory_space<vmem_shared>>
        tpu.enqueue_dma source(%dma_start3A_85 : memref<80x128xf32, #tpu.memory_space<vmem_shared>>) target(%dma_start3A_83 : memref<80x128xf32, #tpu.memory_space<hbm>>) target_semaphore(%run_scoped3A_80 : memref<!tpu.dma_semaphore, #tpu.memory_space<semaphore_mem>>)
        %dma_wait3A_86 = arith.constant 0 : i32
        %dma_wait3A_87 = tpu.memref_slice %arg5[%arg0, %mul3A_79, %dma_wait3A_86] : memref<2x10000x128xf32, #tpu.memory_space<hbm>> -> memref<1x80x128xf32, #tpu.memory_space<hbm>>
        %dma_wait3A_88 = tpu.memref_squeeze %dma_wait3A_87 : memref<1x80x128xf32, #tpu.memory_space<hbm>> -> memref<80x128xf32, #tpu.memory_space<hbm>>
        %dma_wait3A_89 = arith.constant 0 : i32
        %dma_wait3A_90 = tpu.memref_slice %arg10[%mul3A_77, %dma_wait3A_89] : memref<10000x128xf32, #tpu.memory_space<vmem_shared>> -> memref<80x128xf32, #tpu.memory_space<vmem_shared>>
        tpu.wait_dma2 semaphore(%run_scoped3A_80 : memref<!tpu.dma_semaphore, #tpu.memory_space<semaphore_mem>>) src(%dma_wait3A_90 : memref<80x128xf32, #tpu.memory_space<vmem_shared>>) dst(%dma_wait3A_88 : memref<80x128xf32, #tpu.memory_space<hbm>>)
        tpu.yield
      }) : () -> ()
    }
    %while3A_72 = arith.constant 1 : i32
    scf.for %while3A_73 = %while3A_70 to %while3A_66 step %while3A_72  : i32 {
      %mul3A_74 = arith.muli %while3A_73, %while3A_63 : i32
      %add3A_75 = arith.addi %arg1, %mul3A_74 : i32
      %mul3A_76 = arith.constant 80 : i32
      %mul3A_77 = arith.muli %add3A_75, %mul3A_76 : i32
      %mul3A_78 = arith.constant 80 : i32
      %mul3A_79 = arith.muli %add3A_75, %mul3A_78 : i32
      "tpu.region"() ({
        %run_scoped3A_80 = tpu.sem_alloc : memref<!tpu.dma_semaphore, #tpu.memory_space<semaphore_mem>>
        %dma_start3A_81 = arith.constant 0 : i32
        %dma_start3A_82 = tpu.memref_slice %arg5[%arg0, %mul3A_79, %dma_start3A_81] : memref<2x10000x128xf32, #tpu.memory_space<hbm>> -> memref<1x80x128xf32, #tpu.memory_space<hbm>>
        %dma_start3A_83 = tpu.memref_squeeze %dma_start3A_82 : memref<1x80x128xf32, #tpu.memory_space<hbm>> -> memref<80x128xf32, #tpu.memory_space<hbm>>
        %dma_start3A_84 = arith.constant 0 : i32
        %dma_start3A_85 = tpu.memref_slice %arg10[%mul3A_77, %dma_start3A_84] : memref<10000x128xf32, #tpu.memory_space<vmem_shared>> -> memref<80x128xf32, #tpu.memory_space<vmem_shared>>
        tpu.enqueue_dma source(%dma_start3A_85 : memref<80x128xf32, #tpu.memory_space<vmem_shared>>) target(%dma_start3A_83 : memref<80x128xf32, #tpu.memory_space<hbm>>) target_semaphore(%run_scoped3A_80 : memref<!tpu.dma_semaphore, #tpu.memory_space<semaphore_mem>>)
        %dma_wait3A_86 = arith.constant 0 : i32
        %dma_wait3A_87 = tpu.memref_slice %arg5[%arg0, %mul3A_79, %dma_wait3A_86] : memref<2x10000x128xf32, #tpu.memory_space<hbm>> -> memref<1x80x128xf32, #tpu.memory_space<hbm>>
        %dma_wait3A_88 = tpu.memref_squeeze %dma_wait3A_87 : memref<1x80x128xf32, #tpu.memory_space<hbm>> -> memref<80x128xf32, #tpu.memory_space<hbm>>
        %dma_wait3A_89 = arith.constant 0 : i32
        %dma_wait3A_90 = tpu.memref_slice %arg10[%mul3A_77, %dma_wait3A_89] : memref<10000x128xf32, #tpu.memory_space<vmem_shared>> -> memref<80x128xf32, #tpu.memory_space<vmem_shared>>
        tpu.wait_dma2 semaphore(%run_scoped3A_80 : memref<!tpu.dma_semaphore, #tpu.memory_space<semaphore_mem>>) src(%dma_wait3A_90 : memref<80x128xf32, #tpu.memory_space<vmem_shared>>) dst(%dma_wait3A_88 : memref<80x128xf32, #tpu.memory_space<hbm>>)
        tpu.yield
      }) : () -> ()
    }
    return
  }
}

#map = affine_map<(d0, d1) -> (0, 0)>
#map1 = affine_map<(d0, d1) -> (0)>
#map2 = affine_map<(d0, d1) -> (0, 0, 0)>
module attributes {stable_mosaic.version = 14 : i64} {
  func.func @agg_kernel(%arg0: i32, %arg1: i32, %arg2: memref<10000x128xf32, #tpu.memory_space<hbm>>, %arg3: memref<320000xi32, #tpu.memory_space<hbm>>, %arg4: memref<320000xi32, #tpu.memory_space<hbm>>, %arg5: memref<2x10000x128xf32, #tpu.memory_space<hbm>>, %arg6: memref<2x80xi32, #tpu.memory_space<vmem>>, %arg7: memref<2x80xi32, #tpu.memory_space<vmem>>, %arg8: memref<2x80x128xf32, #tpu.memory_space<vmem>>, %arg9: memref<80x128xf32, #tpu.memory_space<vmem>>, %arg10: memref<10000x128xf32, #tpu.memory_space<vmem_shared>>, %arg11: memref<!tpu.dma_semaphore, #tpu.memory_space<semaphore_mem>>, %arg12: memref<!tpu.dma_semaphore, #tpu.memory_space<semaphore_mem>>) attributes {dimension_semantics = [#tpu.dimension_semantics<core_parallel>, #tpu.dimension_semantics<subcore_parallel>], iteration_bounds = array<i64: 2, 16>, scalar_prefetch = 0 : i64, scratch_operands = 7 : i64, tpu.core_type = #tpu.core_type<sc_vector_subcore>, window_params = [{transform_indices = #map}, {transform_indices = #map1}, {transform_indices = #map1}, {transform_indices = #map2}]} {
    %scan3A = arith.constant 0 : i32
    %scan3A_0 = arith.constant 80 : i32
    %scan3A_1 = arith.addi %scan3A, %scan3A_0 : i32
    %scan3A_2 = arith.constant 1 : i32
    scf.for %scan3A_73 = %scan3A to %scan3A_1 step %scan3A_2  : i32 {
      %mul3A_74 = arith.constant 1 : i32
      %mul3A_75 = arith.muli %scan3A_73, %mul3A_74 : i32
      %add3A_76 = arith.constant 0 : i32
      %add3A_77 = arith.addi %add3A_76, %mul3A_75 : i32
      %scan3A_78 = arith.constant 0 : i32
      %scan3A_79 = arith.constant 8 : i32
      %scan3A_80 = arith.addi %scan3A_78, %scan3A_79 : i32
      %scan3A_81 = arith.constant 1 : i32
      scf.for %scan3A_83 = %scan3A_78 to %scan3A_80 step %scan3A_81  : i32 {
        %mul3A_84 = arith.constant 16 : i32
        %mul3A_85 = arith.muli %scan3A_83, %mul3A_84 : i32
        %add3A_86 = arith.constant 0 : i32
        %add3A_87 = arith.addi %add3A_86, %mul3A_85 : i32
        %broadcast_in_dim3A = arith.constant 0.000000e+00 : f32
        %broadcast_in_dim3A_88 = vector.broadcast %broadcast_in_dim3A : f32 to vector<16xf32>
        %swap3A = arith.index_cast %add3A_77 : i32 to index
        %swap3A_89 = arith.index_cast %add3A_87 : i32 to index
        %swap3A_90 = tpu.vector_load %arg9[%swap3A, %swap3A_89] {strides = array<i32>} : memref<80x128xf32, #tpu.memory_space<vmem>>, vector<1x16xf32>,
        %swap3A_91 = vector.shape_cast %swap3A_90 : vector<1x16xf32> to vector<16xf32>
        %swap3A_92 = vector.shape_cast %broadcast_in_dim3A_88 : vector<16xf32> to vector<1x16xf32>
        tpu.vector_store %arg9[%swap3A, %swap3A_89], %swap3A_92 {strides = array<i32>} : memref<80x128xf32, #tpu.memory_space<vmem>>, vector<1x16xf32>,
      }
      %scan3A_82 = arith.constant 8 : i32
    }
    %scan3A_3 = arith.constant 80 : i32
    %sub3A = arith.constant 125 : i32
    %sub3A_4 = arith.subi %sub3A, %arg1 : i32
    %sub3A_5 = arith.constant 16 : i32
    %sub3A_6 = arith.constant 1 : i32
    %sub3A_7 = arith.subi %sub3A_5, %sub3A_6 : i32
    %add3A = arith.addi %sub3A_4, %sub3A_7 : i32
    %div3A = arith.constant 16 : i32
    %div3A_8 = arith.divsi %add3A, %div3A : i32
    %while3A = arith.constant 16 : i32
    %while3A_9 = arith.constant 0 : i32
    %while3A_10 = arith.subi %div3A_8, %while3A_9 : i32
    %while3A_11 = arith.addi %while3A_9, %while3A_10 : i32
    %while3A_12 = arith.constant 1 : i32
    %while3A_13 = arith.divsi %while3A_10, %while3A_12 : i32
    %while3A_14 = arith.muli %while3A_13, %while3A_12 : i32
    %while3A_15 = arith.addi %while3A_9, %while3A_14 : i32
    %while3A_16 = arith.constant 1 : i32
    scf.for %while3A_73 = %while3A_9 to %while3A_15 step %while3A_16  : i32 {
      %mul3A_74 = arith.muli %while3A_73, %while3A : i32
      %add3A_75 = arith.addi %arg1, %mul3A_74 : i32
      %mul3A_76 = arith.constant 80 : i32
      %mul3A_77 = arith.muli %add3A_75, %mul3A_76 : i32
      "tpu.region"() ({
        %run_scoped3A_78 = tpu.sem_alloc : memref<!tpu.dma_semaphore, #tpu.memory_space<semaphore_mem>>
        %dma_start3A_79 = arith.constant 0 : i32
        %dma_start3A_80 = tpu.memref_slice %arg10[%mul3A_77, %dma_start3A_79] : memref<10000x128xf32, #tpu.memory_space<vmem_shared>> -> memref<80x128xf32, #tpu.memory_space<vmem_shared>>
        %dma_start3A_81 = arith.constant 0 : i32
        %dma_start3A_82 = tpu.memref_slice %arg10[%mul3A_77, %dma_start3A_81] : memref<10000x128xf32, #tpu.memory_space<vmem_shared>> -> memref<80x128xf32, #tpu.memory_space<vmem_shared>>
        tpu.enqueue_dma source(%arg9 : memref<80x128xf32, #tpu.memory_space<vmem>>) target(%dma_start3A_82 : memref<80x128xf32, #tpu.memory_space<vmem_shared>>) target_semaphore(%run_scoped3A_78 : memref<!tpu.dma_semaphore, #tpu.memory_space<semaphore_mem>>)
        %dma_wait3A_83 = arith.constant 0 : i32
        %dma_wait3A_84 = tpu.memref_slice %arg10[%mul3A_77, %dma_wait3A_83] : memref<10000x128xf32, #tpu.memory_space<vmem_shared>> -> memref<80x128xf32, #tpu.memory_space<vmem_shared>>
        %dma_wait3A_85 = arith.constant 0 : i32
        %dma_wait3A_86 = tpu.memref_slice %arg10[%mul3A_77, %dma_wait3A_85] : memref<10000x128xf32, #tpu.memory_space<vmem_shared>> -> memref<80x128xf32, #tpu.memory_space<vmem_shared>>
        tpu.wait_dma2 semaphore(%run_scoped3A_78 : memref<!tpu.dma_semaphore, #tpu.memory_space<semaphore_mem>>) src(%arg9 : memref<80x128xf32, #tpu.memory_space<vmem>>) dst(%dma_wait3A_86 : memref<80x128xf32, #tpu.memory_space<vmem_shared>>)
        tpu.yield
      }) : () -> ()
    }
    %while3A_17 = arith.constant 1 : i32
    scf.for %while3A_73 = %while3A_15 to %while3A_11 step %while3A_17  : i32 {
      %mul3A_74 = arith.muli %while3A_73, %while3A : i32
      %add3A_75 = arith.addi %arg1, %mul3A_74 : i32
      %mul3A_76 = arith.constant 80 : i32
      %mul3A_77 = arith.muli %add3A_75, %mul3A_76 : i32
      "tpu.region"() ({
        %run_scoped3A_78 = tpu.sem_alloc : memref<!tpu.dma_semaphore, #tpu.memory_space<semaphore_mem>>
        %dma_start3A_79 = arith.constant 0 : i32
        %dma_start3A_80 = tpu.memref_slice %arg10[%mul3A_77, %dma_start3A_79] : memref<10000x128xf32, #tpu.memory_space<vmem_shared>> -> memref<80x128xf32, #tpu.memory_space<vmem_shared>>
        %dma_start3A_81 = arith.constant 0 : i32
        %dma_start3A_82 = tpu.memref_slice %arg10[%mul3A_77, %dma_start3A_81] : memref<10000x128xf32, #tpu.memory_space<vmem_shared>> -> memref<80x128xf32, #tpu.memory_space<vmem_shared>>
        tpu.enqueue_dma source(%arg9 : memref<80x128xf32, #tpu.memory_space<vmem>>) target(%dma_start3A_82 : memref<80x128xf32, #tpu.memory_space<vmem_shared>>) target_semaphore(%run_scoped3A_78 : memref<!tpu.dma_semaphore, #tpu.memory_space<semaphore_mem>>)
        %dma_wait3A_83 = arith.constant 0 : i32
        %dma_wait3A_84 = tpu.memref_slice %arg10[%mul3A_77, %dma_wait3A_83] : memref<10000x128xf32, #tpu.memory_space<vmem_shared>> -> memref<80x128xf32, #tpu.memory_space<vmem_shared>>
        %dma_wait3A_85 = arith.constant 0 : i32
        %dma_wait3A_86 = tpu.memref_slice %arg10[%mul3A_77, %dma_wait3A_85] : memref<10000x128xf32, #tpu.memory_space<vmem_shared>> -> memref<80x128xf32, #tpu.memory_space<vmem_shared>>
        tpu.wait_dma2 semaphore(%run_scoped3A_78 : memref<!tpu.dma_semaphore, #tpu.memory_space<semaphore_mem>>) src(%arg9 : memref<80x128xf32, #tpu.memory_space<vmem>>) dst(%dma_wait3A_86 : memref<80x128xf32, #tpu.memory_space<vmem_shared>>)
        tpu.yield
      }) : () -> ()
    }
    %barrier3A = arith.constant 0 : index
    tpu.barrier barrier_id(%barrier3A)
    %mul3A = arith.constant 16 : i32
    %mul3A_18 = arith.muli %arg0, %mul3A : i32
    %add3A_19 = arith.addi %mul3A_18, %arg1 : i32
    %mul3A_20 = arith.constant 10000 : i32
    %mul3A_21 = arith.muli %add3A_19, %mul3A_20 : i32
    %add3A_22 = arith.constant 0 : i32
    %add3A_23 = arith.addi %mul3A_21, %add3A_22 : i32
    %run_scoped3A = arith.constant 0 : i32
    "tpu.region"() ({
      %run_scoped3A_73 = tpu.sem_alloc : memref<!tpu.dma_semaphore, #tpu.memory_space<semaphore_mem>>
      %dma_start3A_74 = arith.constant 0 : i32
      %dma_start3A_75 = tpu.memref_slice %arg6[%run_scoped3A, %dma_start3A_74] : memref<2x80xi32, #tpu.memory_space<vmem>> -> memref<1x80xi32, #tpu.memory_space<vmem>>
      %dma_start3A_76 = tpu.memref_squeeze %dma_start3A_75 : memref<1x80xi32, #tpu.memory_space<vmem>> -> memref<80xi32, #tpu.memory_space<vmem>>
      %dma_start3A_77 = tpu.memref_slice %arg3[%add3A_23] : memref<320000xi32, #tpu.memory_space<hbm>> -> memref<80xi32, #tpu.memory_space<hbm>>
      %dma_start3A_78 = arith.constant 0 : i32
      %dma_start3A_79 = tpu.memref_slice %arg6[%run_scoped3A, %dma_start3A_78] : memref<2x80xi32, #tpu.memory_space<vmem>> -> memref<1x80xi32, #tpu.memory_space<vmem>>
      %dma_start3A_80 = tpu.memref_squeeze %dma_start3A_79 : memref<1x80xi32, #tpu.memory_space<vmem>> -> memref<80xi32, #tpu.memory_space<vmem>>
      %dma_start3A_81 = tpu.memref_slice %arg3[%add3A_23] : memref<320000xi32, #tpu.memory_space<hbm>> -> memref<80xi32, #tpu.memory_space<hbm>>
      tpu.enqueue_dma source(%dma_start3A_81 : memref<80xi32, #tpu.memory_space<hbm>>) target(%dma_start3A_80 : memref<80xi32, #tpu.memory_space<vmem>>) target_semaphore(%run_scoped3A_73 : memref<!tpu.dma_semaphore, #tpu.memory_space<semaphore_mem>>)
      %dma_wait3A_82 = arith.constant 0 : i32
      %dma_wait3A_83 = tpu.memref_slice %arg6[%run_scoped3A, %dma_wait3A_82] : memref<2x80xi32, #tpu.memory_space<vmem>> -> memref<1x80xi32, #tpu.memory_space<vmem>>
      %dma_wait3A_84 = tpu.memref_squeeze %dma_wait3A_83 : memref<1x80xi32, #tpu.memory_space<vmem>> -> memref<80xi32, #tpu.memory_space<vmem>>
      %dma_wait3A_85 = tpu.memref_slice %arg3[%add3A_23] : memref<320000xi32, #tpu.memory_space<hbm>> -> memref<80xi32, #tpu.memory_space<hbm>>
      %dma_wait3A_86 = arith.constant 0 : i32
      %dma_wait3A_87 = tpu.memref_slice %arg6[%run_scoped3A, %dma_wait3A_86] : memref<2x80xi32, #tpu.memory_space<vmem>> -> memref<1x80xi32, #tpu.memory_space<vmem>>
      %dma_wait3A_88 = tpu.memref_squeeze %dma_wait3A_87 : memref<1x80xi32, #tpu.memory_space<vmem>> -> memref<80xi32, #tpu.memory_space<vmem>>
      %dma_wait3A_89 = tpu.memref_slice %arg3[%add3A_23] : memref<320000xi32, #tpu.memory_space<hbm>> -> memref<80xi32, #tpu.memory_space<hbm>>
      tpu.wait_dma2 semaphore(%run_scoped3A_73 : memref<!tpu.dma_semaphore, #tpu.memory_space<semaphore_mem>>) src(%dma_wait3A_89 : memref<80xi32, #tpu.memory_space<hbm>>) dst(%dma_wait3A_88 : memref<80xi32, #tpu.memory_space<vmem>>)
      tpu.yield
    }) : () -> ()
    %run_scoped3A_24 = arith.constant 0 : i32
    "tpu.region"() ({
      %run_scoped3A_73 = tpu.sem_alloc : memref<!tpu.dma_semaphore, #tpu.memory_space<semaphore_mem>>
      %dma_start3A_74 = arith.constant 0 : i32
      %dma_start3A_75 = tpu.memref_slice %arg7[%run_scoped3A_24, %dma_start3A_74] : memref<2x80xi32, #tpu.memory_space<vmem>> -> memref<1x80xi32, #tpu.memory_space<vmem>>
      %dma_start3A_76 = tpu.memref_squeeze %dma_start3A_75 : memref<1x80xi32, #tpu.memory_space<vmem>> -> memref<80xi32, #tpu.memory_space<vmem>>
      %dma_start3A_77 = tpu.memref_slice %arg4[%add3A_23] : memref<320000xi32, #tpu.memory_space<hbm>> -> memref<80xi32, #tpu.memory_space<hbm>>
      %dma_start3A_78 = arith.constant 0 : i32
      %dma_start3A_79 = tpu.memref_slice %arg7[%run_scoped3A_24, %dma_start3A_78] : memref<2x80xi32, #tpu.memory_space<vmem>> -> memref<1x80xi32, #tpu.memory_space<vmem>>
      %dma_start3A_80 = tpu.memref_squeeze %dma_start3A_79 : memref<1x80xi32, #tpu.memory_space<vmem>> -> memref<80xi32, #tpu.memory_space<vmem>>
      %dma_start3A_81 = tpu.memref_slice %arg4[%add3A_23] : memref<320000xi32, #tpu.memory_space<hbm>> -> memref<80xi32, #tpu.memory_space<hbm>>
      tpu.enqueue_dma source(%dma_start3A_81 : memref<80xi32, #tpu.memory_space<hbm>>) target(%dma_start3A_80 : memref<80xi32, #tpu.memory_space<vmem>>) target_semaphore(%run_scoped3A_73 : memref<!tpu.dma_semaphore, #tpu.memory_space<semaphore_mem>>)
      %dma_wait3A_82 = arith.constant 0 : i32
      %dma_wait3A_83 = tpu.memref_slice %arg7[%run_scoped3A_24, %dma_wait3A_82] : memref<2x80xi32, #tpu.memory_space<vmem>> -> memref<1x80xi32, #tpu.memory_space<vmem>>
      %dma_wait3A_84 = tpu.memref_squeeze %dma_wait3A_83 : memref<1x80xi32, #tpu.memory_space<vmem>> -> memref<80xi32, #tpu.memory_space<vmem>>
      %dma_wait3A_85 = tpu.memref_slice %arg4[%add3A_23] : memref<320000xi32, #tpu.memory_space<hbm>> -> memref<80xi32, #tpu.memory_space<hbm>>
      %dma_wait3A_86 = arith.constant 0 : i32
      %dma_wait3A_87 = tpu.memref_slice %arg7[%run_scoped3A_24, %dma_wait3A_86] : memref<2x80xi32, #tpu.memory_space<vmem>> -> memref<1x80xi32, #tpu.memory_space<vmem>>
      %dma_wait3A_88 = tpu.memref_squeeze %dma_wait3A_87 : memref<1x80xi32, #tpu.memory_space<vmem>> -> memref<80xi32, #tpu.memory_space<vmem>>
      %dma_wait3A_89 = tpu.memref_slice %arg4[%add3A_23] : memref<320000xi32, #tpu.memory_space<hbm>> -> memref<80xi32, #tpu.memory_space<hbm>>
      tpu.wait_dma2 semaphore(%run_scoped3A_73 : memref<!tpu.dma_semaphore, #tpu.memory_space<semaphore_mem>>) src(%dma_wait3A_89 : memref<80xi32, #tpu.memory_space<hbm>>) dst(%dma_wait3A_88 : memref<80xi32, #tpu.memory_space<vmem>>)
      tpu.yield
    }) : () -> ()
    %dma_start3A = arith.constant 0 : i32
    %dma_start3A_25 = arith.constant 0 : i32
    %dma_start3A_26 = arith.constant 0 : i32
    %dma_start3A_27 = arith.constant 0 : i32
    %dma_start3A_28 = tpu.memref_slice %arg8[%dma_start3A_25, %dma_start3A_26, %dma_start3A_27] : memref<2x80x128xf32, #tpu.memory_space<vmem>> -> memref<1x80x128xf32, #tpu.memory_space<vmem>>
    %dma_start3A_29 = tpu.memref_squeeze %dma_start3A_28 : memref<1x80x128xf32, #tpu.memory_space<vmem>> -> memref<80x128xf32, #tpu.memory_space<vmem>>
    %dma_start3A_30 = arith.constant 0 : i32
    %dma_start3A_31 = tpu.memref_slice %arg6[%dma_start3A, %dma_start3A_30] : memref<2x80xi32, #tpu.memory_space<vmem>> -> memref<1x80xi32, #tpu.memory_space<vmem>>
    %dma_start3A_32 = tpu.memref_squeeze %dma_start3A_31 : memref<1x80xi32, #tpu.memory_space<vmem>> -> memref<80xi32, #tpu.memory_space<vmem>>
    %dma_start3A_33 = arith.constant 0 : i32
    %dma_start3A_34 = arith.constant 0 : i32
    %dma_start3A_35 = tpu.memref_slice %arg2[%dma_start3A_33, %dma_start3A_34] : memref<10000x128xf32, #tpu.memory_space<hbm>> -> memref<10000x128xf32, #tpu.memory_space<hbm>>
    tpu.enqueue_indirect_dma source(%dma_start3A_35 : memref<10000x128xf32, #tpu.memory_space<hbm>>) target(%dma_start3A_29 : memref<80x128xf32, #tpu.memory_space<vmem>>) offsets(%dma_start3A_32 : memref<80xi32, #tpu.memory_space<vmem>>) semaphore(%arg11 : memref<!tpu.dma_semaphore, #tpu.memory_space<semaphore_mem>>)
    %scan3A_36 = arith.constant 0 : i32
    %scan3A_37 = arith.constant 62 : i32
    %scan3A_38 = arith.addi %scan3A_36, %scan3A_37 : i32
    %scan3A_39 = arith.constant 1 : i32
    scf.for %scan3A_73 = %scan3A_36 to %scan3A_38 step %scan3A_39  : i32 {
      %mul3A_74 = arith.constant 2 : i32
      %mul3A_75 = arith.muli %scan3A_73, %mul3A_74 : i32
      %add3A_76 = arith.constant 0 : i32
      %add3A_77 = arith.addi %add3A_76, %mul3A_75 : i32
      %add3A_78 = arith.constant 0 : i32
      %add3A_79 = arith.addi %add3A_77, %add3A_78 : i32
      %add3A_80 = arith.constant 1 : i32
      %add3A_81 = arith.addi %add3A_79, %add3A_80 : i32
      %mul3A_82 = arith.constant 80 : i32
      %mul3A_83 = arith.muli %add3A_81, %mul3A_82 : i32
      %add3A_84 = arith.addi %mul3A_21, %mul3A_83 : i32
      %run_scoped3A_85 = arith.constant 1 : i32
      "tpu.region"() ({
        %run_scoped3A_148 = tpu.sem_alloc : memref<!tpu.dma_semaphore, #tpu.memory_space<semaphore_mem>>
        %dma_start3A_149 = arith.constant 0 : i32
        %dma_start3A_150 = tpu.memref_slice %arg6[%run_scoped3A_85, %dma_start3A_149] : memref<2x80xi32, #tpu.memory_space<vmem>> -> memref<1x80xi32, #tpu.memory_space<vmem>>
        %dma_start3A_151 = tpu.memref_squeeze %dma_start3A_150 : memref<1x80xi32, #tpu.memory_space<vmem>> -> memref<80xi32, #tpu.memory_space<vmem>>
        %dma_start3A_152 = tpu.memref_slice %arg3[%add3A_84] : memref<320000xi32, #tpu.memory_space<hbm>> -> memref<80xi32, #tpu.memory_space<hbm>>
        %dma_start3A_153 = arith.constant 0 : i32
        %dma_start3A_154 = tpu.memref_slice %arg6[%run_scoped3A_85, %dma_start3A_153] : memref<2x80xi32, #tpu.memory_space<vmem>> -> memref<1x80xi32, #tpu.memory_space<vmem>>
        %dma_start3A_155 = tpu.memref_squeeze %dma_start3A_154 : memref<1x80xi32, #tpu.memory_space<vmem>> -> memref<80xi32, #tpu.memory_space<vmem>>
        %dma_start3A_156 = tpu.memref_slice %arg3[%add3A_84] : memref<320000xi32, #tpu.memory_space<hbm>> -> memref<80xi32, #tpu.memory_space<hbm>>
        tpu.enqueue_dma source(%dma_start3A_156 : memref<80xi32, #tpu.memory_space<hbm>>) target(%dma_start3A_155 : memref<80xi32, #tpu.memory_space<vmem>>) target_semaphore(%run_scoped3A_148 : memref<!tpu.dma_semaphore, #tpu.memory_space<semaphore_mem>>)
        %dma_wait3A_157 = arith.constant 0 : i32
        %dma_wait3A_158 = tpu.memref_slice %arg6[%run_scoped3A_85, %dma_wait3A_157] : memref<2x80xi32, #tpu.memory_space<vmem>> -> memref<1x80xi32, #tpu.memory_space<vmem>>
        %dma_wait3A_159 = tpu.memref_squeeze %dma_wait3A_158 : memref<1x80xi32, #tpu.memory_space<vmem>> -> memref<80xi32, #tpu.memory_space<vmem>>
        %dma_wait3A_160 = tpu.memref_slice %arg3[%add3A_84] : memref<320000xi32, #tpu.memory_space<hbm>> -> memref<80xi32, #tpu.memory_space<hbm>>
        %dma_wait3A_161 = arith.constant 0 : i32
        %dma_wait3A_162 = tpu.memref_slice %arg6[%run_scoped3A_85, %dma_wait3A_161] : memref<2x80xi32, #tpu.memory_space<vmem>> -> memref<1x80xi32, #tpu.memory_space<vmem>>
        %dma_wait3A_163 = tpu.memref_squeeze %dma_wait3A_162 : memref<1x80xi32, #tpu.memory_space<vmem>> -> memref<80xi32, #tpu.memory_space<vmem>>
        %dma_wait3A_164 = tpu.memref_slice %arg3[%add3A_84] : memref<320000xi32, #tpu.memory_space<hbm>> -> memref<80xi32, #tpu.memory_space<hbm>>
        tpu.wait_dma2 semaphore(%run_scoped3A_148 : memref<!tpu.dma_semaphore, #tpu.memory_space<semaphore_mem>>) src(%dma_wait3A_164 : memref<80xi32, #tpu.memory_space<hbm>>) dst(%dma_wait3A_163 : memref<80xi32, #tpu.memory_space<vmem>>)
        tpu.yield
      }) : () -> ()
      %run_scoped3A_86 = arith.constant 1 : i32
      "tpu.region"() ({
        %run_scoped3A_148 = tpu.sem_alloc : memref<!tpu.dma_semaphore, #tpu.memory_space<semaphore_mem>>
        %dma_start3A_149 = arith.constant 0 : i32
        %dma_start3A_150 = tpu.memref_slice %arg7[%run_scoped3A_86, %dma_start3A_149] : memref<2x80xi32, #tpu.memory_space<vmem>> -> memref<1x80xi32, #tpu.memory_space<vmem>>
        %dma_start3A_151 = tpu.memref_squeeze %dma_start3A_150 : memref<1x80xi32, #tpu.memory_space<vmem>> -> memref<80xi32, #tpu.memory_space<vmem>>
        %dma_start3A_152 = tpu.memref_slice %arg4[%add3A_84] : memref<320000xi32, #tpu.memory_space<hbm>> -> memref<80xi32, #tpu.memory_space<hbm>>
        %dma_start3A_153 = arith.constant 0 : i32
        %dma_start3A_154 = tpu.memref_slice %arg7[%run_scoped3A_86, %dma_start3A_153] : memref<2x80xi32, #tpu.memory_space<vmem>> -> memref<1x80xi32, #tpu.memory_space<vmem>>
        %dma_start3A_155 = tpu.memref_squeeze %dma_start3A_154 : memref<1x80xi32, #tpu.memory_space<vmem>> -> memref<80xi32, #tpu.memory_space<vmem>>
        %dma_start3A_156 = tpu.memref_slice %arg4[%add3A_84] : memref<320000xi32, #tpu.memory_space<hbm>> -> memref<80xi32, #tpu.memory_space<hbm>>
        tpu.enqueue_dma source(%dma_start3A_156 : memref<80xi32, #tpu.memory_space<hbm>>) target(%dma_start3A_155 : memref<80xi32, #tpu.memory_space<vmem>>) target_semaphore(%run_scoped3A_148 : memref<!tpu.dma_semaphore, #tpu.memory_space<semaphore_mem>>)
        %dma_wait3A_157 = arith.constant 0 : i32
        %dma_wait3A_158 = tpu.memref_slice %arg7[%run_scoped3A_86, %dma_wait3A_157] : memref<2x80xi32, #tpu.memory_space<vmem>> -> memref<1x80xi32, #tpu.memory_space<vmem>>
        %dma_wait3A_159 = tpu.memref_squeeze %dma_wait3A_158 : memref<1x80xi32, #tpu.memory_space<vmem>> -> memref<80xi32, #tpu.memory_space<vmem>>
        %dma_wait3A_160 = tpu.memref_slice %arg4[%add3A_84] : memref<320000xi32, #tpu.memory_space<hbm>> -> memref<80xi32, #tpu.memory_space<hbm>>
        %dma_wait3A_161 = arith.constant 0 : i32
        %dma_wait3A_162 = tpu.memref_slice %arg7[%run_scoped3A_86, %dma_wait3A_161] : memref<2x80xi32, #tpu.memory_space<vmem>> -> memref<1x80xi32, #tpu.memory_space<vmem>>
        %dma_wait3A_163 = tpu.memref_squeeze %dma_wait3A_162 : memref<1x80xi32, #tpu.memory_space<vmem>> -> memref<80xi32, #tpu.memory_space<vmem>>
        %dma_wait3A_164 = tpu.memref_slice %arg4[%add3A_84] : memref<320000xi32, #tpu.memory_space<hbm>> -> memref<80xi32, #tpu.memory_space<hbm>>
        tpu.wait_dma2 semaphore(%run_scoped3A_148 : memref<!tpu.dma_semaphore, #tpu.memory_space<semaphore_mem>>) src(%dma_wait3A_164 : memref<80xi32, #tpu.memory_space<hbm>>) dst(%dma_wait3A_163 : memref<80xi32, #tpu.memory_space<vmem>>)
        tpu.yield
      }) : () -> ()
      %dma_start3A_87 = arith.constant 1 : i32
      %dma_start3A_88 = arith.constant 1 : i32
      %dma_start3A_89 = arith.constant 0 : i32
      %dma_start3A_90 = arith.constant 0 : i32
      %dma_start3A_91 = tpu.memref_slice %arg8[%dma_start3A_88, %dma_start3A_89, %dma_start3A_90] : memref<2x80x128xf32, #tpu.memory_space<vmem>> -> memref<1x80x128xf32, #tpu.memory_space<vmem>>
      %dma_start3A_92 = tpu.memref_squeeze %dma_start3A_91 : memref<1x80x128xf32, #tpu.memory_space<vmem>> -> memref<80x128xf32, #tpu.memory_space<vmem>>
      %dma_start3A_93 = arith.constant 0 : i32
      %dma_start3A_94 = tpu.memref_slice %arg6[%dma_start3A_87, %dma_start3A_93] : memref<2x80xi32, #tpu.memory_space<vmem>> -> memref<1x80xi32, #tpu.memory_space<vmem>>
      %dma_start3A_95 = tpu.memref_squeeze %dma_start3A_94 : memref<1x80xi32, #tpu.memory_space<vmem>> -> memref<80xi32, #tpu.memory_space<vmem>>
      %dma_start3A_96 = arith.constant 0 : i32
      %dma_start3A_97 = arith.constant 0 : i32
      %dma_start3A_98 = tpu.memref_slice %arg2[%dma_start3A_96, %dma_start3A_97] : memref<10000x128xf32, #tpu.memory_space<hbm>> -> memref<10000x128xf32, #tpu.memory_space<hbm>>
      tpu.enqueue_indirect_dma source(%dma_start3A_98 : memref<10000x128xf32, #tpu.memory_space<hbm>>) target(%dma_start3A_92 : memref<80x128xf32, #tpu.memory_space<vmem>>) offsets(%dma_start3A_95 : memref<80xi32, #tpu.memory_space<vmem>>) semaphore(%arg12 : memref<!tpu.dma_semaphore, #tpu.memory_space<semaphore_mem>>)
      %dma_wait3A_99 = arith.constant 0 : i32
      %dma_wait3A_100 = arith.constant 0 : i32
      %dma_wait3A_101 = arith.constant 0 : i32
      %dma_wait3A_102 = arith.constant 0 : i32
      %dma_wait3A_103 = tpu.memref_slice %arg8[%dma_wait3A_100, %dma_wait3A_101, %dma_wait3A_102] : memref<2x80x128xf32, #tpu.memory_space<vmem>> -> memref<1x80x128xf32, #tpu.memory_space<vmem>>
      %dma_wait3A_104 = tpu.memref_squeeze %dma_wait3A_103 : memref<1x80x128xf32, #tpu.memory_space<vmem>> -> memref<80x128xf32, #tpu.memory_space<vmem>>
      %dma_wait3A_105 = arith.constant 0 : i32
      %dma_wait3A_106 = tpu.memref_slice %arg6[%dma_wait3A_99, %dma_wait3A_105] : memref<2x80xi32, #tpu.memory_space<vmem>> -> memref<1x80xi32, #tpu.memory_space<vmem>>
      %dma_wait3A_107 = tpu.memref_squeeze %dma_wait3A_106 : memref<1x80xi32, #tpu.memory_space<vmem>> -> memref<80xi32, #tpu.memory_space<vmem>>
      %dma_wait3A_108 = arith.constant 0 : i32
      %dma_wait3A_109 = arith.constant 0 : i32
      %dma_wait3A_110 = tpu.memref_slice %arg2[%dma_wait3A_108, %dma_wait3A_109] : memref<10000x128xf32, #tpu.memory_space<hbm>> -> memref<10000x128xf32, #tpu.memory_space<hbm>>
      tpu.wait_indirect_dma semaphore(%arg11 : memref<!tpu.dma_semaphore, #tpu.memory_space<semaphore_mem>>) src(%dma_wait3A_110 : memref<10000x128xf32, #tpu.memory_space<hbm>>) dst(%dma_wait3A_104 : memref<80x128xf32, #tpu.memory_space<vmem>>)
      %run_scoped3A_111 = arith.constant 0 : i32
      %run_scoped3A_112 = arith.constant 0 : i32
      "tpu.region"() ({
        %run_scoped3A_148 = tpu.sem_alloc : memref<!tpu.dma_semaphore, #tpu.memory_space<semaphore_mem>>
        %dma_start3A_149 = arith.constant 0 : i32
        %dma_start3A_150 = arith.constant 0 : i32
        %dma_start3A_151 = tpu.memref_slice %arg8[%run_scoped3A_111, %dma_start3A_149, %dma_start3A_150] : memref<2x80x128xf32, #tpu.memory_space<vmem>> -> memref<1x80x128xf32, #tpu.memory_space<vmem>>
        %dma_start3A_152 = tpu.memref_squeeze %dma_start3A_151 : memref<1x80x128xf32, #tpu.memory_space<vmem>> -> memref<80x128xf32, #tpu.memory_space<vmem>>
        %dma_start3A_153 = arith.constant 0 : i32
        %dma_start3A_154 = tpu.memref_slice %arg7[%run_scoped3A_112, %dma_start3A_153] : memref<2x80xi32, #tpu.memory_space<vmem>> -> memref<1x80xi32, #tpu.memory_space<vmem>>
        %dma_start3A_155 = tpu.memref_squeeze %dma_start3A_154 : memref<1x80xi32, #tpu.memory_space<vmem>> -> memref<80xi32, #tpu.memory_space<vmem>>
        %dma_start3A_156 = arith.constant 0 : i32
        %dma_start3A_157 = arith.constant 0 : i32
        %dma_start3A_158 = tpu.memref_slice %arg10[%dma_start3A_156, %dma_start3A_157] : memref<10000x128xf32, #tpu.memory_space<vmem_shared>> -> memref<10000x128xf32, #tpu.memory_space<vmem_shared>>
        tpu.enqueue_indirect_dma source(%dma_start3A_152 : memref<80x128xf32, #tpu.memory_space<vmem>>) target(%dma_start3A_158 : memref<10000x128xf32, #tpu.memory_space<vmem_shared>>) offsets(%dma_start3A_155 : memref<80xi32, #tpu.memory_space<vmem>>) semaphore(%run_scoped3A_148 : memref<!tpu.dma_semaphore, #tpu.memory_space<semaphore_mem>>) {add = true}
        %dma_wait3A_159 = arith.constant 0 : i32
        %dma_wait3A_160 = arith.constant 0 : i32
        %dma_wait3A_161 = tpu.memref_slice %arg8[%run_scoped3A_111, %dma_wait3A_159, %dma_wait3A_160] : memref<2x80x128xf32, #tpu.memory_space<vmem>> -> memref<1x80x128xf32, #tpu.memory_space<vmem>>
        %dma_wait3A_162 = tpu.memref_squeeze %dma_wait3A_161 : memref<1x80x128xf32, #tpu.memory_space<vmem>> -> memref<80x128xf32, #tpu.memory_space<vmem>>
        %dma_wait3A_163 = arith.constant 0 : i32
        %dma_wait3A_164 = tpu.memref_slice %arg7[%run_scoped3A_112, %dma_wait3A_163] : memref<2x80xi32, #tpu.memory_space<vmem>> -> memref<1x80xi32, #tpu.memory_space<vmem>>
        %dma_wait3A_165 = tpu.memref_squeeze %dma_wait3A_164 : memref<1x80xi32, #tpu.memory_space<vmem>> -> memref<80xi32, #tpu.memory_space<vmem>>
        %dma_wait3A_166 = arith.constant 0 : i32
        %dma_wait3A_167 = arith.constant 0 : i32
        %dma_wait3A_168 = tpu.memref_slice %arg10[%dma_wait3A_166, %dma_wait3A_167] : memref<10000x128xf32, #tpu.memory_space<vmem_shared>> -> memref<10000x128xf32, #tpu.memory_space<vmem_shared>>
        tpu.wait_indirect_dma semaphore(%run_scoped3A_148 : memref<!tpu.dma_semaphore, #tpu.memory_space<semaphore_mem>>) src(%dma_wait3A_162 : memref<80x128xf32, #tpu.memory_space<vmem>>) dst(%dma_wait3A_168 : memref<10000x128xf32, #tpu.memory_space<vmem_shared>>)
        tpu.yield
      }) : () -> ()
      %add3A_113 = arith.constant 1 : i32
      %add3A_114 = arith.addi %add3A_77, %add3A_113 : i32
      %add3A_115 = arith.constant 1 : i32
      %add3A_116 = arith.addi %add3A_114, %add3A_115 : i32
      %mul3A_117 = arith.constant 80 : i32
      %mul3A_118 = arith.muli %add3A_116, %mul3A_117 : i32
      %add3A_119 = arith.addi %mul3A_21, %mul3A_118 : i32
      %run_scoped3A_120 = arith.constant 0 : i32
      "tpu.region"() ({
        %run_scoped3A_148 = tpu.sem_alloc : memref<!tpu.dma_semaphore, #tpu.memory_space<semaphore_mem>>
        %dma_start3A_149 = arith.constant 0 : i32
        %dma_start3A_150 = tpu.memref_slice %arg6[%run_scoped3A_120, %dma_start3A_149] : memref<2x80xi32, #tpu.memory_space<vmem>> -> memref<1x80xi32, #tpu.memory_space<vmem>>
        %dma_start3A_151 = tpu.memref_squeeze %dma_start3A_150 : memref<1x80xi32, #tpu.memory_space<vmem>> -> memref<80xi32, #tpu.memory_space<vmem>>
        %dma_start3A_152 = tpu.memref_slice %arg3[%add3A_119] : memref<320000xi32, #tpu.memory_space<hbm>> -> memref<80xi32, #tpu.memory_space<hbm>>
        %dma_start3A_153 = arith.constant 0 : i32
        %dma_start3A_154 = tpu.memref_slice %arg6[%run_scoped3A_120, %dma_start3A_153] : memref<2x80xi32, #tpu.memory_space<vmem>> -> memref<1x80xi32, #tpu.memory_space<vmem>>
        %dma_start3A_155 = tpu.memref_squeeze %dma_start3A_154 : memref<1x80xi32, #tpu.memory_space<vmem>> -> memref<80xi32, #tpu.memory_space<vmem>>
        %dma_start3A_156 = tpu.memref_slice %arg3[%add3A_119] : memref<320000xi32, #tpu.memory_space<hbm>> -> memref<80xi32, #tpu.memory_space<hbm>>
        tpu.enqueue_dma source(%dma_start3A_156 : memref<80xi32, #tpu.memory_space<hbm>>) target(%dma_start3A_155 : memref<80xi32, #tpu.memory_space<vmem>>) target_semaphore(%run_scoped3A_148 : memref<!tpu.dma_semaphore, #tpu.memory_space<semaphore_mem>>)
        %dma_wait3A_157 = arith.constant 0 : i32
        %dma_wait3A_158 = tpu.memref_slice %arg6[%run_scoped3A_120, %dma_wait3A_157] : memref<2x80xi32, #tpu.memory_space<vmem>> -> memref<1x80xi32, #tpu.memory_space<vmem>>
        %dma_wait3A_159 = tpu.memref_squeeze %dma_wait3A_158 : memref<1x80xi32, #tpu.memory_space<vmem>> -> memref<80xi32, #tpu.memory_space<vmem>>
        %dma_wait3A_160 = tpu.memref_slice %arg3[%add3A_119] : memref<320000xi32, #tpu.memory_space<hbm>> -> memref<80xi32, #tpu.memory_space<hbm>>
        %dma_wait3A_161 = arith.constant 0 : i32
        %dma_wait3A_162 = tpu.memref_slice %arg6[%run_scoped3A_120, %dma_wait3A_161] : memref<2x80xi32, #tpu.memory_space<vmem>> -> memref<1x80xi32, #tpu.memory_space<vmem>>
        %dma_wait3A_163 = tpu.memref_squeeze %dma_wait3A_162 : memref<1x80xi32, #tpu.memory_space<vmem>> -> memref<80xi32, #tpu.memory_space<vmem>>
        %dma_wait3A_164 = tpu.memref_slice %arg3[%add3A_119] : memref<320000xi32, #tpu.memory_space<hbm>> -> memref<80xi32, #tpu.memory_space<hbm>>
        tpu.wait_dma2 semaphore(%run_scoped3A_148 : memref<!tpu.dma_semaphore, #tpu.memory_space<semaphore_mem>>) src(%dma_wait3A_164 : memref<80xi32, #tpu.memory_space<hbm>>) dst(%dma_wait3A_163 : memref<80xi32, #tpu.memory_space<vmem>>)
        tpu.yield
      }) : () -> ()
      %run_scoped3A_121 = arith.constant 0 : i32
      "tpu.region"() ({
        %run_scoped3A_148 = tpu.sem_alloc : memref<!tpu.dma_semaphore, #tpu.memory_space<semaphore_mem>>
        %dma_start3A_149 = arith.constant 0 : i32
        %dma_start3A_150 = tpu.memref_slice %arg7[%run_scoped3A_121, %dma_start3A_149] : memref<2x80xi32, #tpu.memory_space<vmem>> -> memref<1x80xi32, #tpu.memory_space<vmem>>
        %dma_start3A_151 = tpu.memref_squeeze %dma_start3A_150 : memref<1x80xi32, #tpu.memory_space<vmem>> -> memref<80xi32, #tpu.memory_space<vmem>>
        %dma_start3A_152 = tpu.memref_slice %arg4[%add3A_119] : memref<320000xi32, #tpu.memory_space<hbm>> -> memref<80xi32, #tpu.memory_space<hbm>>
        %dma_start3A_153 = arith.constant 0 : i32
        %dma_start3A_154 = tpu.memref_slice %arg7[%run_scoped3A_121, %dma_start3A_153] : memref<2x80xi32, #tpu.memory_space<vmem>> -> memref<1x80xi32, #tpu.memory_space<vmem>>
        %dma_start3A_155 = tpu.memref_squeeze %dma_start3A_154 : memref<1x80xi32, #tpu.memory_space<vmem>> -> memref<80xi32, #tpu.memory_space<vmem>>
        %dma_start3A_156 = tpu.memref_slice %arg4[%add3A_119] : memref<320000xi32, #tpu.memory_space<hbm>> -> memref<80xi32, #tpu.memory_space<hbm>>
        tpu.enqueue_dma source(%dma_start3A_156 : memref<80xi32, #tpu.memory_space<hbm>>) target(%dma_start3A_155 : memref<80xi32, #tpu.memory_space<vmem>>) target_semaphore(%run_scoped3A_148 : memref<!tpu.dma_semaphore, #tpu.memory_space<semaphore_mem>>)
        %dma_wait3A_157 = arith.constant 0 : i32
        %dma_wait3A_158 = tpu.memref_slice %arg7[%run_scoped3A_121, %dma_wait3A_157] : memref<2x80xi32, #tpu.memory_space<vmem>> -> memref<1x80xi32, #tpu.memory_space<vmem>>
        %dma_wait3A_159 = tpu.memref_squeeze %dma_wait3A_158 : memref<1x80xi32, #tpu.memory_space<vmem>> -> memref<80xi32, #tpu.memory_space<vmem>>
        %dma_wait3A_160 = tpu.memref_slice %arg4[%add3A_119] : memref<320000xi32, #tpu.memory_space<hbm>> -> memref<80xi32, #tpu.memory_space<hbm>>
        %dma_wait3A_161 = arith.constant 0 : i32
        %dma_wait3A_162 = tpu.memref_slice %arg7[%run_scoped3A_121, %dma_wait3A_161] : memref<2x80xi32, #tpu.memory_space<vmem>> -> memref<1x80xi32, #tpu.memory_space<vmem>>
        %dma_wait3A_163 = tpu.memref_squeeze %dma_wait3A_162 : memref<1x80xi32, #tpu.memory_space<vmem>> -> memref<80xi32, #tpu.memory_space<vmem>>
        %dma_wait3A_164 = tpu.memref_slice %arg4[%add3A_119] : memref<320000xi32, #tpu.memory_space<hbm>> -> memref<80xi32, #tpu.memory_space<hbm>>
        tpu.wait_dma2 semaphore(%run_scoped3A_148 : memref<!tpu.dma_semaphore, #tpu.memory_space<semaphore_mem>>) src(%dma_wait3A_164 : memref<80xi32, #tpu.memory_space<hbm>>) dst(%dma_wait3A_163 : memref<80xi32, #tpu.memory_space<vmem>>)
        tpu.yield
      }) : () -> ()
      %dma_start3A_122 = arith.constant 0 : i32
      %dma_start3A_123 = arith.constant 0 : i32
      %dma_start3A_124 = arith.constant 0 : i32
      %dma_start3A_125 = arith.constant 0 : i32
      %dma_start3A_126 = tpu.memref_slice %arg8[%dma_start3A_123, %dma_start3A_124, %dma_start3A_125] : memref<2x80x128xf32, #tpu.memory_space<vmem>> -> memref<1x80x128xf32, #tpu.memory_space<vmem>>
      %dma_start3A_127 = tpu.memref_squeeze %dma_start3A_126 : memref<1x80x128xf32, #tpu.memory_space<vmem>> -> memref<80x128xf32, #tpu.memory_space<vmem>>
      %dma_start3A_128 = arith.constant 0 : i32
      %dma_start3A_129 = tpu.memref_slice %arg6[%dma_start3A_122, %dma_start3A_128] : memref<2x80xi32, #tpu.memory_space<vmem>> -> memref<1x80xi32, #tpu.memory_space<vmem>>
      %dma_start3A_130 = tpu.memref_squeeze %dma_start3A_129 : memref<1x80xi32, #tpu.memory_space<vmem>> -> memref<80xi32, #tpu.memory_space<vmem>>
      %dma_start3A_131 = arith.constant 0 : i32
      %dma_start3A_132 = arith.constant 0 : i32
      %dma_start3A_133 = tpu.memref_slice %arg2[%dma_start3A_131, %dma_start3A_132] : memref<10000x128xf32, #tpu.memory_space<hbm>> -> memref<10000x128xf32, #tpu.memory_space<hbm>>
      tpu.enqueue_indirect_dma source(%dma_start3A_133 : memref<10000x128xf32, #tpu.memory_space<hbm>>) target(%dma_start3A_127 : memref<80x128xf32, #tpu.memory_space<vmem>>) offsets(%dma_start3A_130 : memref<80xi32, #tpu.memory_space<vmem>>) semaphore(%arg11 : memref<!tpu.dma_semaphore, #tpu.memory_space<semaphore_mem>>)
      %dma_wait3A_134 = arith.constant 1 : i32
      %dma_wait3A_135 = arith.constant 1 : i32
      %dma_wait3A_136 = arith.constant 0 : i32
      %dma_wait3A_137 = arith.constant 0 : i32
      %dma_wait3A_138 = tpu.memref_slice %arg8[%dma_wait3A_135, %dma_wait3A_136, %dma_wait3A_137] : memref<2x80x128xf32, #tpu.memory_space<vmem>> -> memref<1x80x128xf32, #tpu.memory_space<vmem>>
      %dma_wait3A_139 = tpu.memref_squeeze %dma_wait3A_138 : memref<1x80x128xf32, #tpu.memory_space<vmem>> -> memref<80x128xf32, #tpu.memory_space<vmem>>
      %dma_wait3A_140 = arith.constant 0 : i32
      %dma_wait3A_141 = tpu.memref_slice %arg6[%dma_wait3A_134, %dma_wait3A_140] : memref<2x80xi32, #tpu.memory_space<vmem>> -> memref<1x80xi32, #tpu.memory_space<vmem>>
      %dma_wait3A_142 = tpu.memref_squeeze %dma_wait3A_141 : memref<1x80xi32, #tpu.memory_space<vmem>> -> memref<80xi32, #tpu.memory_space<vmem>>
      %dma_wait3A_143 = arith.constant 0 : i32
      %dma_wait3A_144 = arith.constant 0 : i32
      %dma_wait3A_145 = tpu.memref_slice %arg2[%dma_wait3A_143, %dma_wait3A_144] : memref<10000x128xf32, #tpu.memory_space<hbm>> -> memref<10000x128xf32, #tpu.memory_space<hbm>>
      tpu.wait_indirect_dma semaphore(%arg12 : memref<!tpu.dma_semaphore, #tpu.memory_space<semaphore_mem>>) src(%dma_wait3A_145 : memref<10000x128xf32, #tpu.memory_space<hbm>>) dst(%dma_wait3A_139 : memref<80x128xf32, #tpu.memory_space<vmem>>)
      %run_scoped3A_146 = arith.constant 1 : i32
      %run_scoped3A_147 = arith.constant 1 : i32
      "tpu.region"() ({
        %run_scoped3A_148 = tpu.sem_alloc : memref<!tpu.dma_semaphore, #tpu.memory_space<semaphore_mem>>
        %dma_start3A_149 = arith.constant 0 : i32
        %dma_start3A_150 = arith.constant 0 : i32
        %dma_start3A_151 = tpu.memref_slice %arg8[%run_scoped3A_146, %dma_start3A_149, %dma_start3A_150] : memref<2x80x128xf32, #tpu.memory_space<vmem>> -> memref<1x80x128xf32, #tpu.memory_space<vmem>>
        %dma_start3A_152 = tpu.memref_squeeze %dma_start3A_151 : memref<1x80x128xf32, #tpu.memory_space<vmem>> -> memref<80x128xf32, #tpu.memory_space<vmem>>
        %dma_start3A_153 = arith.constant 0 : i32
        %dma_start3A_154 = tpu.memref_slice %arg7[%run_scoped3A_147, %dma_start3A_153] : memref<2x80xi32, #tpu.memory_space<vmem>> -> memref<1x80xi32, #tpu.memory_space<vmem>>
        %dma_start3A_155 = tpu.memref_squeeze %dma_start3A_154 : memref<1x80xi32, #tpu.memory_space<vmem>> -> memref<80xi32, #tpu.memory_space<vmem>>
        %dma_start3A_156 = arith.constant 0 : i32
        %dma_start3A_157 = arith.constant 0 : i32
        %dma_start3A_158 = tpu.memref_slice %arg10[%dma_start3A_156, %dma_start3A_157] : memref<10000x128xf32, #tpu.memory_space<vmem_shared>> -> memref<10000x128xf32, #tpu.memory_space<vmem_shared>>
        tpu.enqueue_indirect_dma source(%dma_start3A_152 : memref<80x128xf32, #tpu.memory_space<vmem>>) target(%dma_start3A_158 : memref<10000x128xf32, #tpu.memory_space<vmem_shared>>) offsets(%dma_start3A_155 : memref<80xi32, #tpu.memory_space<vmem>>) semaphore(%run_scoped3A_148 : memref<!tpu.dma_semaphore, #tpu.memory_space<semaphore_mem>>) {add = true}
        %dma_wait3A_159 = arith.constant 0 : i32
        %dma_wait3A_160 = arith.constant 0 : i32
        %dma_wait3A_161 = tpu.memref_slice %arg8[%run_scoped3A_146, %dma_wait3A_159, %dma_wait3A_160] : memref<2x80x128xf32, #tpu.memory_space<vmem>> -> memref<1x80x128xf32, #tpu.memory_space<vmem>>
        %dma_wait3A_162 = tpu.memref_squeeze %dma_wait3A_161 : memref<1x80x128xf32, #tpu.memory_space<vmem>> -> memref<80x128xf32, #tpu.memory_space<vmem>>
        %dma_wait3A_163 = arith.constant 0 : i32
        %dma_wait3A_164 = tpu.memref_slice %arg7[%run_scoped3A_147, %dma_wait3A_163] : memref<2x80xi32, #tpu.memory_space<vmem>> -> memref<1x80xi32, #tpu.memory_space<vmem>>
        %dma_wait3A_165 = tpu.memref_squeeze %dma_wait3A_164 : memref<1x80xi32, #tpu.memory_space<vmem>> -> memref<80xi32, #tpu.memory_space<vmem>>
        %dma_wait3A_166 = arith.constant 0 : i32
        %dma_wait3A_167 = arith.constant 0 : i32
        %dma_wait3A_168 = tpu.memref_slice %arg10[%dma_wait3A_166, %dma_wait3A_167] : memref<10000x128xf32, #tpu.memory_space<vmem_shared>> -> memref<10000x128xf32, #tpu.memory_space<vmem_shared>>
        tpu.wait_indirect_dma semaphore(%run_scoped3A_148 : memref<!tpu.dma_semaphore, #tpu.memory_space<semaphore_mem>>) src(%dma_wait3A_162 : memref<80x128xf32, #tpu.memory_space<vmem>>) dst(%dma_wait3A_168 : memref<10000x128xf32, #tpu.memory_space<vmem_shared>>)
        tpu.yield
      }) : () -> ()
    }
    %scan3A_40 = arith.constant 62 : i32
    %dma_wait3A = arith.constant 0 : i32
    %dma_wait3A_41 = arith.constant 0 : i32
    %dma_wait3A_42 = arith.constant 0 : i32
    %dma_wait3A_43 = arith.constant 0 : i32
    %dma_wait3A_44 = tpu.memref_slice %arg8[%dma_wait3A_41, %dma_wait3A_42, %dma_wait3A_43] : memref<2x80x128xf32, #tpu.memory_space<vmem>> -> memref<1x80x128xf32, #tpu.memory_space<vmem>>
    %dma_wait3A_45 = tpu.memref_squeeze %dma_wait3A_44 : memref<1x80x128xf32, #tpu.memory_space<vmem>> -> memref<80x128xf32, #tpu.memory_space<vmem>>
    %dma_wait3A_46 = arith.constant 0 : i32
    %dma_wait3A_47 = tpu.memref_slice %arg6[%dma_wait3A, %dma_wait3A_46] : memref<2x80xi32, #tpu.memory_space<vmem>> -> memref<1x80xi32, #tpu.memory_space<vmem>>
    %dma_wait3A_48 = tpu.memref_squeeze %dma_wait3A_47 : memref<1x80xi32, #tpu.memory_space<vmem>> -> memref<80xi32, #tpu.memory_space<vmem>>
    %dma_wait3A_49 = arith.constant 0 : i32
    %dma_wait3A_50 = arith.constant 0 : i32
    %dma_wait3A_51 = tpu.memref_slice %arg2[%dma_wait3A_49, %dma_wait3A_50] : memref<10000x128xf32, #tpu.memory_space<hbm>> -> memref<10000x128xf32, #tpu.memory_space<hbm>>
    tpu.wait_indirect_dma semaphore(%arg11 : memref<!tpu.dma_semaphore, #tpu.memory_space<semaphore_mem>>) src(%dma_wait3A_51 : memref<10000x128xf32, #tpu.memory_space<hbm>>) dst(%dma_wait3A_45 : memref<80x128xf32, #tpu.memory_space<vmem>>)
    %run_scoped3A_52 = arith.constant 0 : i32
    %run_scoped3A_53 = arith.constant 0 : i32
    "tpu.region"() ({
      %run_scoped3A_73 = tpu.sem_alloc : memref<!tpu.dma_semaphore, #tpu.memory_space<semaphore_mem>>
      %dma_start3A_74 = arith.constant 0 : i32
      %dma_start3A_75 = arith.constant 0 : i32
      %dma_start3A_76 = tpu.memref_slice %arg8[%run_scoped3A_52, %dma_start3A_74, %dma_start3A_75] : memref<2x80x128xf32, #tpu.memory_space<vmem>> -> memref<1x80x128xf32, #tpu.memory_space<vmem>>
      %dma_start3A_77 = tpu.memref_squeeze %dma_start3A_76 : memref<1x80x128xf32, #tpu.memory_space<vmem>> -> memref<80x128xf32, #tpu.memory_space<vmem>>
      %dma_start3A_78 = arith.constant 0 : i32
      %dma_start3A_79 = tpu.memref_slice %arg7[%run_scoped3A_53, %dma_start3A_78] : memref<2x80xi32, #tpu.memory_space<vmem>> -> memref<1x80xi32, #tpu.memory_space<vmem>>
      %dma_start3A_80 = tpu.memref_squeeze %dma_start3A_79 : memref<1x80xi32, #tpu.memory_space<vmem>> -> memref<80xi32, #tpu.memory_space<vmem>>
      %dma_start3A_81 = arith.constant 0 : i32
      %dma_start3A_82 = arith.constant 0 : i32
      %dma_start3A_83 = tpu.memref_slice %arg10[%dma_start3A_81, %dma_start3A_82] : memref<10000x128xf32, #tpu.memory_space<vmem_shared>> -> memref<10000x128xf32, #tpu.memory_space<vmem_shared>>
      tpu.enqueue_indirect_dma source(%dma_start3A_77 : memref<80x128xf32, #tpu.memory_space<vmem>>) target(%dma_start3A_83 : memref<10000x128xf32, #tpu.memory_space<vmem_shared>>) offsets(%dma_start3A_80 : memref<80xi32, #tpu.memory_space<vmem>>) semaphore(%run_scoped3A_73 : memref<!tpu.dma_semaphore, #tpu.memory_space<semaphore_mem>>) {add = true}
      %dma_wait3A_84 = arith.constant 0 : i32
      %dma_wait3A_85 = arith.constant 0 : i32
      %dma_wait3A_86 = tpu.memref_slice %arg8[%run_scoped3A_52, %dma_wait3A_84, %dma_wait3A_85] : memref<2x80x128xf32, #tpu.memory_space<vmem>> -> memref<1x80x128xf32, #tpu.memory_space<vmem>>
      %dma_wait3A_87 = tpu.memref_squeeze %dma_wait3A_86 : memref<1x80x128xf32, #tpu.memory_space<vmem>> -> memref<80x128xf32, #tpu.memory_space<vmem>>
      %dma_wait3A_88 = arith.constant 0 : i32
      %dma_wait3A_89 = tpu.memref_slice %arg7[%run_scoped3A_53, %dma_wait3A_88] : memref<2x80xi32, #tpu.memory_space<vmem>> -> memref<1x80xi32, #tpu.memory_space<vmem>>
      %dma_wait3A_90 = tpu.memref_squeeze %dma_wait3A_89 : memref<1x80xi32, #tpu.memory_space<vmem>> -> memref<80xi32, #tpu.memory_space<vmem>>
      %dma_wait3A_91 = arith.constant 0 : i32
      %dma_wait3A_92 = arith.constant 0 : i32
      %dma_wait3A_93 = tpu.memref_slice %arg10[%dma_wait3A_91, %dma_wait3A_92] : memref<10000x128xf32, #tpu.memory_space<vmem_shared>> -> memref<10000x128xf32, #tpu.memory_space<vmem_shared>>
      tpu.wait_indirect_dma semaphore(%run_scoped3A_73 : memref<!tpu.dma_semaphore, #tpu.memory_space<semaphore_mem>>) src(%dma_wait3A_87 : memref<80x128xf32, #tpu.memory_space<vmem>>) dst(%dma_wait3A_93 : memref<10000x128xf32, #tpu.memory_space<vmem_shared>>)
      tpu.yield
    }) : () -> ()
    %barrier3A_54 = arith.constant 0 : index
    tpu.barrier barrier_id(%barrier3A_54)
    %sub3A_55 = arith.constant 125 : i32
    %sub3A_56 = arith.subi %sub3A_55, %arg1 : i32
    %sub3A_57 = arith.constant 16 : i32
    %sub3A_58 = arith.constant 1 : i32
    %sub3A_59 = arith.subi %sub3A_57, %sub3A_58 : i32
    %add3A_60 = arith.addi %sub3A_56, %sub3A_59 : i32
    %div3A_61 = arith.constant 16 : i32
    %div3A_62 = arith.divsi %add3A_60, %div3A_61 : i32
    %while3A_63 = arith.constant 16 : i32
    %while3A_64 = arith.constant 0 : i32
    %while3A_65 = arith.subi %div3A_62, %while3A_64 : i32
    %while3A_66 = arith.addi %while3A_64, %while3A_65 : i32
    %while3A_67 = arith.constant 1 : i32
    %while3A_68 = arith.divsi %while3A_65, %while3A_67 : i32
    %while3A_69 = arith.muli %while3A_68, %while3A_67 : i32
    %while3A_70 = arith.addi %while3A_64, %while3A_69 : i32
    %while3A_71 = arith.constant 1 : i32
    scf.for %while3A_73 = %while3A_64 to %while3A_70 step %while3A_71  : i32 {
      %mul3A_74 = arith.muli %while3A_73, %while3A_63 : i32
      %add3A_75 = arith.addi %arg1, %mul3A_74 : i32
      %mul3A_76 = arith.constant 80 : i32
      %mul3A_77 = arith.muli %add3A_75, %mul3A_76 : i32
      %mul3A_78 = arith.constant 80 : i32
      %mul3A_79 = arith.muli %add3A_75, %mul3A_78 : i32
      "tpu.region"() ({
        %run_scoped3A_80 = tpu.sem_alloc : memref<!tpu.dma_semaphore, #tpu.memory_space<semaphore_mem>>
        %dma_start3A_81 = arith.constant 0 : i32
        %dma_start3A_82 = tpu.memref_slice %arg5[%arg0, %mul3A_79, %dma_start3A_81] : memref<2x10000x128xf32, #tpu.memory_space<hbm>> -> memref<1x80x128xf32, #tpu.memory_space<hbm>>
        %dma_start3A_83 = tpu.memref_squeeze %dma_start3A_82 : memref<1x80x128xf32, #tpu.memory_space<hbm>> -> memref<80x128xf32, #tpu.memory_space<hbm>>
        %dma_start3A_84 = arith.constant 0 : i32
        %dma_start3A_85 = tpu.memref_slice %arg10[%mul3A_77, %dma_start3A_84] : memref<10000x128xf32, #tpu.memory_space<vmem_shared>> -> memref<80x128xf32, #tpu.memory_space<vmem_shared>>
        tpu.enqueue_dma source(%dma_start3A_85 : memref<80x128xf32, #tpu.memory_space<vmem_shared>>) target(%dma_start3A_83 : memref<80x128xf32, #tpu.memory_space<hbm>>) target_semaphore(%run_scoped3A_80 : memref<!tpu.dma_semaphore, #tpu.memory_space<semaphore_mem>>)
        %dma_wait3A_86 = arith.constant 0 : i32
        %dma_wait3A_87 = tpu.memref_slice %arg5[%arg0, %mul3A_79, %dma_wait3A_86] : memref<2x10000x128xf32, #tpu.memory_space<hbm>> -> memref<1x80x128xf32, #tpu.memory_space<hbm>>
        %dma_wait3A_88 = tpu.memref_squeeze %dma_wait3A_87 : memref<1x80x128xf32, #tpu.memory_space<hbm>> -> memref<80x128xf32, #tpu.memory_space<hbm>>
        %dma_wait3A_89 = arith.constant 0 : i32
        %dma_wait3A_90 = tpu.memref_slice %arg10[%mul3A_77, %dma_wait3A_89] : memref<10000x128xf32, #tpu.memory_space<vmem_shared>> -> memref<80x128xf32, #tpu.memory_space<vmem_shared>>
        tpu.wait_dma2 semaphore(%run_scoped3A_80 : memref<!tpu.dma_semaphore, #tpu.memory_space<semaphore_mem>>) src(%dma_wait3A_90 : memref<80x128xf32, #tpu.memory_space<vmem_shared>>) dst(%dma_wait3A_88 : memref<80x128xf32, #tpu.memory_space<hbm>>)
        tpu.yield
      }) : () -> ()
    }
    %while3A_72 = arith.constant 1 : i32
    scf.for %while3A_73 = %while3A_70 to %while3A_66 step %while3A_72  : i32 {
      %mul3A_74 = arith.muli %while3A_73, %while3A_63 : i32
      %add3A_75 = arith.addi %arg1, %mul3A_74 : i32
      %mul3A_76 = arith.constant 80 : i32
      %mul3A_77 = arith.muli %add3A_75, %mul3A_76 : i32
      %mul3A_78 = arith.constant 80 : i32
      %mul3A_79 = arith.muli %add3A_75, %mul3A_78 : i32
      "tpu.region"() ({
        %run_scoped3A_80 = tpu.sem_alloc : memref<!tpu.dma_semaphore, #tpu.memory_space<semaphore_mem>>
        %dma_start3A_81 = arith.constant 0 : i32
        %dma_start3A_82 = tpu.memref_slice %arg5[%arg0, %mul3A_79, %dma_start3A_81] : memref<2x10000x128xf32, #tpu.memory_space<hbm>> -> memref<1x80x128xf32, #tpu.memory_space<hbm>>
        %dma_start3A_83 = tpu.memref_squeeze %dma_start3A_82 : memref<1x80x128xf32, #tpu.memory_space<hbm>> -> memref<80x128xf32, #tpu.memory_space<hbm>>
        %dma_start3A_84 = arith.constant 0 : i32
        %dma_start3A_85 = tpu.memref_slice %arg10[%mul3A_77, %dma_start3A_84] : memref<10000x128xf32, #tpu.memory_space<vmem_shared>> -> memref<80x128xf32, #tpu.memory_space<vmem_shared>>
        tpu.enqueue_dma source(%dma_start3A_85 : memref<80x128xf32, #tpu.memory_space<vmem_shared>>) target(%dma_start3A_83 : memref<80x128xf32, #tpu.memory_space<hbm>>) target_semaphore(%run_scoped3A_80 : memref<!tpu.dma_semaphore, #tpu.memory_space<semaphore_mem>>)
        %dma_wait3A_86 = arith.constant 0 : i32
        %dma_wait3A_87 = tpu.memref_slice %arg5[%arg0, %mul3A_79, %dma_wait3A_86] : memref<2x10000x128xf32, #tpu.memory_space<hbm>> -> memref<1x80x128xf32, #tpu.memory_space<hbm>>
        %dma_wait3A_88 = tpu.memref_squeeze %dma_wait3A_87 : memref<1x80x128xf32, #tpu.memory_space<hbm>> -> memref<80x128xf32, #tpu.memory_space<hbm>>
        %dma_wait3A_89 = arith.constant 0 : i32
        %dma_wait3A_90 = tpu.memref_slice %arg10[%mul3A_77, %dma_wait3A_89] : memref<10000x128xf32, #tpu.memory_space<vmem_shared>> -> memref<80x128xf32, #tpu.memory_space<vmem_shared>>
        tpu.wait_dma2 semaphore(%run_scoped3A_80 : memref<!tpu.dma_semaphore, #tpu.memory_space<semaphore_mem>>) src(%dma_wait3A_90 : memref<80x128xf32, #tpu.memory_space<vmem_shared>>) dst(%dma_wait3A_88 : memref<80x128xf32, #tpu.memory_space<hbm>>)
        tpu.yield
      }) : () -> ()
    }
    return
  }
}

module attributes {stable_mosaic.version = 14 : i64} {
  func.func @_bn_starts_body(%arg0: memref<10000x128xf32, #tpu.memory_space<vmem>>, %arg1: memref<1x128xf32, #tpu.memory_space<vmem>>, %arg2: memref<1x128xf32, #tpu.memory_space<vmem>>, %arg3: memref<10000x1xi32, #tpu.memory_space<vmem>>, %arg4: memref<10000x128xf32, #tpu.memory_space<vmem>>, %arg5: memref<1x128xi32, #tpu.memory_space<vmem>>) attributes {dimension_semantics = [], scalar_prefetch = 0 : i64, scratch_operands = 0 : i64, tpu.core_type = #tpu.core_type<tc>} {
    %get3A = arith.constant 0 : index
    %get3A_0 = arith.constant 0 : index
    %get3A_1 = vector.load %arg0[%get3A, %get3A_0] : memref<10000x128xf32, #tpu.memory_space<vmem>>, vector<10000x128xf32>
    %get3A_2 = arith.constant 0 : index
    %get3A_3 = arith.constant 0 : index
    %get3A_4 = vector.load %arg1[%get3A_2, %get3A_3] : memref<1x128xf32, #tpu.memory_space<vmem>>, vector<1x128xf32>
    %get3A_5 = arith.constant 0 : index
    %get3A_6 = arith.constant 0 : index
    %get3A_7 = vector.load %arg2[%get3A_5, %get3A_6] : memref<1x128xf32, #tpu.memory_space<vmem>>, vector<1x128xf32>
    %reduce_sum3A = arith.constant dense<0.000000e+00> : vector<128xf32>
    %reduce_sum3A_8 = vector.multi_reduction <add>, %get3A_1, %reduce_sum3A [0] : vector<10000x128xf32> to vector<128xf32>
    %div3A = arith.constant 1.000000e+04 : f32
    %div3A_9 = vector.broadcast %div3A : f32 to vector<128xf32>
    %div3A_10 = arith.divf %reduce_sum3A_8, %div3A_9 : vector<128xf32>
    %jit3A = arith.constant 0 : i32
    %reduce_sum3A_11 = arith.constant dense<0.000000e+00> : vector<128xf32>
    %reduce_sum3A_12 = vector.multi_reduction <add>, %get3A_1, %reduce_sum3A_11 [0] : vector<10000x128xf32> to vector<128xf32>
    %broadcast_in_dim3A = vector.shape_cast %reduce_sum3A_12 : vector<128xf32> to vector<1x128xf32>
    %div3A_13 = arith.constant 1.000000e+04 : f32
    %div3A_14 = vector.broadcast %div3A_13 : f32 to vector<1x128xf32>
    %div3A_15 = arith.divf %broadcast_in_dim3A, %div3A_14 : vector<1x128xf32>
    %sub3A = vector.broadcast %div3A_15 : vector<1x128xf32> to vector<10000x128xf32>
    %sub3A_16 = arith.subf %get3A_1, %sub3A : vector<10000x128xf32>
    %square3A = arith.mulf %sub3A_16, %sub3A_16 : vector<10000x128xf32>
    %convert_element_type3A = arith.sitofp %jit3A : i32 to f32
    %sub3A_17 = arith.constant 1.000000e+04 : f32
    %sub3A_18 = arith.subf %sub3A_17, %convert_element_type3A : f32
    %reduce_sum3A_19 = arith.constant dense<0.000000e+00> : vector<128xf32>
    %reduce_sum3A_20 = vector.multi_reduction <add>, %square3A, %reduce_sum3A_19 [0] : vector<10000x128xf32> to vector<128xf32>
    %div3A_21 = vector.broadcast %sub3A_18 : f32 to vector<128xf32>
    %div3A_22 = arith.divf %reduce_sum3A_20, %div3A_21 : vector<128xf32>
    %gt3A = arith.constant 0.000000e+00 : f32
    %gt3A_23 = arith.cmpf ogt, %sub3A_18, %gt3A : f32
    %jit3A_24 = arith.constant 0x7FC00000 : f32
    %broadcast_in_dim3A_25 = vector.broadcast %jit3A_24 : f32 to vector<128xf32>
    %select_n3A = arith.select %gt3A_23, %div3A_22, %broadcast_in_dim3A_25 : vector<128xf32>
    %broadcast_in_dim3A_26 = vector.shape_cast %div3A_10 : vector<128xf32> to vector<1x128xf32>
    %sub3A_27 = vector.broadcast %broadcast_in_dim3A_26 : vector<1x128xf32> to vector<10000x128xf32>
    %sub3A_28 = arith.subf %get3A_1, %sub3A_27 : vector<10000x128xf32>
    %add3A = arith.constant 9.99999974E-6 : f32
    %add3A_29 = vector.broadcast %add3A : f32 to vector<128xf32>
    %add3A_30 = arith.addf %select_n3A, %add3A_29 : vector<128xf32>
    %sqrt3A = math.sqrt %add3A_30 : vector<128xf32>
    %broadcast_in_dim3A_31 = vector.shape_cast %sqrt3A : vector<128xf32> to vector<1x128xf32>
    %div3A_32 = vector.broadcast %broadcast_in_dim3A_31 : vector<1x128xf32> to vector<10000x128xf32>
    %div3A_33 = arith.divf %sub3A_28, %div3A_32 : vector<10000x128xf32>
    %mul3A = vector.broadcast %get3A_4 : vector<1x128xf32> to vector<10000x128xf32>
    %mul3A_34 = arith.mulf %div3A_33, %mul3A : vector<10000x128xf32>
    %add3A_35 = vector.broadcast %get3A_7 : vector<1x128xf32> to vector<10000x128xf32>
    %add3A_36 = arith.addf %mul3A_34, %add3A_35 : vector<10000x128xf32>
    %swap3A = arith.constant 0 : index
    %swap3A_37 = arith.constant 0 : index
    %swap3A_38 = vector.load %arg4[%swap3A, %swap3A_37] : memref<10000x128xf32, #tpu.memory_space<vmem>>, vector<10000x128xf32>
    tpu.vector_store %arg4[%swap3A, %swap3A_37], %add3A_36 {strides = array<i32>} : memref<10000x128xf32, #tpu.memory_space<vmem>>, vector<10000x128xf32>,
    %iota3A = tpu.iota {dimensions = array<i32: 1>} : vector<1x128xi32>
    %get3A_39 = arith.constant 0 : index
    %get3A_40 = arith.constant 0 : index
    %get3A_41 = vector.load %arg3[%get3A_39, %get3A_40] : memref<10000x1xi32, #tpu.memory_space<vmem>>, vector<10000x1xi32>
    %lt3A = vector.broadcast %get3A_41 : vector<10000x1xi32> to vector<10000x128xi32>
    %lt3A_42 = vector.broadcast %iota3A : vector<1x128xi32> to vector<10000x128xi32>
    %lt3A_43 = arith.cmpi slt, %lt3A, %lt3A_42 : vector<10000x128xi32>
    %convert_element_type3A_44 = arith.extui %lt3A_43 : vector<10000x128xi1> to vector<10000x128xi32>
    %reduce_sum3A_45 = arith.constant dense<0> : vector<128xi32>
    %reduce_sum3A_46 = vector.multi_reduction <add>, %convert_element_type3A_44, %reduce_sum3A_45 [0] : vector<10000x128xi32> to vector<128xi32>
    %broadcast_in_dim3A_47 = vector.shape_cast %reduce_sum3A_46 : vector<128xi32> to vector<1x128xi32>
    %swap3A_48 = arith.constant 0 : index
    %swap3A_49 = arith.constant 0 : index
    %swap3A_50 = vector.load %arg5[%swap3A_48, %swap3A_49] : memref<1x128xi32, #tpu.memory_space<vmem>>, vector<1x128xi32>
    tpu.vector_store %arg5[%swap3A_48, %swap3A_49], %broadcast_in_dim3A_47 {strides = array<i32>} : memref<1x128xi32, #tpu.memory_space<vmem>>, vector<1x128xi32>,
    return
  }
}

module attributes {stable_mosaic.version = 14 : i64} {
  func.func @_mlp_body(%arg0: memref<10000x128xf32, #tpu.memory_space<vmem>>, %arg1: memref<10000x128xf32, #tpu.memory_space<vmem>>, %arg2: memref<10000x128xf32, #tpu.memory_space<vmem>>, %arg3: memref<1x1xf32, #tpu.memory_space<vmem>>, %arg4: memref<128x128xf32, #tpu.memory_space<vmem>>, %arg5: memref<1x128xf32, #tpu.memory_space<vmem>>, %arg6: memref<1x128xf32, #tpu.memory_space<vmem>>, %arg7: memref<1x128xf32, #tpu.memory_space<vmem>>, %arg8: memref<128x128xf32, #tpu.memory_space<vmem>>, %arg9: memref<1x128xf32, #tpu.memory_space<vmem>>, %arg10: memref<1x128xf32, #tpu.memory_space<vmem>>, %arg11: memref<1x128xf32, #tpu.memory_space<vmem>>, %arg12: memref<10000x128xf32, #tpu.memory_space<vmem>>) attributes {dimension_semantics = [], scalar_prefetch = 0 : i64, scratch_operands = 0 : i64, tpu.core_type = #tpu.core_type<tc>} {
    %get3A = arith.constant 0 : index
    %get3A_0 = arith.constant 0 : index
    %get3A_1 = vector.load %arg3[%get3A, %get3A_0] : memref<1x1xf32, #tpu.memory_space<vmem>>, vector<1x1xf32>
    %add3A = arith.constant 1.000000e+00 : f32
    %add3A_2 = vector.broadcast %add3A : f32 to vector<1x1xf32>
    %add3A_3 = arith.addf %add3A_2, %get3A_1 : vector<1x1xf32>
    %get3A_4 = arith.constant 0 : index
    %get3A_5 = arith.constant 0 : index
    %get3A_6 = vector.load %arg0[%get3A_4, %get3A_5] : memref<10000x128xf32, #tpu.memory_space<vmem>>, vector<10000x128xf32>
    %mul3A = vector.broadcast %add3A_3 : vector<1x1xf32> to vector<10000x128xf32>
    %mul3A_7 = arith.mulf %mul3A, %get3A_6 : vector<10000x128xf32>
    %get3A_8 = arith.constant 0 : index
    %get3A_9 = arith.constant 0 : index
    %get3A_10 = vector.load %arg1[%get3A_8, %get3A_9] : memref<10000x128xf32, #tpu.memory_space<vmem>>, vector<10000x128xf32>
    %get3A_11 = arith.constant 0 : index
    %get3A_12 = arith.constant 0 : index
    %get3A_13 = vector.load %arg2[%get3A_11, %get3A_12] : memref<10000x128xf32, #tpu.memory_space<vmem>>, vector<10000x128xf32>
    %add3A_14 = arith.addf %get3A_10, %get3A_13 : vector<10000x128xf32>
    %add3A_15 = arith.addf %mul3A_7, %add3A_14 : vector<10000x128xf32>
    %get3A_16 = arith.constant 0 : index
    %get3A_17 = arith.constant 0 : index
    %get3A_18 = vector.load %arg4[%get3A_16, %get3A_17] : memref<128x128xf32, #tpu.memory_space<vmem>>, vector<128x128xf32>
    %dot_general3A = arith.constant dense<0.000000e+00> : vector<10000x128xf32>
    %dot_general3A_19 = tpu.matmul %add3A_15, %get3A_18, %dot_general3A {dimension_numbers = #tpu.dot_dimension_numbers<[1], [0], [0], [1], [0, 0, 1, 1], [], []>, transpose_lhs_hint = false} : vector<10000x128xf32>, vector<128x128xf32>, vector<10000x128xf32> -> vector<10000x128xf32>
    %get3A_20 = arith.constant 0 : index
    %get3A_21 = arith.constant 0 : index
    %get3A_22 = vector.load %arg5[%get3A_20, %get3A_21] : memref<1x128xf32, #tpu.memory_space<vmem>>, vector<1x128xf32>
    %add3A_23 = vector.broadcast %get3A_22 : vector<1x128xf32> to vector<10000x128xf32>
    %add3A_24 = arith.addf %dot_general3A_19, %add3A_23 : vector<10000x128xf32>
    %get3A_25 = arith.constant 0 : index
    %get3A_26 = arith.constant 0 : index
    %get3A_27 = vector.load %arg6[%get3A_25, %get3A_26] : memref<1x128xf32, #tpu.memory_space<vmem>>, vector<1x128xf32>
    %get3A_28 = arith.constant 0 : index
    %get3A_29 = arith.constant 0 : index
    %get3A_30 = vector.load %arg7[%get3A_28, %get3A_29] : memref<1x128xf32, #tpu.memory_space<vmem>>, vector<1x128xf32>
    %reduce_sum3A = arith.constant dense<0.000000e+00> : vector<128xf32>
    %reduce_sum3A_31 = vector.multi_reduction <add>, %add3A_24, %reduce_sum3A [0] : vector<10000x128xf32> to vector<128xf32>
    %div3A = arith.constant 1.000000e+04 : f32
    %div3A_32 = vector.broadcast %div3A : f32 to vector<128xf32>
    %div3A_33 = arith.divf %reduce_sum3A_31, %div3A_32 : vector<128xf32>
    %jit3A = arith.constant 0 : i32
    %reduce_sum3A_34 = arith.constant dense<0.000000e+00> : vector<128xf32>
    %reduce_sum3A_35 = vector.multi_reduction <add>, %add3A_24, %reduce_sum3A_34 [0] : vector<10000x128xf32> to vector<128xf32>
    %broadcast_in_dim3A = vector.shape_cast %reduce_sum3A_35 : vector<128xf32> to vector<1x128xf32>
    %div3A_36 = arith.constant 1.000000e+04 : f32
    %div3A_37 = vector.broadcast %div3A_36 : f32 to vector<1x128xf32>
    %div3A_38 = arith.divf %broadcast_in_dim3A, %div3A_37 : vector<1x128xf32>
    %sub3A = vector.broadcast %div3A_38 : vector<1x128xf32> to vector<10000x128xf32>
    %sub3A_39 = arith.subf %add3A_24, %sub3A : vector<10000x128xf32>
    %square3A = arith.mulf %sub3A_39, %sub3A_39 : vector<10000x128xf32>
    %convert_element_type3A = arith.sitofp %jit3A : i32 to f32
    %sub3A_40 = arith.constant 1.000000e+04 : f32
    %sub3A_41 = arith.subf %sub3A_40, %convert_element_type3A : f32
    %reduce_sum3A_42 = arith.constant dense<0.000000e+00> : vector<128xf32>
    %reduce_sum3A_43 = vector.multi_reduction <add>, %square3A, %reduce_sum3A_42 [0] : vector<10000x128xf32> to vector<128xf32>
    %div3A_44 = vector.broadcast %sub3A_41 : f32 to vector<128xf32>
    %div3A_45 = arith.divf %reduce_sum3A_43, %div3A_44 : vector<128xf32>
    %gt3A = arith.constant 0.000000e+00 : f32
    %gt3A_46 = arith.cmpf ogt, %sub3A_41, %gt3A : f32
    %jit3A_47 = arith.constant 0x7FC00000 : f32
    %broadcast_in_dim3A_48 = vector.broadcast %jit3A_47 : f32 to vector<128xf32>
    %select_n3A = arith.select %gt3A_46, %div3A_45, %broadcast_in_dim3A_48 : vector<128xf32>
    %broadcast_in_dim3A_49 = vector.shape_cast %div3A_33 : vector<128xf32> to vector<1x128xf32>
    %sub3A_50 = vector.broadcast %broadcast_in_dim3A_49 : vector<1x128xf32> to vector<10000x128xf32>
    %sub3A_51 = arith.subf %add3A_24, %sub3A_50 : vector<10000x128xf32>
    %add3A_52 = arith.constant 9.99999974E-6 : f32
    %add3A_53 = vector.broadcast %add3A_52 : f32 to vector<128xf32>
    %add3A_54 = arith.addf %select_n3A, %add3A_53 : vector<128xf32>
    %sqrt3A = math.sqrt %add3A_54 : vector<128xf32>
    %broadcast_in_dim3A_55 = vector.shape_cast %sqrt3A : vector<128xf32> to vector<1x128xf32>
    %div3A_56 = vector.broadcast %broadcast_in_dim3A_55 : vector<1x128xf32> to vector<10000x128xf32>
    %div3A_57 = arith.divf %sub3A_51, %div3A_56 : vector<10000x128xf32>
    %mul3A_58 = vector.broadcast %get3A_27 : vector<1x128xf32> to vector<10000x128xf32>
    %mul3A_59 = arith.mulf %div3A_57, %mul3A_58 : vector<10000x128xf32>
    %add3A_60 = vector.broadcast %get3A_30 : vector<1x128xf32> to vector<10000x128xf32>
    %add3A_61 = arith.addf %mul3A_59, %add3A_60 : vector<10000x128xf32>
    %mul3A_62 = arith.constant 5.000000e-01 : f32
    %mul3A_63 = vector.broadcast %mul3A_62 : f32 to vector<10000x128xf32>
    %mul3A_64 = arith.mulf %mul3A_63, %add3A_61 : vector<10000x128xf32>
    %mul3A_65 = arith.constant 0.707106769 : f32
    %mul3A_66 = vector.broadcast %mul3A_65 : f32 to vector<10000x128xf32>
    %mul3A_67 = arith.mulf %add3A_61, %mul3A_66 : vector<10000x128xf32>
    %erf3A = math.erf %mul3A_67 : vector<10000x128xf32>
    %add3A_68 = arith.constant 1.000000e+00 : f32
    %add3A_69 = vector.broadcast %add3A_68 : f32 to vector<10000x128xf32>
    %add3A_70 = arith.addf %add3A_69, %erf3A : vector<10000x128xf32>
    %mul3A_71 = arith.mulf %mul3A_64, %add3A_70 : vector<10000x128xf32>
    %get3A_72 = arith.constant 0 : index
    %get3A_73 = arith.constant 0 : index
    %get3A_74 = vector.load %arg8[%get3A_72, %get3A_73] : memref<128x128xf32, #tpu.memory_space<vmem>>, vector<128x128xf32>
    %dot_general3A_75 = arith.constant dense<0.000000e+00> : vector<10000x128xf32>
    %dot_general3A_76 = tpu.matmul %mul3A_71, %get3A_74, %dot_general3A_75 {dimension_numbers = #tpu.dot_dimension_numbers<[1], [0], [0], [1], [0, 0, 1, 1], [], []>, transpose_lhs_hint = false} : vector<10000x128xf32>, vector<128x128xf32>, vector<10000x128xf32> -> vector<10000x128xf32>
    %get3A_77 = arith.constant 0 : index
    %get3A_78 = arith.constant 0 : index
    %get3A_79 = vector.load %arg9[%get3A_77, %get3A_78] : memref<1x128xf32, #tpu.memory_space<vmem>>, vector<1x128xf32>
    %add3A_80 = vector.broadcast %get3A_79 : vector<1x128xf32> to vector<10000x128xf32>
    %add3A_81 = arith.addf %dot_general3A_76, %add3A_80 : vector<10000x128xf32>
    %get3A_82 = arith.constant 0 : index
    %get3A_83 = arith.constant 0 : index
    %get3A_84 = vector.load %arg10[%get3A_82, %get3A_83] : memref<1x128xf32, #tpu.memory_space<vmem>>, vector<1x128xf32>
    %get3A_85 = arith.constant 0 : index
    %get3A_86 = arith.constant 0 : index
    %get3A_87 = vector.load %arg11[%get3A_85, %get3A_86] : memref<1x128xf32, #tpu.memory_space<vmem>>, vector<1x128xf32>
    %reduce_sum3A_88 = arith.constant dense<0.000000e+00> : vector<128xf32>
    %reduce_sum3A_89 = vector.multi_reduction <add>, %add3A_81, %reduce_sum3A_88 [0] : vector<10000x128xf32> to vector<128xf32>
    %div3A_90 = arith.constant 1.000000e+04 : f32
    %div3A_91 = vector.broadcast %div3A_90 : f32 to vector<128xf32>
    %div3A_92 = arith.divf %reduce_sum3A_89, %div3A_91 : vector<128xf32>
    %jit3A_93 = arith.constant 0 : i32
    %reduce_sum3A_94 = arith.constant dense<0.000000e+00> : vector<128xf32>
    %reduce_sum3A_95 = vector.multi_reduction <add>, %add3A_81, %reduce_sum3A_94 [0] : vector<10000x128xf32> to vector<128xf32>
    %broadcast_in_dim3A_96 = vector.shape_cast %reduce_sum3A_95 : vector<128xf32> to vector<1x128xf32>
    %div3A_97 = arith.constant 1.000000e+04 : f32
    %div3A_98 = vector.broadcast %div3A_97 : f32 to vector<1x128xf32>
    %div3A_99 = arith.divf %broadcast_in_dim3A_96, %div3A_98 : vector<1x128xf32>
    %sub3A_100 = vector.broadcast %div3A_99 : vector<1x128xf32> to vector<10000x128xf32>
    %sub3A_101 = arith.subf %add3A_81, %sub3A_100 : vector<10000x128xf32>
    %square3A_102 = arith.mulf %sub3A_101, %sub3A_101 : vector<10000x128xf32>
    %convert_element_type3A_103 = arith.sitofp %jit3A_93 : i32 to f32
    %sub3A_104 = arith.constant 1.000000e+04 : f32
    %sub3A_105 = arith.subf %sub3A_104, %convert_element_type3A_103 : f32
    %reduce_sum3A_106 = arith.constant dense<0.000000e+00> : vector<128xf32>
    %reduce_sum3A_107 = vector.multi_reduction <add>, %square3A_102, %reduce_sum3A_106 [0] : vector<10000x128xf32> to vector<128xf32>
    %div3A_108 = vector.broadcast %sub3A_105 : f32 to vector<128xf32>
    %div3A_109 = arith.divf %reduce_sum3A_107, %div3A_108 : vector<128xf32>
    %gt3A_110 = arith.constant 0.000000e+00 : f32
    %gt3A_111 = arith.cmpf ogt, %sub3A_105, %gt3A_110 : f32
    %jit3A_112 = arith.constant 0x7FC00000 : f32
    %broadcast_in_dim3A_113 = vector.broadcast %jit3A_112 : f32 to vector<128xf32>
    %select_n3A_114 = arith.select %gt3A_111, %div3A_109, %broadcast_in_dim3A_113 : vector<128xf32>
    %broadcast_in_dim3A_115 = vector.shape_cast %div3A_92 : vector<128xf32> to vector<1x128xf32>
    %sub3A_116 = vector.broadcast %broadcast_in_dim3A_115 : vector<1x128xf32> to vector<10000x128xf32>
    %sub3A_117 = arith.subf %add3A_81, %sub3A_116 : vector<10000x128xf32>
    %add3A_118 = arith.constant 9.99999974E-6 : f32
    %add3A_119 = vector.broadcast %add3A_118 : f32 to vector<128xf32>
    %add3A_120 = arith.addf %select_n3A_114, %add3A_119 : vector<128xf32>
    %sqrt3A_121 = math.sqrt %add3A_120 : vector<128xf32>
    %broadcast_in_dim3A_122 = vector.shape_cast %sqrt3A_121 : vector<128xf32> to vector<1x128xf32>
    %div3A_123 = vector.broadcast %broadcast_in_dim3A_122 : vector<1x128xf32> to vector<10000x128xf32>
    %div3A_124 = arith.divf %sub3A_117, %div3A_123 : vector<10000x128xf32>
    %mul3A_125 = vector.broadcast %get3A_84 : vector<1x128xf32> to vector<10000x128xf32>
    %mul3A_126 = arith.mulf %div3A_124, %mul3A_125 : vector<10000x128xf32>
    %add3A_127 = vector.broadcast %get3A_87 : vector<1x128xf32> to vector<10000x128xf32>
    %add3A_128 = arith.addf %mul3A_126, %add3A_127 : vector<10000x128xf32>
    %mul3A_129 = arith.constant 5.000000e-01 : f32
    %mul3A_130 = vector.broadcast %mul3A_129 : f32 to vector<10000x128xf32>
    %mul3A_131 = arith.mulf %mul3A_130, %add3A_128 : vector<10000x128xf32>
    %mul3A_132 = arith.constant 0.707106769 : f32
    %mul3A_133 = vector.broadcast %mul3A_132 : f32 to vector<10000x128xf32>
    %mul3A_134 = arith.mulf %add3A_128, %mul3A_133 : vector<10000x128xf32>
    %erf3A_135 = math.erf %mul3A_134 : vector<10000x128xf32>
    %add3A_136 = arith.constant 1.000000e+00 : f32
    %add3A_137 = vector.broadcast %add3A_136 : f32 to vector<10000x128xf32>
    %add3A_138 = arith.addf %add3A_137, %erf3A_135 : vector<10000x128xf32>
    %mul3A_139 = arith.mulf %mul3A_131, %add3A_138 : vector<10000x128xf32>
    %swap3A = arith.constant 0 : index
    %swap3A_140 = arith.constant 0 : index
    %swap3A_141 = vector.load %arg12[%swap3A, %swap3A_140] : memref<10000x128xf32, #tpu.memory_space<vmem>>, vector<10000x128xf32>
    tpu.vector_store %arg12[%swap3A, %swap3A_140], %mul3A_139 {strides = array<i32>} : memref<10000x128xf32, #tpu.memory_space<vmem>>, vector<10000x128xf32>,
    return
  }
}

module attributes {stable_mosaic.version = 14 : i64} {
  func.func @_final_body(%arg0: memref<1x128xi32, #tpu.memory_space<smem>>, %arg1: memref<10000x128xf32, #tpu.memory_space<vmem>>, %arg2: memref<10000x128xf32, #tpu.memory_space<vmem>>, %arg3: memref<10000x128xf32, #tpu.memory_space<vmem>>, %arg4: memref<3x128xf32, #tpu.memory_space<vmem>>, %arg5: memref<1x3xf32, #tpu.memory_space<vmem>>, %arg6: memref<128x128xf32, #tpu.memory_space<vmem>>, %arg7: memref<1x128xf32, #tpu.memory_space<vmem>>, %arg8: memref<1x128xf32, #tpu.memory_space<vmem>>, %arg9: memref<1x128xf32, #tpu.memory_space<vmem>>, %arg10: memref<128x64xf32, #tpu.memory_space<vmem>>, %arg11: memref<1x64xf32, #tpu.memory_space<vmem>>, %arg12: memref<64x64xf32, #tpu.memory_space<vmem>>, %arg13: memref<10512x128xf32, #tpu.memory_space<vmem>>, %arg14: memref<64x128xf32, #tpu.memory_space<vmem>>, %arg15: memref<64x128xf32, #tpu.memory_space<vmem>>, %arg16: memref<64x128xf32, #tpu.memory_space<vmem>>) attributes {dimension_semantics = [], scalar_prefetch = 0 : i64, scratch_operands = 4 : i64, tpu.core_type = #tpu.core_type<tc>} {
    %get3A = arith.constant 0 : index
    %get3A_0 = arith.constant 0 : index
    %get3A_1 = vector.load %arg1[%get3A, %get3A_0] : memref<10000x128xf32, #tpu.memory_space<vmem>>, vector<10000x128xf32>
    %get3A_2 = arith.constant 0 : index
    %get3A_3 = arith.constant 0 : index
    %get3A_4 = vector.load %arg2[%get3A_2, %get3A_3] : memref<10000x128xf32, #tpu.memory_space<vmem>>, vector<10000x128xf32>
    %get3A_5 = arith.constant 0 : index
    %get3A_6 = arith.constant 0 : index
    %get3A_7 = vector.load %arg3[%get3A_5, %get3A_6] : memref<10000x128xf32, #tpu.memory_space<vmem>>, vector<10000x128xf32>
    %get3A_8 = arith.constant 0 : index
    %get3A_9 = arith.constant 0 : index
    %get3A_10 = vector.load %arg4[%get3A_8, %get3A_9] : memref<3x128xf32, #tpu.memory_space<vmem>>, vector<1x128xf32>
    %mul3A = vector.broadcast %get3A_10 : vector<1x128xf32> to vector<10000x128xf32>
    %mul3A_11 = arith.mulf %get3A_1, %mul3A : vector<10000x128xf32>
    %reduce_sum3A = arith.constant dense<0.000000e+00> : vector<10000xf32>
    %reduce_sum3A_12 = vector.multi_reduction <add>, %mul3A_11, %reduce_sum3A [1] : vector<10000x128xf32> to vector<10000xf32>
    %broadcast_in_dim3A = vector.shape_cast %reduce_sum3A_12 : vector<10000xf32> to vector<10000x1xf32>
    %mul3A_13 = arith.constant 7.812500e-03 : f32
    %mul3A_14 = vector.broadcast %mul3A_13 : f32 to vector<10000x1xf32>
    %mul3A_15 = arith.mulf %broadcast_in_dim3A, %mul3A_14 : vector<10000x1xf32>
    %get3A_16 = arith.constant 1 : index
    %get3A_17 = arith.constant 0 : index
    %get3A_18 = vector.load %arg4[%get3A_16, %get3A_17] : memref<3x128xf32, #tpu.memory_space<vmem>>, vector<1x128xf32>
    %mul3A_19 = vector.broadcast %get3A_18 : vector<1x128xf32> to vector<10000x128xf32>
    %mul3A_20 = arith.mulf %get3A_4, %mul3A_19 : vector<10000x128xf32>
    %reduce_sum3A_21 = arith.constant dense<0.000000e+00> : vector<10000xf32>
    %reduce_sum3A_22 = vector.multi_reduction <add>, %mul3A_20, %reduce_sum3A_21 [1] : vector<10000x128xf32> to vector<10000xf32>
    %broadcast_in_dim3A_23 = vector.shape_cast %reduce_sum3A_22 : vector<10000xf32> to vector<10000x1xf32>
    %mul3A_24 = arith.constant 7.812500e-03 : f32
    %mul3A_25 = vector.broadcast %mul3A_24 : f32 to vector<10000x1xf32>
    %mul3A_26 = arith.mulf %broadcast_in_dim3A_23, %mul3A_25 : vector<10000x1xf32>
    %get3A_27 = arith.constant 2 : index
    %get3A_28 = arith.constant 0 : index
    %get3A_29 = vector.load %arg4[%get3A_27, %get3A_28] : memref<3x128xf32, #tpu.memory_space<vmem>>, vector<1x128xf32>
    %mul3A_30 = vector.broadcast %get3A_29 : vector<1x128xf32> to vector<10000x128xf32>
    %mul3A_31 = arith.mulf %get3A_7, %mul3A_30 : vector<10000x128xf32>
    %reduce_sum3A_32 = arith.constant dense<0.000000e+00> : vector<10000xf32>
    %reduce_sum3A_33 = vector.multi_reduction <add>, %mul3A_31, %reduce_sum3A_32 [1] : vector<10000x128xf32> to vector<10000xf32>
    %broadcast_in_dim3A_34 = vector.shape_cast %reduce_sum3A_33 : vector<10000xf32> to vector<10000x1xf32>
    %mul3A_35 = arith.constant 7.812500e-03 : f32
    %mul3A_36 = vector.broadcast %mul3A_35 : f32 to vector<10000x1xf32>
    %mul3A_37 = arith.mulf %broadcast_in_dim3A_34, %mul3A_36 : vector<10000x1xf32>
    %max3A = arith.maximumf %mul3A_15, %mul3A_26 : vector<10000x1xf32>
    %max3A_38 = arith.maximumf %max3A, %mul3A_37 : vector<10000x1xf32>
    %sub3A = arith.subf %mul3A_15, %max3A_38 : vector<10000x1xf32>
    %exp3A = math.exp %sub3A : vector<10000x1xf32>
    %sub3A_39 = arith.subf %mul3A_26, %max3A_38 : vector<10000x1xf32>
    %exp3A_40 = math.exp %sub3A_39 : vector<10000x1xf32>
    %sub3A_41 = arith.subf %mul3A_37, %max3A_38 : vector<10000x1xf32>
    %exp3A_42 = math.exp %sub3A_41 : vector<10000x1xf32>
    %add3A = arith.addf %exp3A, %exp3A_40 : vector<10000x1xf32>
    %add3A_43 = arith.addf %add3A, %exp3A_42 : vector<10000x1xf32>
    %div3A = arith.constant 1.000000e+00 : f32
    %div3A_44 = vector.broadcast %div3A : f32 to vector<10000x1xf32>
    %div3A_45 = arith.divf %div3A_44, %add3A_43 : vector<10000x1xf32>
    %mul3A_46 = vector.broadcast %exp3A : vector<10000x1xf32> to vector<10000x128xf32>
    %mul3A_47 = arith.mulf %mul3A_46, %get3A_1 : vector<10000x128xf32>
    %mul3A_48 = vector.broadcast %exp3A_40 : vector<10000x1xf32> to vector<10000x128xf32>
    %mul3A_49 = arith.mulf %mul3A_48, %get3A_4 : vector<10000x128xf32>
    %add3A_50 = arith.addf %mul3A_47, %mul3A_49 : vector<10000x128xf32>
    %mul3A_51 = vector.broadcast %exp3A_42 : vector<10000x1xf32> to vector<10000x128xf32>
    %mul3A_52 = arith.mulf %mul3A_51, %get3A_7 : vector<10000x128xf32>
    %add3A_53 = arith.addf %add3A_50, %mul3A_52 : vector<10000x128xf32>
    %mul3A_54 = vector.broadcast %div3A_45 : vector<10000x1xf32> to vector<10000x128xf32>
    %mul3A_55 = arith.mulf %add3A_53, %mul3A_54 : vector<10000x128xf32>
    %swap3A = arith.constant 0 : index
    %swap3A_56 = arith.constant 0 : index
    %swap3A_57 = vector.load %arg13[%swap3A, %swap3A_56] : memref<10512x128xf32, #tpu.memory_space<vmem>>, vector<10000x128xf32>
    tpu.vector_store %arg13[%swap3A, %swap3A_56], %mul3A_55 {strides = array<i32>} : memref<10512x128xf32, #tpu.memory_space<vmem>>, vector<10000x128xf32>,
    %broadcast_in_dim3A_58 = arith.constant 0.000000e+00 : f32
    %broadcast_in_dim3A_59 = vector.broadcast %broadcast_in_dim3A_58 : f32 to vector<512x128xf32>
    %swap3A_60 = arith.constant 10000 : index
    %swap3A_61 = arith.constant 0 : index
    %swap3A_62 = vector.load %arg13[%swap3A_60, %swap3A_61] : memref<10512x128xf32, #tpu.memory_space<vmem>>, vector<512x128xf32>
    tpu.vector_store %arg13[%swap3A_60, %swap3A_61], %broadcast_in_dim3A_59 {strides = array<i32>} : memref<10512x128xf32, #tpu.memory_space<vmem>>, vector<512x128xf32>,
    %scan3A = arith.constant 0 : i32
    %scan3A_63 = arith.constant 64 : i32
    %scan3A_64 = arith.addi %scan3A, %scan3A_63 : i32
    %scan3A_65 = arith.constant 1 : i32
    scf.for %scan3A_173 = %scan3A to %scan3A_64 step %scan3A_65  : i32 {
      %get3A_174 = arith.constant 0 : index
      %get3A_175 = arith.index_cast %scan3A_173 : i32 to index
      %get3A_176 = memref.load %arg0[%get3A_174, %get3A_175] : memref<1x128xi32, #tpu.memory_space<smem>>
      %add3A_177 = arith.constant 1 : i32
      %add3A_178 = arith.addi %scan3A_173, %add3A_177 : i32
      %get3A_179 = arith.constant 0 : index
      %get3A_180 = arith.index_cast %add3A_178 : i32 to index
      %get3A_181 = memref.load %arg0[%get3A_179, %get3A_180] : memref<1x128xi32, #tpu.memory_space<smem>>
      %broadcast_in_dim3A_182 = arith.constant 0.000000e+00 : f32
      %broadcast_in_dim3A_183 = vector.broadcast %broadcast_in_dim3A_182 : f32 to vector<1x128xf32>
      %broadcast_in_dim3A_184 = arith.constant 0xFF800000 : f32
      %broadcast_in_dim3A_185 = vector.broadcast %broadcast_in_dim3A_184 : f32 to vector<1x128xf32>
      %while3A:3 = scf.while (%while3A_197 = %get3A_176, %while3A_198 = %broadcast_in_dim3A_183, %while3A_199 = %broadcast_in_dim3A_185) : (i32, vector<1x128xf32>, vector<1x128xf32>) -> (i32, vector<1x128xf32>, vector<1x128xf32>) {
        %lt3A = arith.cmpi slt, %while3A_197, %get3A_181 : i32
        scf.condition(%lt3A) %while3A_197, %while3A_198, %while3A_199 : i32, vector<1x128xf32>, vector<1x128xf32>
      } do {
      ^bb0(%while3A_197: i32, %while3A_198: vector<1x128xf32>, %while3A_199: vector<1x128xf32>):
        %get3A_200 = arith.index_cast %while3A_197 : i32 to index
        %get3A_201 = arith.constant 0 : index
        %get3A_202 = vector.load %arg13[%get3A_200, %get3A_201] : memref<10512x128xf32, #tpu.memory_space<vmem>>, vector<512x128xf32>
        %iota3A = tpu.iota {dimensions = array<i32: 0>} : vector<512x1xi32>
        %add3A_203 = vector.broadcast %while3A_197 : i32 to vector<512x1xi32>
        %add3A_204 = arith.addi %iota3A, %add3A_203 : vector<512x1xi32>
        %lt3A = vector.broadcast %get3A_181 : i32 to vector<512x1xi32>
        %lt3A_205 = arith.cmpi slt, %add3A_204, %lt3A : vector<512x1xi32>
        %jit3A_206 = arith.constant 0.000000e+00 : f32
        %broadcast_in_dim3A_207 = vector.shape_cast %lt3A_205 : vector<512x1xi1> to vector<512x1xi1>
        %broadcast_in_dim3A_208 = vector.broadcast %broadcast_in_dim3A_207 : vector<512x1xi1> to vector<512x128xi1>
        %broadcast_in_dim3A_209 = vector.broadcast %jit3A_206 : f32 to vector<512x128xf32>
        %select_n3A_210 = arith.select %broadcast_in_dim3A_208, %get3A_202, %broadcast_in_dim3A_209 : vector<512x128xi1>, vector<512x128xf32>
        %reduce_sum3A_211 = arith.constant dense<0.000000e+00> : vector<128xf32>
        %reduce_sum3A_212 = vector.multi_reduction <add>, %select_n3A_210, %reduce_sum3A_211 [0] : vector<512x128xf32> to vector<128xf32>
        %broadcast_in_dim3A_213 = vector.shape_cast %reduce_sum3A_212 : vector<128xf32> to vector<1x128xf32>
        %add3A_214 = arith.addf %while3A_198, %broadcast_in_dim3A_213 : vector<1x128xf32>
        %jit3A_215 = arith.constant 0xFF800000 : f32
        %broadcast_in_dim3A_216 = vector.shape_cast %lt3A_205 : vector<512x1xi1> to vector<512x1xi1>
        %broadcast_in_dim3A_217 = vector.broadcast %broadcast_in_dim3A_216 : vector<512x1xi1> to vector<512x128xi1>
        %broadcast_in_dim3A_218 = vector.broadcast %jit3A_215 : f32 to vector<512x128xf32>
        %select_n3A_219 = arith.select %broadcast_in_dim3A_217, %get3A_202, %broadcast_in_dim3A_218 : vector<512x128xi1>, vector<512x128xf32>
        %reduce_max3A_220 = arith.constant dense<0xFF800000> : vector<128xf32>
        %reduce_max3A_221 = vector.multi_reduction <maximumf>, %select_n3A_219, %reduce_max3A_220 [0] : vector<512x128xf32> to vector<128xf32>
        %broadcast_in_dim3A_222 = vector.shape_cast %reduce_max3A_221 : vector<128xf32> to vector<1x128xf32>
        %max3A_223 = arith.maximumf %while3A_199, %broadcast_in_dim3A_222 : vector<1x128xf32>
        %add3A_224 = arith.constant 512 : i32
        %add3A_225 = arith.addi %while3A_197, %add3A_224 : i32
        scf.yield %add3A_225, %add3A_214, %max3A_223 : i32, vector<1x128xf32>, vector<1x128xf32>
      }
      %swap3A_186 = arith.index_cast %scan3A_173 : i32 to index
      %swap3A_187 = arith.constant 0 : index
      %swap3A_188 = vector.load %arg14[%swap3A_186, %swap3A_187] : memref<64x128xf32, #tpu.memory_space<vmem>>, vector<1x128xf32>
      tpu.vector_store %arg14[%swap3A_186, %swap3A_187], %while3A#1 {strides = array<i32>} : memref<64x128xf32, #tpu.memory_space<vmem>>, vector<1x128xf32>,
      %swap3A_189 = arith.index_cast %scan3A_173 : i32 to index
      %swap3A_190 = arith.constant 0 : index
      %swap3A_191 = vector.load %arg15[%swap3A_189, %swap3A_190] : memref<64x128xf32, #tpu.memory_space<vmem>>, vector<1x128xf32>
      tpu.vector_store %arg15[%swap3A_189, %swap3A_190], %while3A#2 {strides = array<i32>} : memref<64x128xf32, #tpu.memory_space<vmem>>, vector<1x128xf32>,
      %sub3A_192 = arith.subi %get3A_181, %get3A_176 : i32
      %convert_element_type3A = arith.sitofp %sub3A_192 : i32 to f32
      %broadcast_in_dim3A_193 = vector.broadcast %convert_element_type3A : f32 to vector<1x128xf32>
      %swap3A_194 = arith.index_cast %scan3A_173 : i32 to index
      %swap3A_195 = arith.constant 0 : index
      %swap3A_196 = vector.load %arg16[%swap3A_194, %swap3A_195] : memref<64x128xf32, #tpu.memory_space<vmem>>, vector<1x128xf32>
      tpu.vector_store %arg16[%swap3A_194, %swap3A_195], %broadcast_in_dim3A_193 {strides = array<i32>} : memref<64x128xf32, #tpu.memory_space<vmem>>, vector<1x128xf32>,
    }
    %scan3A_66 = arith.constant 64 : i32
    %get3A_67 = arith.constant 0 : index
    %get3A_68 = arith.constant 0 : index
    %get3A_69 = vector.load %arg14[%get3A_67, %get3A_68] : memref<64x128xf32, #tpu.memory_space<vmem>>, vector<64x128xf32>
    %get3A_70 = arith.constant 0 : index
    %get3A_71 = arith.constant 0 : index
    %get3A_72 = vector.load %arg16[%get3A_70, %get3A_71] : memref<64x128xf32, #tpu.memory_space<vmem>>, vector<64x128xf32>
    %max3A_73 = arith.constant 1.000000e+00 : f32
    %max3A_74 = vector.broadcast %max3A_73 : f32 to vector<64x128xf32>
    %max3A_75 = arith.maximumf %get3A_72, %max3A_74 : vector<64x128xf32>
    %div3A_76 = arith.divf %get3A_69, %max3A_75 : vector<64x128xf32>
    %gt3A = arith.constant 0.000000e+00 : f32
    %gt3A_77 = vector.broadcast %gt3A : f32 to vector<64x128xf32>
    %gt3A_78 = arith.cmpf ogt, %get3A_72, %gt3A_77 : vector<64x128xf32>
    %get3A_79 = arith.constant 0 : index
    %get3A_80 = arith.constant 0 : index
    %get3A_81 = vector.load %arg15[%get3A_79, %get3A_80] : memref<64x128xf32, #tpu.memory_space<vmem>>, vector<64x128xf32>
    %jit3A = arith.constant 0.000000e+00 : f32
    %broadcast_in_dim3A_82 = vector.broadcast %jit3A : f32 to vector<64x128xf32>
    %select_n3A = arith.select %gt3A_78, %get3A_81, %broadcast_in_dim3A_82 : vector<64x128xi1>, vector<64x128xf32>
    %get3A_83 = arith.constant 0 : index
    %get3A_84 = arith.constant 0 : index
    %get3A_85 = vector.load %arg5[%get3A_83, %get3A_84] : memref<1x3xf32, #tpu.memory_space<vmem>>, vector<1x3xf32>
    %reduce_max3A = vector.shape_cast %get3A_85 : vector<1x3xf32> to vector<1x1x3xf32>
    %reduce_max3A_86 = arith.constant dense<0xFF800000> : vector<1xf32>
    %reduce_max3A_87 = vector.multi_reduction <maximumf>, %reduce_max3A, %reduce_max3A_86 [1, 2] : vector<1x1x3xf32> to vector<1xf32>
    %reduce_max3A_88 = vector.shape_cast %reduce_max3A_87 : vector<1xf32> to vector<1x1x1xf32>
    %reduce_max3A_89 = vector.extract %reduce_max3A_88[0, 0, 0] : f32 from vector<1x1x1xf32>
    %sub3A_90 = vector.broadcast %reduce_max3A_89 : f32 to vector<1x3xf32>
    %sub3A_91 = arith.subf %get3A_85, %sub3A_90 : vector<1x3xf32>
    %exp3A_92 = math.exp %sub3A_91 : vector<1x3xf32>
    %reduce_sum3A_93 = vector.shape_cast %exp3A_92 : vector<1x3xf32> to vector<1x1x3xf32>
    %reduce_sum3A_94 = arith.constant dense<0.000000e+00> : vector<1xf32>
    %reduce_sum3A_95 = vector.multi_reduction <add>, %reduce_sum3A_93, %reduce_sum3A_94 [1, 2] : vector<1x1x3xf32> to vector<1xf32>
    %reduce_sum3A_96 = vector.shape_cast %reduce_sum3A_95 : vector<1xf32> to vector<1x1x1xf32>
    %reduce_sum3A_97 = vector.extract %reduce_sum3A_96[0, 0, 0] : f32 from vector<1x1x1xf32>
    %div3A_98 = vector.broadcast %reduce_sum3A_97 : f32 to vector<1x3xf32>
    %div3A_99 = arith.divf %exp3A_92, %div3A_98 : vector<1x3xf32>
    %slice3A = vector.extract_strided_slice %div3A_99 {offsets = [0, 0], sizes = [1, 1], strides = [1, 1]} : vector<1x3xf32> to vector<1x1xf32>
    %mul3A_100 = vector.broadcast %slice3A : vector<1x1xf32> to vector<64x128xf32>
    %mul3A_101 = arith.mulf %get3A_69, %mul3A_100 : vector<64x128xf32>
    %slice3A_102 = vector.extract_strided_slice %div3A_99 {offsets = [0, 1], sizes = [1, 1], strides = [1, 1]} : vector<1x3xf32> to vector<1x1xf32>
    %mul3A_103 = vector.broadcast %slice3A_102 : vector<1x1xf32> to vector<64x128xf32>
    %mul3A_104 = arith.mulf %div3A_76, %mul3A_103 : vector<64x128xf32>
    %add3A_105 = arith.addf %mul3A_101, %mul3A_104 : vector<64x128xf32>
    %slice3A_106 = vector.extract_strided_slice %div3A_99 {offsets = [0, 2], sizes = [1, 1], strides = [1, 1]} : vector<1x3xf32> to vector<1x1xf32>
    %mul3A_107 = vector.broadcast %slice3A_106 : vector<1x1xf32> to vector<64x128xf32>
    %mul3A_108 = arith.mulf %select_n3A, %mul3A_107 : vector<64x128xf32>
    %add3A_109 = arith.addf %add3A_105, %mul3A_108 : vector<64x128xf32>
    %get3A_110 = arith.constant 0 : index
    %get3A_111 = arith.constant 0 : index
    %get3A_112 = vector.load %arg6[%get3A_110, %get3A_111] : memref<128x128xf32, #tpu.memory_space<vmem>>, vector<128x128xf32>
    %dot_general3A = arith.constant dense<0.000000e+00> : vector<64x128xf32>
    %dot_general3A_113 = tpu.matmul %add3A_109, %get3A_112, %dot_general3A {dimension_numbers = #tpu.dot_dimension_numbers<[1], [0], [0], [1], [0, 0, 1, 1], [], []>, transpose_lhs_hint = false} : vector<64x128xf32>, vector<128x128xf32>, vector<64x128xf32> -> vector<64x128xf32>
    %get3A_114 = arith.constant 0 : index
    %get3A_115 = arith.constant 0 : index
    %get3A_116 = vector.load %arg7[%get3A_114, %get3A_115] : memref<1x128xf32, #tpu.memory_space<vmem>>, vector<1x128xf32>
    %add3A_117 = vector.broadcast %get3A_116 : vector<1x128xf32> to vector<64x128xf32>
    %add3A_118 = arith.addf %dot_general3A_113, %add3A_117 : vector<64x128xf32>
    %reduce_sum3A_119 = arith.constant dense<0.000000e+00> : vector<64xf32>
    %reduce_sum3A_120 = vector.multi_reduction <add>, %add3A_118, %reduce_sum3A_119 [1] : vector<64x128xf32> to vector<64xf32>
    %broadcast_in_dim3A_121 = vector.shape_cast %reduce_sum3A_120 : vector<64xf32> to vector<64x1xf32>
    %div3A_122 = arith.constant 1.280000e+02 : f32
    %div3A_123 = vector.broadcast %div3A_122 : f32 to vector<64x1xf32>
    %div3A_124 = arith.divf %broadcast_in_dim3A_121, %div3A_123 : vector<64x1xf32>
    %sub3A_125 = vector.broadcast %div3A_124 : vector<64x1xf32> to vector<64x128xf32>
    %sub3A_126 = arith.subf %add3A_118, %sub3A_125 : vector<64x128xf32>
    %mul3A_127 = arith.mulf %sub3A_126, %sub3A_126 : vector<64x128xf32>
    %reduce_sum3A_128 = arith.constant dense<0.000000e+00> : vector<64xf32>
    %reduce_sum3A_129 = vector.multi_reduction <add>, %mul3A_127, %reduce_sum3A_128 [1] : vector<64x128xf32> to vector<64xf32>
    %broadcast_in_dim3A_130 = vector.shape_cast %reduce_sum3A_129 : vector<64xf32> to vector<64x1xf32>
    %div3A_131 = arith.constant 1.280000e+02 : f32
    %div3A_132 = vector.broadcast %div3A_131 : f32 to vector<64x1xf32>
    %div3A_133 = arith.divf %broadcast_in_dim3A_130, %div3A_132 : vector<64x1xf32>
    %add3A_134 = arith.constant 9.99999974E-6 : f32
    %add3A_135 = vector.broadcast %add3A_134 : f32 to vector<64x1xf32>
    %add3A_136 = arith.addf %div3A_133, %add3A_135 : vector<64x1xf32>
    %rsqrt3A = math.rsqrt %add3A_136 : vector<64x1xf32>
    %mul3A_137 = vector.broadcast %rsqrt3A : vector<64x1xf32> to vector<64x128xf32>
    %mul3A_138 = arith.mulf %sub3A_126, %mul3A_137 : vector<64x128xf32>
    %get3A_139 = arith.constant 0 : index
    %get3A_140 = arith.constant 0 : index
    %get3A_141 = vector.load %arg8[%get3A_139, %get3A_140] : memref<1x128xf32, #tpu.memory_space<vmem>>, vector<1x128xf32>
    %mul3A_142 = vector.broadcast %get3A_141 : vector<1x128xf32> to vector<64x128xf32>
    %mul3A_143 = arith.mulf %mul3A_138, %mul3A_142 : vector<64x128xf32>
    %get3A_144 = arith.constant 0 : index
    %get3A_145 = arith.constant 0 : index
    %get3A_146 = vector.load %arg9[%get3A_144, %get3A_145] : memref<1x128xf32, #tpu.memory_space<vmem>>, vector<1x128xf32>
    %add3A_147 = vector.broadcast %get3A_146 : vector<1x128xf32> to vector<64x128xf32>
    %add3A_148 = arith.addf %mul3A_143, %add3A_147 : vector<64x128xf32>
    %mul3A_149 = arith.constant 5.000000e-01 : f32
    %mul3A_150 = vector.broadcast %mul3A_149 : f32 to vector<64x128xf32>
    %mul3A_151 = arith.mulf %mul3A_150, %add3A_148 : vector<64x128xf32>
    %mul3A_152 = arith.constant 0.707106769 : f32
    %mul3A_153 = vector.broadcast %mul3A_152 : f32 to vector<64x128xf32>
    %mul3A_154 = arith.mulf %add3A_148, %mul3A_153 : vector<64x128xf32>
    %erf3A = math.erf %mul3A_154 : vector<64x128xf32>
    %add3A_155 = arith.constant 1.000000e+00 : f32
    %add3A_156 = vector.broadcast %add3A_155 : f32 to vector<64x128xf32>
    %add3A_157 = arith.addf %add3A_156, %erf3A : vector<64x128xf32>
    %mul3A_158 = arith.mulf %mul3A_151, %add3A_157 : vector<64x128xf32>
    %add3A_159 = arith.addf %mul3A_158, %add3A_109 : vector<64x128xf32>
    %get3A_160 = arith.constant 0 : index
    %get3A_161 = arith.constant 0 : index
    %get3A_162 = vector.load %arg10[%get3A_160, %get3A_161] : memref<128x64xf32, #tpu.memory_space<vmem>>, vector<128x64xf32>
    %dot_general3A_163 = arith.constant dense<0.000000e+00> : vector<64x64xf32>
    %dot_general3A_164 = tpu.matmul %add3A_159, %get3A_162, %dot_general3A_163 {dimension_numbers = #tpu.dot_dimension_numbers<[1], [0], [0], [1], [0, 0, 1, 1], [], []>, transpose_lhs_hint = false} : vector<64x128xf32>, vector<128x64xf32>, vector<64x64xf32> -> vector<64x64xf32>
    %get3A_165 = arith.constant 0 : index
    %get3A_166 = arith.constant 0 : index
    %get3A_167 = vector.load %arg11[%get3A_165, %get3A_166] : memref<1x64xf32, #tpu.memory_space<vmem>>, vector<1x64xf32>
    %add3A_168 = vector.broadcast %get3A_167 : vector<1x64xf32> to vector<64x64xf32>
    %add3A_169 = arith.addf %dot_general3A_164, %add3A_168 : vector<64x64xf32>
    %swap3A_170 = arith.constant 0 : index
    %swap3A_171 = arith.constant 0 : index
    %swap3A_172 = vector.load %arg12[%swap3A_170, %swap3A_171] : memref<64x64xf32, #tpu.memory_space<vmem>>, vector<64x64xf32>
    tpu.vector_store %arg12[%swap3A_170, %swap3A_171], %add3A_169 {strides = array<i32>} : memref<64x64xf32, #tpu.memory_space<vmem>>, vector<64x64xf32>,
    return
  }
}

</mosaic_0001>

<sc_bundles>
// kernel: kernel.10.cloned.1.call-start
scs
__scs_entry_jumppad:
0x0: {  	(pc) =	sbr.rel $0x88, $3  }
0x1: {  	(tag) =	ssettag $0x0;
	lr =	simm.s32 $0x1  }
0x2: {  	[smem:$0x3F79] =	sst lr;
	_ =	strace $0xD0000000  }
0x3: {  	_ = 	snop  }
0x4: {  	_ = 	snop  }
0x5: {  	_ = 	snop  }
0x6: {  	_ = 	snop  }
0x7: {  	_ = 	snop  }
__scs_overlays_trampoline_lowered:
0x8: {  	[smem:$0x3F88] =	sst s0  }
0x9: {  	[smem:$0x3F89] =	sst s1  }
0xa: {  	[smem:$0x3F8A] =	sst s2  }
0xb: {  	[smem:$0x3F8B] =	sst s3  }
0xc: {  	[smem:$0x3F8C] =	sst s4  }
0xd: {  	[smem:$0x3F8D] =	sst s5  }
0xe: {  	[smem:$0x3F8E] =	sst s6  }
0xf: {  	[smem:$0x3F8F] =	sst s7  }
0x10: {  	[smem:$0x3F90] =	sst s8  }
0x11: {  	[smem:$0x3F91] =	sst s9;
	s0 =	simm.s32 @!p0 $0x0  }
0x12: {  	s1 =	sld [smem:$0x3F77];
	s0 =	simm.s32 @p0 $0x1  }
0x13: {  	[smem:$0x3F92] =	sst s0;
	s0 =	simm.s32 @!p1 $0x0  }
0x14: {  	s2 =	sld [smem:$0x3F76];
	s0 =	simm.s32 @p1 $0x1  }
0x15: {  	[smem:$0x3F93] =	sst s0;
	s0 =	simm.s32 @!p2 $0x0  }
0x16: {  	s3 =	sld [smem:$0x3FDB];
	s0 =	simm.s32 @p2 $0x1  }
0x17: {  	s4 =	simm.s32 $0x1BF5;
	[smem:$0x3F95] =	sst s0  }
0x18: {  	s0 =	sld [smem:$0x3F78];
	_ =	swait.ge [sflag:s4], $0x0  }
0x19: {  	s7 =	sld [smem:$0x3F79]  }
0x1a: {  	s8 =	sadd.s32 $0xFFFFE003, lr  }
0x1b: {  	s9 =	sadd.s32 $0xFFFFFEF7, lr;
	s5 =	simm.s32 $0xFFFFFFFF;
	p2 =	slt.u32 s8, $0xFFFFF086  }
0x1c: {  	p1 =	slt.u32 s9, $0xF7A;
	s5 =	simm.s32 @!p2 $0x0  }
0x1d: {  	s5 =	simm.s32 @p1 $0x1;
	p0 =	seq.s32 s7, s2  }
0x1e: {  	s7 =	smul.u32 @!p0 $0xF7A, s2;
	p2 =	seq.s32 @!p0 s5, $0x0  }
0x1f: {  	s9 =	smul.u32 $0xF7A, s1;
	s8 =	simm.s32 @!p0 $0x1BF5;
	p2 =	por !p2, p0  }
0x20: {  	[sflag:s8] =	ssyncset.s32 @!p0 $0xFFFFF086;
	s6 =	sadd.s32 @!p0 s3, s7;
	s7 =	simm.s32 @!p0 $0x108  }
0x21: {  	s3 =	sadd.s32 s3, s9;
	s6 =	sadd.s32 @!p0 $0x88, s6;
	s7 =	simm.s32 @p2 $0x1082  }
0x22: {  	[simem:s7], [sflag:s8] =	dma.local @!p0 [hbm:s6], $0xF7A  }
0x23: {  	s9 =	sor.u32 $0xD0000000, s2;
	s6 =	simm.s32 $0x108;
	_ =	swait.ge @!p0 [sflag:s8], $0x0  }
0x24: {  	s3 =	sadd.s32 $0x88, s3;
	s6 =	simm.s32 @!p1 $0x1082;
	[sflag:s4] =	ssyncset.s32 $0xFFFFF086  }
0x25: {  	[simem:s6], [sflag:s4] =	dma.local [hbm:s3], $0xF7A  }
0x26: {  	[smem:$0x3F79] =	sst s1;
	(tag) =	ssettag s2;
	_ =	strace s9  }
0x27: {  	s1 =	sld [smem:$0x3F89]  }
0x28: {  	s2 =	sld [smem:$0x3F8A]  }
0x29: {  	s4 =	sld [smem:$0x3F8C]  }
0x2a: {  	p0 =	seq.s32 s5, $0x0;
	s5 =	sld [smem:$0x3F8D]  }
0x2b: {  	s6 =	sld [smem:$0x3F8E]  }
0x2c: {  	s7 =	sld [smem:$0x3F8F]  }
0x2d: {  	s3 =	simm.s32 $0x108;
	s8 =	sld [smem:$0x3F90]  }
0x2e: {  	s3 =	simm.s32 @!p0 $0x1082;
	s9 =	sld [smem:$0x3F91]  }
0x2f: {  	lr =	sadd.s32 s0, s3;
	s0 =	sld [smem:$0x3F88]  }
0x30: {  	s3 =	sld [smem:$0x3F8B]  }
0x31: {  	[smem:$0x3F94] =	sst s10  }
0x32: {  	s10 =	sld [smem:$0x3F92];
	_ =	sdelay $0x3  }
0x33: {  	p0 =	seq.s32 s10, $0x1;
	s10 =	sld [smem:$0x3F94];
	_ =	sdelay $0x3  }
0x34: {  	[smem:$0x3F94] =	sst s10  }
0x35: {  	s10 =	sld [smem:$0x3F93];
	_ =	sdelay $0x3  }
0x36: {  	p1 =	seq.s32 s10, $0x1;
	s10 =	sld [smem:$0x3F94];
	_ =	sdelay $0x3  }
0x37: {  	[smem:$0x3F94] =	sst s10  }
0x38: {  	s10 =	sld [smem:$0x3F95]  }
0x39: {  	_ = 	snop;
	(pc) =	sbr.ind lr, $3  }
0x3a: {  	_ = 	snop  }
0x3b: {  	_ = 	snop  }
0x3c: {  	p2 =	seq.s32 s10, $0x1;
	s10 =	sld [smem:$0x3F94]  }
0x3d: {  	_ =	shalt  }
0x3e: {  	_ =	shalt  }
0x3f: {  	_ =	shalt  }
0x40: {  	_ =	shalt  }
0x41: {  	_ =	shalt  }
0x42: {  	_ =	shalt  }
0x43: {  	_ =	shalt  }
0x44: {  	_ =	shalt  }
0x45: {  	_ =	shalt  }
0x46: {  	_ =	shalt  }
0x47: {  	_ =	shalt  }
0x48: {  	_ =	shalt  }
0x49: {  	_ =	shalt  }
0x4a: {  	_ =	shalt  }
0x4b: {  	_ =	shalt  }
0x4c: {  	_ =	shalt  }
0x4d: {  	_ =	shalt  }
0x4e: {  	_ =	shalt  }
0x4f: {  	_ =	shalt  }
0x50: {  	_ =	shalt  }
0x51: {  	_ =	shalt  }
0x52: {  	_ =	shalt  }
0x53: {  	_ =	shalt  }
0x54: {  	_ =	shalt  }
0x55: {  	_ =	shalt  }
0x56: {  	_ =	shalt  }
0x57: {  	_ =	shalt  }
0x58: {  	_ =	shalt  }
0x59: {  	_ =	shalt  }
0x5a: {  	_ =	shalt  }
0x5b: {  	_ =	shalt  }
0x5c: {  	_ =	shalt  }
0x5d: {  	_ =	shalt  }
0x5e: {  	_ =	shalt  }
0x5f: {  	_ =	shalt  }
0x60: {  	_ =	shalt  }
0x61: {  	_ =	shalt  }
0x62: {  	_ =	shalt  }
0x63: {  	_ =	shalt  }
0x64: {  	_ =	shalt  }
0x65: {  	_ =	shalt  }
0x66: {  	_ =	shalt  }
0x67: {  	_ =	shalt  }
0x68: {  	_ =	shalt  }
0x69: {  	_ =	shalt  }
0x6a: {  	_ =	shalt  }
0x6b: {  	_ =	shalt  }
0x6c: {  	_ =	shalt  }
0x6d: {  	_ =	shalt  }
0x6e: {  	_ =	shalt  }
0x6f: {  	_ =	shalt  }
0x70: {  	_ =	shalt  }
0x71: {  	_ =	shalt  }
0x72: {  	_ =	shalt  }
0x73: {  	_ =	shalt  }
0x74: {  	_ =	shalt  }
0x75: {  	_ =	shalt  }
0x76: {  	_ =	shalt  }
0x77: {  	_ =	shalt  }
0x78: {  	_ =	shalt  }
0x79: {  	_ =	shalt  }
0x7a: {  	_ =	shalt  }
0x7b: {  	_ =	shalt  }
0x7c: {  	_ =	shalt  }
0x7d: {  	_ =	shalt  }
0x7e: {  	_ =	shalt  }
0x7f: {  	_ =	shalt  }
0x80: {  	_ =	shalt  }
0x81: {  	_ =	shalt  }
0x82: {  	_ =	shalt  }
0x83: {  	_ =	shalt  }
0x84: {  	_ =	shalt  }
0x85: {  	_ =	shalt  }
0x86: {  	_ =	shalt  }
0x87: {  	_ =	shalt  }
.Lfunc_end0:
.L_simem_size_0:
called_computation_lowered:
.L_overlay_start_0:
0x88: {  	s2 =	sld [smem:$0x3FD9]  }
0x89: {  	s3 =	sld [smem:$0x3FFE];
	_ =	sdelay $0x1  }
0x8a: {  	s1 =	srdreg.scid  }
0x8b: {  	s0 =	sand.u32 $0x1, s1  }
0x8c: {  	s16 =	sshll.u32 s0, $0xA;
	s2 =	sadd.s32 s3, s2  }
0x8d: {  	s2 =	sadd.s32 s2, s16  }
0x8e: {  	[smem:$0x3FA0] =	sst s2  }
0x8f: {  	_ = 	snop  }
0x90: {  	(tm) =	ssettm $0x1  }
0x91: {  	s17 =	sld [smem:$0x3FFB];
	_ =	sdelay $0x3  }
0x92: {  	_ =	strace s17  }
0x93: {  	s2 =	sld [smem:$0x3FFC];
	_ =	sdelay $0x3  }
0x94: {  	_ =	strace s2  }
0x95: {  	s2 =	sld [smem:$0x3FFD];
	_ =	sdelay $0x3  }
0x96: {  	_ =	strace s2  }
0x97: {  	_ =	strace $0x8FFFFFFF  }
0x98: {  	s18 =	sld [smem:$0x3FDB];
	_ =	sdelay $0x1  }
0x99: {  	s19 =	simm.s32 $_scs_section_size  }
0x9a: {  	s4 =	simm.s32 $_size__tile_overlayer_lowered;
	s5 =	simm.s32 $_tile_overlayer_lowered  }
0x9b: {  	s22 =	simm.s32 $0x1BFF;
	s21 =	sshll.u32 s5, $0x1;
	s2 =	sadd.s32 s19, s18  }
0x9c: {  	s6 =	simm.s32 $0x0;
	s20 =	sshll.u32 s4, $0x1;
	s4 =	sadd.s32 s21, s2  }
0x9d: {  	[timem:s6], [sflag:s22] =	dma.local [hbm:s4], s20  }
0x9e: {  	_ =	swait.ge [sflag:s22], s20  }
0x9f: {  	s3 =	ssub.s32 $0x0, s20;
	[sflag:s22] =	ssyncset.done $0x0  }
0xa0: {  	[sflag:s22] =	ssyncadd.s32 s3;
	_ =	sdelay $0x1  }
0xa1: {  	s23 =	simm.s32 $0x1B8B  }
0xa2: {  	_ =	swait.ge [sflag:s23], $0x1  }
0xa3: {  	[sflag:s23] =	ssyncset.done $0x0  }
0xa4: {  	s25 =	simm.s32 $0x1B8E;
	s24 =	sld [smem:$0x3FFE];
	[sflag:s23] =	ssyncadd.s32 $0xFFFFFFFF  }
0xa5: {  	s26 =	simm.s32 $execute0_lowered;
	[smem:$0x3FD2] =	sst s25  }
0xa6: {  	s4 =	sshll.u32 s26, $0x1;
	_ =	strace $0x80000046;
	[dreg:$0x1] =	wrdreg $0xFFFFFFFF  }
0xa7: {  	s28 =	simm.s32 $_size_execute0_lowered;
	s2 =	sadd.s32 s2, s4;
	[dreg:$0x0] =	wrdreg $0x0  }
0xa8: {  	s4 =	sshll.u32 s28, $0x1;
	[dreg:$0x2] =	wrdreg s2  }
0xa9: {  	[dreg:$0x3] =	wrdreg s4  }
0xaa: {  	[dreg:$0x4] =	wrdreg $0xC0  }
0xab: {  	_ =	task [dreg:s6], $0x5FFFF  }
0xac: {  	[dreg:$0x1] =	wrdreg $0xFFFFFFFF  }
0xad: {  	[dreg:$0x0] =	wrdreg $0x60  }
0xae: {  	[dreg:$0x2] =	wrdreg s24  }
0xaf: {  	[dreg:$0x3] =	wrdreg $0x7A000  }
0xb0: {  	[dreg:$0x4] =	wrdreg $0x9  }
0xb1: {  	_ =	task.clear_ibuf [dreg:s6], $0x5FFFF;
	_ =	strace $0x90000046  }
0xb2: {  	s29 =	simm.s32 $0x9;
	_ =	strace $0x80000048  }
0xb3: {  	_ =	swait.ge [sflag:s29], $0x1  }
0xb4: {  	[sflag:s29] =	ssyncadd.s32 $0xFFFFFFFF  }
0xb5: {  	_ =	strace $0x90000048  }
0xb6: {  	_ =	sfence  }
0xb7: {  	s30 =	sld [smem:$0x0];
	_ =	sdelay $0x2  }
0xb8: {  	s31 =	sshll.u32 s1, $0xD;
	s1 =	sshrl.u32 s1, $0x2  }
0xb9: {  	s3 =	sand.u32 $0x4000, s31;
	s1 =	sadd.s32 s1, s30  }
0xba: {  	s0 =	sor.u32 s3, s0;
	s1 =	sshll.u32 s1, $0x11  }
0xbb: {  	s0 =	sor.u32 s1, s0  }
0xbc: {  	s0 =	sadd.s32 $0x8F2B, s0  }
0xbd: {  	[sflag:s0] =	ssyncadd.remote.s32 $0x1  }
0xbe: {  	_ =	sfence.sel $0xFFFF  }
0xbf: {  	[dreg:$0x0] =	wrdreg $0xFFFFFFFF;
	(pc) =	sbr.abs _section_cstart, $3  }
0xc0: {  	[dreg:$0x1] =	wrdreg $0xFFFFFFFF  }
0xc1: {  	_ =	task.clear_ibuf [dreg:s6], $0x2FFFF;
	_ =	strace $0x9FFFFFFF  }
0xc2: {  	(tm) =	ssettm $0x7FFFFFFF  }
0xc3: {  	_ =	shalt  }
tec
execute0_lowered:
.L_overlay_start_1:
0x0: {  	(tag) =	ssettag $0x1  }
0x1: {  	s7 =	rddreg [dreg:$0x0]  }
0x2: {  	s1 =	rddreg [dreg:$0x1];
	s2 =	simm.s32 $0x0  }
0x3: {  	s3 =	srdreg.scid;
	s0 =	stileid.u32;
	s16 =	simm.s32 $0x5200  }
0x4: {  	s17 =	simm.s32 $0x3;
	s18 =	simm.s32 $0x100;
	s19 =	simm.s32 $0x50  }
0x5: {  	s20 =	simm.s32 $0x200;
	s21 =	simm.s32 $0x80;
	s22 =	simm.s32 $0x180  }
0x6: {  	s23 =	simm.s32 $0x2A00;
	s24 =	simm.s32 $0x1;
	[smem:$0x7FF] =	sst s2  }
0x7: {  	s8 =	sand.u32 $0x1, s3;
	s4 =	sadd.s32 $0x1B400, s7;
	s10 =	smul.u32 $0x2800, s0  }
0x8: {  	s5 =	sadd.s32 $0x11600, s7;
	s6 =	sadd.s32 $0x7800, s7;
	s26 =	smul.u32 $0x2710, s0  }
0x9: {  	s28 =	ssub.s32 $0x8C, s0;
	s29 =	smul.u32 $0xA000, s0;
	_ =	strace $0x80000047  }
0xa: {  	s9 =	smul.u32 $0x138800, s8;
	s11 =	sshll.u32 s8, $0x4;
	s25 =	ssub.s32 $0x2, s8  }
0xb: {  	s13 =	smul.u32 $0x27100, s8;
	s11 =	sor.u32 s0, s11;
	s12 =	sshrl.u32 s25, $0x1  }
0xc: {  	s30 =	sshrl.u32 s29, $0x2;
	s9 =	sadd.s32 s10, s9;
	s11 =	smul.u32 $0x2710, s11  }
0xd: {  	s10 =	ssub.s32 s25, s12;
	s13 =	sadd.s32 s26, s13;
	s25 =	simm.s32 $0x2  }
0xe: {  	s26 =	simm.s32 $0x0;
	s9 =	sshrl.u32 s9, $0x3;
	s31 =	sadd.s32 $0x50, s13  }
0xf: {  	s10 =	smax.u32 s10, $0x1;
	s12 =	sadd.s32 $0xA0, s13;
	s15 =	sadd.s32 s9, s7  }
0x10: {  	s11 =	sshrl.u32 s11, $0x3;
	s7 =	sshrl.u32 s28, $0x4;
	s14 =	sshrl.u32 s31, $0x3  }
0x11: {  	s8 =	sadd.s32 s5, s11;
	s9 =	sadd.s32 s6, s11;
	s11 =	sadd.s32 s30, s1  }
0x12: {  	v0 =	vimm.f32 $0.0e+00;
	s13 =	sadd.s32 s14, s6;
	s14 =	sadd.s32 s14, s5;
	s15 =	sadd.s32 $0x42600, s15  }
.LBB2_1:
0x13: {  	s28 =	simm.s32 $0x70;
	s29 =	simm.s32 $0x3C0  }
.LBB2_2:
0x14: {  	p0 =	sne.s32 s29, $0x9FC0;
	[tilespmem:s28+$0x5200] =	vst v0  }
0x15: {  	[tilespmem:s28+$0x5190] =	vst v0  }
0x16: {  	[tilespmem:s28+$0x51A0] =	vst v0  }
.Ltmp0:
0x17: {  	[tilespmem:s28+$0x51B0] =	vst v0;
	(pc) =	sbr.rel @p0 .LBB2_2-.Ltmp0, $4  }
0x18: {  	[tilespmem:s28+$0x51C0] =	vst v0  }
0x19: {  	[tilespmem:s28+$0x51D0] =	vst v0  }
0x1a: {  	[tilespmem:s28+$0x51E0] =	vst v0  }
0x1b: {  	[tilespmem:s28+$0x51F0] =	vst v0;
	s28 =	sshra.s32 s29, $0x2;
	s29 =	sadd.s32 $0x200, s29  }
0x1c: {  	[tilespmem:s28+$0x5200] =	vst v0  }
0x1d: {  	[tilespmem:s28+$0x5190] =	vst v0  }
0x1e: {  	[tilespmem:s28+$0x51A0] =	vst v0  }
0x1f: {  	[tilespmem:s28+$0x51B0] =	vst v0  }
0x20: {  	[tilespmem:s28+$0x51C0] =	vst v0  }
0x21: {  	[tilespmem:s28+$0x51D0] =	vst v0;
	p0 =	sne.s32 s7, $0x1  }
.Ltmp1:
0x22: {  	[tilespmem:s28+$0x51E0] =	vst v0;
	(pc) =	sbr.rel @!p0 .LBB2_5-.Ltmp1, $4  }
0x23: {  	[tilespmem:s28+$0x51F0] =	vst v0  }
0x24: {  	[spmem:s11] =	stream.linear.scatter [tilespmem:s16], [sflag:$0x3], $0x2800, $0x38;
	[tilespmem:$0x1B280] =	vst v63  }
0x25: {  	_ =	swait.ge [sflag:s17], $0x2800  }
0x26: {  	s28 =	sadd.s32 $0xFFFFFFFF, s7;
	s29 =	smov.u32 s11;
	[sflag:s17] =	ssyncset.done $0x0  }
.LBB2_4:
0x27: {  	p1 =	sne.s32 s28, $0x1;
	[sflag:s17] =	ssyncadd.s32 $0xFFFFD800;
	s29 =	sadd.s32 $0x28000, s29  }
.Ltmp2:
0x28: {  	s28 =	sadd.s32 $0xFFFFFFFF, s28;
	(pc) =	sbr.rel @p1 .LBB2_4-.Ltmp2, $4  }
0x29: {  	_ = 	snop  }
0x2a: {  	[spmem:s29] =	stream.linear.scatter [tilespmem:s16], [sflag:$0x3], $0x2800, $0x38;
	[tilespmem:$0x1B280] =	vst v63  }
0x2b: {  	_ =	swait.ge [sflag:s17], $0x2800  }
0x2c: {  	[sflag:s17] =	ssyncset.done $0x0  }
.LBB2_5:
0x2d: {  	[sflag:s17] =	ssyncadd.s32 $0xFFFFD800  }
0x2e: {  	s28 =	simm.s32 $0x0;
	[bflag:$0x0] =	sbarrier.arrive $0xFFFF  }
0x2f: {  	[tilespmem:s28], [sflag:$0x3] =	stream.linear.gather [hbm4b:s8+s28], $0x50, $0x38;
	[tilespmem:$0x1B280] =	vst v63  }
0x30: {  	_ =	swait.ge [sflag:s17], $0x50  }
0x31: {  	[sflag:s17] =	ssyncset.done $0x0  }
0x32: {  	[sflag:s17] =	ssyncadd.s32 $0xFFFFFFB0  }
0x33: {  	[tilespmem:s18], [sflag:$0x3] =	stream.linear.gather [hbm4b:s9+s28], $0x50, $0x38;
	[tilespmem:$0x1B280] =	vst v63  }
0x34: {  	_ =	swait.ge [sflag:s17], $0x50  }
0x35: {  	[sflag:s17] =	ssyncset.done $0x0  }
0x36: {  	[sflag:s17] =	ssyncadd.s32 $0xFFFFFFB0  }
0x37: {  	[tilespmem:s20], [sflag:$0x1] =	stream.indirect.gather [hbm4b:s4+s19], $0x80, s28, s19, $0xb8;
	[tilespmem:$0x1B280] =	vst v63  }
0x38: {  	s28 =	sadd.s32 $0x0, s14  }
0x39: {  	[tilespmem:s21], [sflag:$0x3] =	stream.linear.gather [hbm4b:s28+s2], $0x50, $0x38;
	[tilespmem:$0x1B280] =	vst v63  }
0x3a: {  	_ =	swait.ge [sflag:s17], $0x50  }
0x3b: {  	[sflag:s17] =	ssyncset.done $0x0  }
0x3c: {  	s28 =	sadd.s32 $0x0, s13;
	[sflag:s17] =	ssyncadd.s32 $0xFFFFFFB0  }
0x3d: {  	[tilespmem:s22], [sflag:$0x3] =	stream.linear.gather [hbm4b:s28+s2], $0x50, $0x38;
	[tilespmem:$0x1B280] =	vst v63  }
0x3e: {  	_ =	swait.ge [sflag:s17], $0x50  }
0x3f: {  	[sflag:s17] =	ssyncset.done $0x0  }
0x40: {  	[sflag:s17] =	ssyncadd.s32 $0xFFFFFFB0  }
0x41: {  	[tilespmem:s23], [sflag:$0x2] =	stream.indirect.gather [hbm4b:s4+s19], $0x80, s21, s19, $0xb8;
	[tilespmem:$0x1B280] =	vst v63  }
0x42: {  	_ =	swait.ge [sflag:s24], $0x2800  }
0x43: {  	[sflag:s24] =	ssyncset.done $0x0  }
0x44: {  	[sflag:s24] =	ssyncadd.s32 $0xFFFFD800  }
0x45: {  	[spmem:s1] =	stream.indirect.scatter.add.f32 [tilespmem:s20], [sflag:$0x3], $0x80, s18, s19, $0xb8;
	[tilespmem:$0x1B280] =	vst v63  }
0x46: {  	_ =	swait.ge [sflag:s17], $0x2800  }
0x47: {  	s28 =	sshrl.u32 s12, $0x3;
	[sflag:s17] =	ssyncset.done $0x0  }
0x48: {  	s29 =	sadd.s32 s5, s28;
	[sflag:s17] =	ssyncadd.s32 $0xFFFFD800  }
0x49: {  	[tilespmem:s2], [sflag:$0x3] =	stream.linear.gather [hbm4b:s29+s2], $0x50, $0x38;
	[tilespmem:$0x1B280] =	vst v63  }
0x4a: {  	_ =	swait.ge [sflag:s17], $0x50  }
0x4b: {  	[sflag:s17] =	ssyncset.done $0x0  }
0x4c: {  	s28 =	sadd.s32 s6, s28;
	[sflag:s17] =	ssyncadd.s32 $0xFFFFFFB0  }
0x4d: {  	[tilespmem:s18], [sflag:$0x3] =	stream.linear.gather [hbm4b:s28+s2], $0x50, $0x38;
	[tilespmem:$0x1B280] =	vst v63  }
0x4e: {  	_ =	swait.ge [sflag:s17], $0x50  }
0x4f: {  	[sflag:s17] =	ssyncset.done $0x0  }
0x50: {  	[sflag:s17] =	ssyncadd.s32 $0xFFFFFFB0  }
0x51: {  	[tilespmem:s20], [sflag:$0x1] =	stream.indirect.gather [hbm4b:s4+s19], $0x80, s2, s19, $0xb8;
	[tilespmem:$0x1B280] =	vst v63  }
0x52: {  	_ =	swait.ge [sflag:s25], $0x2800  }
0x53: {  	[sflag:s25] =	ssyncset.done $0x0  }
0x54: {  	[sflag:s25] =	ssyncadd.s32 $0xFFFFD800  }
0x55: {  	[spmem:s1] =	stream.indirect.scatter.add.f32 [tilespmem:s23], [sflag:$0x3], $0x80, s22, s19, $0xb8;
	[tilespmem:$0x1B280] =	vst v63  }
0x56: {  	s31 =	simm.s32 $0x28;
	_ =	swait.ge [sflag:s17], $0x2800  }
0x57: {  	s29 =	simm.s32 $0x14;
	s28 =	sadd.s32 $0xA0, s12;
	[sflag:s17] =	ssyncset.done $0x0  }
.LBB2_6:
0x58: {  	s0 =	sadd.s32 s29, s14  }
0x59: {  	[sflag:s17] =	ssyncadd.s32 $0xFFFFD800;
	s3 =	smov.u32 s31;
	s30 =	sadd.s32 $0x14, s31  }
0x5a: {  	[tilespmem:s21], [sflag:$0x3] =	stream.linear.gather [hbm4b:s0+s2], $0x50, $0x38;
	[tilespmem:$0x1B280] =	vst v63  }
0x5b: {  	p1 =	sne.s32 s31, $0x4C4;
	_ =	swait.ge [sflag:s17], $0x50  }
0x5c: {  	[sflag:s17] =	ssyncset.done $0x0  }
0x5d: {  	s0 =	sadd.s32 s29, s13;
	s29 =	smov.u32 s3;
	[sflag:s17] =	ssyncadd.s32 $0xFFFFFFB0  }
0x5e: {  	[tilespmem:s22], [sflag:$0x3] =	stream.linear.gather [hbm4b:s0+s2], $0x50, $0x38;
	[tilespmem:$0x1B280] =	vst v63  }
0x5f: {  	_ =	swait.ge [sflag:s17], $0x50  }
0x60: {  	[sflag:s17] =	ssyncset.done $0x0  }
0x61: {  	[sflag:s17] =	ssyncadd.s32 $0xFFFFFFB0  }
0x62: {  	[tilespmem:s23], [sflag:$0x2] =	stream.indirect.gather [hbm4b:s4+s19], $0x80, s21, s19, $0xb8;
	[tilespmem:$0x1B280] =	vst v63  }
0x63: {  	_ =	swait.ge [sflag:s24], $0x2800  }
0x64: {  	[sflag:s24] =	ssyncset.done $0x0  }
0x65: {  	[sflag:s24] =	ssyncadd.s32 $0xFFFFD800  }
0x66: {  	[spmem:s1] =	stream.indirect.scatter.add.f32 [tilespmem:s20], [sflag:$0x3], $0x80, s18, s19, $0xb8;
	[tilespmem:$0x1B280] =	vst v63  }
0x67: {  	_ =	swait.ge [sflag:s17], $0x2800  }
0x68: {  	s0 =	sshrl.u32 s28, $0x3;
	[sflag:s17] =	ssyncset.done $0x0  }
0x69: {  	s3 =	sadd.s32 s5, s0;
	[sflag:s17] =	ssyncadd.s32 $0xFFFFD800  }
0x6a: {  	[tilespmem:s2], [sflag:$0x3] =	stream.linear.gather [hbm4b:s3+s2], $0x50, $0x38;
	[tilespmem:$0x1B280] =	vst v63  }
0x6b: {  	_ =	swait.ge [sflag:s17], $0x50  }
0x6c: {  	[sflag:s17] =	ssyncset.done $0x0  }
0x6d: {  	s0 =	sadd.s32 s6, s0;
	[sflag:s17] =	ssyncadd.s32 $0xFFFFFFB0  }
0x6e: {  	[tilespmem:s18], [sflag:$0x3] =	stream.linear.gather [hbm4b:s0+s2], $0x50, $0x38;
	[tilespmem:$0x1B280] =	vst v63  }
0x6f: {  	_ =	swait.ge [sflag:s17], $0x50  }
0x70: {  	[sflag:s17] =	ssyncset.done $0x0  }
0x71: {  	[sflag:s17] =	ssyncadd.s32 $0xFFFFFFB0  }
0x72: {  	[tilespmem:s20], [sflag:$0x1] =	stream.indirect.gather [hbm4b:s4+s19], $0x80, s2, s19, $0xb8;
	[tilespmem:$0x1B280] =	vst v63  }
0x73: {  	_ =	swait.ge [sflag:s25], $0x2800  }
.Ltmp3:
0x74: {  	[sflag:s25] =	ssyncset.done $0x0;
	(pc) =	sbr.rel @p1 .LBB2_6-.Ltmp3, $4  }
0x75: {  	[sflag:s25] =	ssyncadd.s32 $0xFFFFD800  }
0x76: {  	[spmem:s1] =	stream.indirect.scatter.add.f32 [tilespmem:s23], [sflag:$0x3], $0x80, s22, s19, $0xb8;
	[tilespmem:$0x1B280] =	vst v63  }
0x77: {  	_ =	swait.ge [sflag:s17], $0x2800  }
0x78: {  	s31 =	smov.u32 s30;
	s28 =	sadd.s32 $0xA0, s28;
	[sflag:s17] =	ssyncset.done $0x0  }
0x79: {  	s0 =	sadd.s32 s29, s14;
	[sflag:s17] =	ssyncadd.s32 $0xFFFFD800  }
0x7a: {  	[tilespmem:s21], [sflag:$0x3] =	stream.linear.gather [hbm4b:s0+s2], $0x50, $0x38;
	[tilespmem:$0x1B280] =	vst v63  }
0x7b: {  	_ =	swait.ge [sflag:s17], $0x50  }
0x7c: {  	[sflag:s17] =	ssyncset.done $0x0  }
0x7d: {  	s3 =	sadd.s32 s29, s13;
	[sflag:s17] =	ssyncadd.s32 $0xFFFFFFB0  }
0x7e: {  	[tilespmem:s22], [sflag:$0x3] =	stream.linear.gather [hbm4b:s3+s2], $0x50, $0x38;
	[tilespmem:$0x1B280] =	vst v63  }
0x7f: {  	_ =	swait.ge [sflag:s17], $0x50  }
0x80: {  	[sflag:s17] =	ssyncset.done $0x0  }
0x81: {  	[sflag:s17] =	ssyncadd.s32 $0xFFFFFFB0  }
0x82: {  	[tilespmem:s23], [sflag:$0x2] =	stream.indirect.gather [hbm4b:s4+s19], $0x80, s21, s19, $0xb8;
	[tilespmem:$0x1B280] =	vst v63  }
0x83: {  	_ =	swait.ge [sflag:s24], $0x2800  }
0x84: {  	[sflag:s24] =	ssyncset.done $0x0  }
0x85: {  	[sflag:s24] =	ssyncadd.s32 $0xFFFFD800  }
0x86: {  	[spmem:s1] =	stream.indirect.scatter.add.f32 [tilespmem:s20], [sflag:$0x3], $0x80, s18, s19, $0xb8;
	[tilespmem:$0x1B280] =	vst v63  }
0x87: {  	_ =	swait.ge [sflag:s17], $0x2800  }
0x88: {  	s0 =	sshrl.u32 s28, $0x3;
	[sflag:s17] =	ssyncset.done $0x0  }
0x89: {  	s3 =	sadd.s32 s5, s0;
	[sflag:s17] =	ssyncadd.s32 $0xFFFFD800  }
0x8a: {  	[tilespmem:s2], [sflag:$0x3] =	stream.linear.gather [hbm4b:s3+s2], $0x50, $0x38;
	[tilespmem:$0x1B280] =	vst v63  }
0x8b: {  	_ =	swait.ge [sflag:s17], $0x50  }
0x8c: {  	[sflag:s17] =	ssyncset.done $0x0  }
0x8d: {  	s0 =	sadd.s32 s6, s0;
	[sflag:s17] =	ssyncadd.s32 $0xFFFFFFB0  }
0x8e: {  	[tilespmem:s18], [sflag:$0x3] =	stream.linear.gather [hbm4b:s0+s2], $0x50, $0x38;
	[tilespmem:$0x1B280] =	vst v63  }
0x8f: {  	_ =	swait.ge [sflag:s17], $0x50  }
0x90: {  	[sflag:s17] =	ssyncset.done $0x0  }
0x91: {  	[sflag:s17] =	ssyncadd.s32 $0xFFFFFFB0  }
0x92: {  	[tilespmem:s20], [sflag:$0x1] =	stream.indirect.gather [hbm4b:s4+s19], $0x80, s2, s19, $0xb8;
	[tilespmem:$0x1B280] =	vst v63  }
0x93: {  	_ =	swait.ge [sflag:s25], $0x2800  }
0x94: {  	[sflag:s25] =	ssyncset.done $0x0  }
0x95: {  	[sflag:s25] =	ssyncadd.s32 $0xFFFFD800  }
0x96: {  	[spmem:s1] =	stream.indirect.scatter.add.f32 [tilespmem:s23], [sflag:$0x3], $0x80, s22, s19, $0xb8;
	[tilespmem:$0x1B280] =	vst v63  }
0x97: {  	_ =	swait.ge [sflag:s17], $0x2800  }
0x98: {  	[sflag:s17] =	ssyncset.done $0x0  }
0x99: {  	[sflag:s17] =	ssyncadd.s32 $0xFFFFD800  }
0x9a: {  	_ =	swait.ge [sflag:s24], $0x2800  }
0x9b: {  	[sflag:s24] =	ssyncset.done $0x0  }
0x9c: {  	[sflag:s24] =	ssyncadd.s32 $0xFFFFD800  }
0x9d: {  	[spmem:s1] =	stream.indirect.scatter.add.f32 [tilespmem:s20], [sflag:$0x3], $0x80, s18, s19, $0xb8;
	[tilespmem:$0x1B280] =	vst v63  }
0x9e: {  	_ =	swait.ge [sflag:s17], $0x2800  }
.Ltmp4:
0x9f: {  	s3 =	stileid.u32;
	[sflag:s17] =	ssyncset.done $0x0;
	(pc) =	sbr.rel @!p0 .LBB2_9-.Ltmp4, $4  }
0xa0: {  	s29 =	sadd.s32 $0xFFFFFFFF, s7;
	s0 =	sshll.u32 s3, $0x6;
	[sflag:s17] =	ssyncadd.s32 $0xFFFFD800  }
0xa1: {  	s3 =	sshrl.u32 s11, $0x3;
	s28 =	sor.u32 $0x1C03, s0;
	[bflag:$0x0] =	sbarrier.arrive $0xFFFF  }
0xa2: {  	[hbm:s15], [sflag:s28] =	dma.local [spmem:s3], $0x500  }
0xa3: {  	s30 =	sadd.s32 $0x5000, s15;
	s31 =	smov.u32 s11;
	_ =	swait.ge [sflag:s17], $0x500  }
.LBB2_8:
0xa4: {  	[sflag:s17] =	ssyncset.done $0x0;
	s31 =	sadd.s32 $0x28000, s31;
	p0 =	sne.s32 s29, $0x1  }
.Ltmp5:
0xa5: {  	s0 =	sshrl.u32 s31, $0x3;
	[sflag:s17] =	ssyncadd.s32 $0xFFFFFB00;
	(pc) =	sbr.rel @p0 .LBB2_8-.Ltmp5, $3  }
0xa6: {  	[hbm:s30], [sflag:s28] =	dma.local [spmem:s0], $0x500  }
0xa7: {  	s29 =	sadd.s32 $0xFFFFFFFF, s29;
	_ =	sdelay $0x1  }
0xa8: {  	s30 =	sadd.s32 $0x5000, s30;
	_ =	swait.ge [sflag:s17], $0x500  }
.LBB2_9:
0xa9: {  	s26 =	sadd.s32 $0x1, s26  }
0xaa: {  	p0 =	sne.s32 s26, s10  }
.Ltmp6:
0xab: {  	_ = 	snop;
	(pc) =	sbr.rel @p0 .LBB2_1-.Ltmp6, $3  }
0xac: {  	_ =	sdelay $0x1  }
0xad: {  	[sflag:s17] =	ssyncset.done $0x0  }
0xae: {  	[sflag:s17] =	ssyncadd.s32 $0xFFFFFB00  }
0xaf: {  	_ =	sfence.sel $0x180000  }
0xb0: {  	[bflag:$0x0] =	sbarrier.arrive $0xFFFF  }
0xb1: {  	_ =	strace $0x90000047  }
0xb2: {  	s0 =	stileid.u32;
	[bflag:$0x2] =	sbarrier.arrive $0xFFFF  }
0xb3: {  	p0 =	sne.s32 s0, $0x0;
	s0 =	rddreg [dreg:$0x2]  }
0xb4: {  	s0 =	sadd.s32 @!p0 $0x100000, s0  }
0xb5: {  	[sflag:s0] =	ssyncadd.tile.s32 @!p0 $0x1;
	_ =	shalt  }
.Lfunc_end2:
_tile_overlayer_lowered:
.L_overlay_start_2:
0xb6: {  	(tag) =	ssettag $0x2  }
0xb7: {  	s0 =	rddreg [dreg:$0x0];
	s2 =	stileid.u32  }
0xb8: {  	s1 =	rddreg [dreg:$0x1];
	p0 =	sne.s32 s2, $0x0  }
0xb9: {  	s3 =	rddreg [dreg:$0x2];
	[bflag:$0x3] =	sbarrier.arrive $0xFFFF;
	s2 =	simm.s32 @!p0 $0x1C03  }
0xba: {  	[timem:s3], [sflag:s2] =	dma.local @!p0 [hbm:s0], s1  }
0xbb: {  	s0 =	simm.s32 @!p0 $0x3  }
0xbc: {  	_ =	swait.ge @!p0 [sflag:s0], s1  }
0xbd: {  	s1 =	ssub.s32 @!p0 $0x0, s1;
	[sflag:s0] =	ssyncset.done @!p0 $0x0  }
0xbe: {  	[sflag:s0] =	ssyncadd.s32 @!p0 s1  }
0xbf: {  	[bflag:$0x3] =	sbarrier.arrive $0xFFFF  }
0xc0: {  	_ =	shalt  }

// kernel: kernel.13.cloned.1.call-start
scs
__scs_entry_jumppad:
0x0: {  	(pc) =	sbr.rel $0x88, $3  }
0x1: {  	(tag) =	ssettag $0x0;
	lr =	simm.s32 $0x1  }
0x2: {  	[smem:$0x3F79] =	sst lr;
	_ =	strace $0xD0000000  }
0x3: {  	_ = 	snop  }
0x4: {  	_ = 	snop  }
0x5: {  	_ = 	snop  }
0x6: {  	_ = 	snop  }
0x7: {  	_ = 	snop  }
__scs_overlays_trampoline_lowered:
0x8: {  	[smem:$0x3F88] =	sst s0  }
0x9: {  	[smem:$0x3F89] =	sst s1  }
0xa: {  	[smem:$0x3F8A] =	sst s2  }
0xb: {  	[smem:$0x3F8B] =	sst s3  }
0xc: {  	[smem:$0x3F8C] =	sst s4  }
0xd: {  	[smem:$0x3F8D] =	sst s5  }
0xe: {  	[smem:$0x3F8E] =	sst s6  }
0xf: {  	[smem:$0x3F8F] =	sst s7  }
0x10: {  	[smem:$0x3F90] =	sst s8  }
0x11: {  	[smem:$0x3F91] =	sst s9;
	s0 =	simm.s32 @!p0 $0x0  }
0x12: {  	s1 =	sld [smem:$0x3F77];
	s0 =	simm.s32 @p0 $0x1  }
0x13: {  	[smem:$0x3F92] =	sst s0;
	s0 =	simm.s32 @!p1 $0x0  }
0x14: {  	s2 =	sld [smem:$0x3F76];
	s0 =	simm.s32 @p1 $0x1  }
0x15: {  	[smem:$0x3F93] =	sst s0;
	s0 =	simm.s32 @!p2 $0x0  }
0x16: {  	s3 =	sld [smem:$0x3FDB];
	s0 =	simm.s32 @p2 $0x1  }
0x17: {  	s4 =	simm.s32 $0x1BF5;
	[smem:$0x3F95] =	sst s0  }
0x18: {  	s0 =	sld [smem:$0x3F78];
	_ =	swait.ge [sflag:s4], $0x0  }
0x19: {  	s7 =	sld [smem:$0x3F79]  }
0x1a: {  	s8 =	sadd.s32 $0xFFFFE003, lr  }
0x1b: {  	s9 =	sadd.s32 $0xFFFFFEF7, lr;
	s5 =	simm.s32 $0xFFFFFFFF;
	p2 =	slt.u32 s8, $0xFFFFF086  }
0x1c: {  	p1 =	slt.u32 s9, $0xF7A;
	s5 =	simm.s32 @!p2 $0x0  }
0x1d: {  	s5 =	simm.s32 @p1 $0x1;
	p0 =	seq.s32 s7, s2  }
0x1e: {  	s7 =	smul.u32 @!p0 $0xF7A, s2;
	p2 =	seq.s32 @!p0 s5, $0x0  }
0x1f: {  	s9 =	smul.u32 $0xF7A, s1;
	s8 =	simm.s32 @!p0 $0x1BF5;
	p2 =	por !p2, p0  }
0x20: {  	[sflag:s8] =	ssyncset.s32 @!p0 $0xFFFFF086;
	s6 =	sadd.s32 @!p0 s3, s7;
	s7 =	simm.s32 @!p0 $0x108  }
0x21: {  	s3 =	sadd.s32 s3, s9;
	s6 =	sadd.s32 @!p0 $0x88, s6;
	s7 =	simm.s32 @p2 $0x1082  }
0x22: {  	[simem:s7], [sflag:s8] =	dma.local @!p0 [hbm:s6], $0xF7A  }
0x23: {  	s9 =	sor.u32 $0xD0000000, s2;
	s6 =	simm.s32 $0x108;
	_ =	swait.ge @!p0 [sflag:s8], $0x0  }
0x24: {  	s3 =	sadd.s32 $0x88, s3;
	s6 =	simm.s32 @!p1 $0x1082;
	[sflag:s4] =	ssyncset.s32 $0xFFFFF086  }
0x25: {  	[simem:s6], [sflag:s4] =	dma.local [hbm:s3], $0xF7A  }
0x26: {  	[smem:$0x3F79] =	sst s1;
	(tag) =	ssettag s2;
	_ =	strace s9  }
0x27: {  	s1 =	sld [smem:$0x3F89]  }
0x28: {  	s2 =	sld [smem:$0x3F8A]  }
0x29: {  	s4 =	sld [smem:$0x3F8C]  }
0x2a: {  	p0 =	seq.s32 s5, $0x0;
	s5 =	sld [smem:$0x3F8D]  }
0x2b: {  	s6 =	sld [smem:$0x3F8E]  }
0x2c: {  	s7 =	sld [smem:$0x3F8F]  }
0x2d: {  	s3 =	simm.s32 $0x108;
	s8 =	sld [smem:$0x3F90]  }
0x2e: {  	s3 =	simm.s32 @!p0 $0x1082;
	s9 =	sld [smem:$0x3F91]  }
0x2f: {  	lr =	sadd.s32 s0, s3;
	s0 =	sld [smem:$0x3F88]  }
0x30: {  	s3 =	sld [smem:$0x3F8B]  }
0x31: {  	[smem:$0x3F94] =	sst s10  }
0x32: {  	s10 =	sld [smem:$0x3F92];
	_ =	sdelay $0x3  }
0x33: {  	p0 =	seq.s32 s10, $0x1;
	s10 =	sld [smem:$0x3F94];
	_ =	sdelay $0x3  }
0x34: {  	[smem:$0x3F94] =	sst s10  }
0x35: {  	s10 =	sld [smem:$0x3F93];
	_ =	sdelay $0x3  }
0x36: {  	p1 =	seq.s32 s10, $0x1;
	s10 =	sld [smem:$0x3F94];
	_ =	sdelay $0x3  }
0x37: {  	[smem:$0x3F94] =	sst s10  }
0x38: {  	s10 =	sld [smem:$0x3F95]  }
0x39: {  	_ = 	snop;
	(pc) =	sbr.ind lr, $3  }
0x3a: {  	_ = 	snop  }
0x3b: {  	_ = 	snop  }
0x3c: {  	p2 =	seq.s32 s10, $0x1;
	s10 =	sld [smem:$0x3F94]  }
0x3d: {  	_ =	shalt  }
0x3e: {  	_ =	shalt  }
0x3f: {  	_ =	shalt  }
0x40: {  	_ =	shalt  }
0x41: {  	_ =	shalt  }
0x42: {  	_ =	shalt  }
0x43: {  	_ =	shalt  }
0x44: {  	_ =	shalt  }
0x45: {  	_ =	shalt  }
0x46: {  	_ =	shalt  }
0x47: {  	_ =	shalt  }
0x48: {  	_ =	shalt  }
0x49: {  	_ =	shalt  }
0x4a: {  	_ =	shalt  }
0x4b: {  	_ =	shalt  }
0x4c: {  	_ =	shalt  }
0x4d: {  	_ =	shalt  }
0x4e: {  	_ =	shalt  }
0x4f: {  	_ =	shalt  }
0x50: {  	_ =	shalt  }
0x51: {  	_ =	shalt  }
0x52: {  	_ =	shalt  }
0x53: {  	_ =	shalt  }
0x54: {  	_ =	shalt  }
0x55: {  	_ =	shalt  }
0x56: {  	_ =	shalt  }
0x57: {  	_ =	shalt  }
0x58: {  	_ =	shalt  }
0x59: {  	_ =	shalt  }
0x5a: {  	_ =	shalt  }
0x5b: {  	_ =	shalt  }
0x5c: {  	_ =	shalt  }
0x5d: {  	_ =	shalt  }
0x5e: {  	_ =	shalt  }
0x5f: {  	_ =	shalt  }
0x60: {  	_ =	shalt  }
0x61: {  	_ =	shalt  }
0x62: {  	_ =	shalt  }
0x63: {  	_ =	shalt  }
0x64: {  	_ =	shalt  }
0x65: {  	_ =	shalt  }
0x66: {  	_ =	shalt  }
0x67: {  	_ =	shalt  }
0x68: {  	_ =	shalt  }
0x69: {  	_ =	shalt  }
0x6a: {  	_ =	shalt  }
0x6b: {  	_ =	shalt  }
0x6c: {  	_ =	shalt  }
0x6d: {  	_ =	shalt  }
0x6e: {  	_ =	shalt  }
0x6f: {  	_ =	shalt  }
0x70: {  	_ =	shalt  }
0x71: {  	_ =	shalt  }
0x72: {  	_ =	shalt  }
0x73: {  	_ =	shalt  }
0x74: {  	_ =	shalt  }
0x75: {  	_ =	shalt  }
0x76: {  	_ =	shalt  }
0x77: {  	_ =	shalt  }
0x78: {  	_ =	shalt  }
0x79: {  	_ =	shalt  }
0x7a: {  	_ =	shalt  }
0x7b: {  	_ =	shalt  }
0x7c: {  	_ =	shalt  }
0x7d: {  	_ =	shalt  }
0x7e: {  	_ =	shalt  }
0x7f: {  	_ =	shalt  }
0x80: {  	_ =	shalt  }
0x81: {  	_ =	shalt  }
0x82: {  	_ =	shalt  }
0x83: {  	_ =	shalt  }
0x84: {  	_ =	shalt  }
0x85: {  	_ =	shalt  }
0x86: {  	_ =	shalt  }
0x87: {  	_ =	shalt  }
.Lfunc_end0:
.L_simem_size_0:
called_computation.1_lowered:
.L_overlay_start_0:
0x88: {  	s2 =	sld [smem:$0x3FD9]  }
0x89: {  	s3 =	sld [smem:$0x3FFE];
	_ =	sdelay $0x1  }
0x8a: {  	s1 =	srdreg.scid  }
0x8b: {  	s0 =	sand.u32 $0x1, s1  }
0x8c: {  	s16 =	sshll.u32 s0, $0xA;
	s2 =	sadd.s32 s3, s2  }
0x8d: {  	s2 =	sadd.s32 s2, s16  }
0x8e: {  	[smem:$0x3FA0] =	sst s2  }
0x8f: {  	_ = 	snop  }
0x90: {  	(tm) =	ssettm $0x1  }
0x91: {  	s17 =	sld [smem:$0x3FFB];
	_ =	sdelay $0x3  }
0x92: {  	_ =	strace s17  }
0x93: {  	s2 =	sld [smem:$0x3FFC];
	_ =	sdelay $0x3  }
0x94: {  	_ =	strace s2  }
0x95: {  	s2 =	sld [smem:$0x3FFD];
	_ =	sdelay $0x3  }
0x96: {  	_ =	strace s2  }
0x97: {  	_ =	strace $0x8FFFFFFF  }
0x98: {  	s18 =	sld [smem:$0x3FDB];
	_ =	sdelay $0x1  }
0x99: {  	s19 =	simm.s32 $_scs_section_size  }
0x9a: {  	s4 =	simm.s32 $_size__tile_overlayer_lowered;
	s5 =	simm.s32 $_tile_overlayer_lowered  }
0x9b: {  	s22 =	simm.s32 $0x1BFF;
	s21 =	sshll.u32 s5, $0x1;
	s2 =	sadd.s32 s19, s18  }
0x9c: {  	s6 =	simm.s32 $0x0;
	s20 =	sshll.u32 s4, $0x1;
	s4 =	sadd.s32 s21, s2  }
0x9d: {  	[timem:s6], [sflag:s22] =	dma.local [hbm:s4], s20  }
0x9e: {  	_ =	swait.ge [sflag:s22], s20  }
0x9f: {  	s3 =	ssub.s32 $0x0, s20;
	[sflag:s22] =	ssyncset.done $0x0  }
0xa0: {  	[sflag:s22] =	ssyncadd.s32 s3;
	_ =	sdelay $0x1  }
0xa1: {  	s23 =	simm.s32 $0x1B8B  }
0xa2: {  	_ =	swait.ge [sflag:s23], $0x1  }
0xa3: {  	[sflag:s23] =	ssyncset.done $0x0  }
0xa4: {  	s25 =	simm.s32 $0x1B8E;
	s24 =	sld [smem:$0x3FFE];
	[sflag:s23] =	ssyncadd.s32 $0xFFFFFFFF  }
0xa5: {  	s26 =	simm.s32 $execute0_lowered;
	[smem:$0x3FD2] =	sst s25  }
0xa6: {  	s4 =	sshll.u32 s26, $0x1;
	_ =	strace $0x80000049;
	[dreg:$0x1] =	wrdreg $0xFFFFFFFF  }
0xa7: {  	s28 =	simm.s32 $_size_execute0_lowered;
	s2 =	sadd.s32 s2, s4;
	[dreg:$0x0] =	wrdreg $0x0  }
0xa8: {  	s4 =	sshll.u32 s28, $0x1;
	[dreg:$0x2] =	wrdreg s2  }
0xa9: {  	[dreg:$0x3] =	wrdreg s4  }
0xaa: {  	[dreg:$0x4] =	wrdreg $0xC0  }
0xab: {  	_ =	task [dreg:s6], $0x5FFFF  }
0xac: {  	[dreg:$0x1] =	wrdreg $0xFFFFFFFF  }
0xad: {  	[dreg:$0x0] =	wrdreg $0x60  }
0xae: {  	[dreg:$0x2] =	wrdreg s24  }
0xaf: {  	[dreg:$0x3] =	wrdreg $0x7A000  }
0xb0: {  	[dreg:$0x4] =	wrdreg $0x9  }
0xb1: {  	_ =	task.clear_ibuf [dreg:s6], $0x5FFFF;
	_ =	strace $0x90000049  }
0xb2: {  	s29 =	simm.s32 $0x9;
	_ =	strace $0x8000004B  }
0xb3: {  	_ =	swait.ge [sflag:s29], $0x1  }
0xb4: {  	[sflag:s29] =	ssyncadd.s32 $0xFFFFFFFF  }
0xb5: {  	_ =	strace $0x9000004B  }
0xb6: {  	_ =	sfence  }
0xb7: {  	s30 =	sld [smem:$0x0];
	_ =	sdelay $0x2  }
0xb8: {  	s31 =	sshll.u32 s1, $0xD;
	s1 =	sshrl.u32 s1, $0x2  }
0xb9: {  	s3 =	sand.u32 $0x4000, s31;
	s1 =	sadd.s32 s1, s30  }
0xba: {  	s0 =	sor.u32 s3, s0;
	s1 =	sshll.u32 s1, $0x11  }
0xbb: {  	s0 =	sor.u32 s1, s0  }
0xbc: {  	s0 =	sadd.s32 $0x8F2B, s0  }
0xbd: {  	[sflag:s0] =	ssyncadd.remote.s32 $0x1  }
0xbe: {  	_ =	sfence.sel $0xFFFF  }
0xbf: {  	[dreg:$0x0] =	wrdreg $0xFFFFFFFF;
	(pc) =	sbr.abs _section_cstart, $3  }
0xc0: {  	[dreg:$0x1] =	wrdreg $0xFFFFFFFF  }
0xc1: {  	_ =	task.clear_ibuf [dreg:s6], $0x2FFFF;
	_ =	strace $0x9FFFFFFF  }
0xc2: {  	(tm) =	ssettm $0x7FFFFFFF  }
0xc3: {  	_ =	shalt  }
tec
execute0_lowered:
.L_overlay_start_1:
0x0: {  	(tag) =	ssettag $0x1  }
0x1: {  	s7 =	rddreg [dreg:$0x0]  }
0x2: {  	s1 =	rddreg [dreg:$0x1];
	s2 =	simm.s32 $0x0  }
0x3: {  	s3 =	srdreg.scid;
	s0 =	stileid.u32;
	s16 =	simm.s32 $0x5200  }
0x4: {  	s17 =	simm.s32 $0x3;
	s18 =	simm.s32 $0x100;
	s19 =	simm.s32 $0x50  }
0x5: {  	s20 =	simm.s32 $0x200;
	s21 =	simm.s32 $0x80;
	s22 =	simm.s32 $0x180  }
0x6: {  	s23 =	simm.s32 $0x2A00;
	s24 =	simm.s32 $0x1;
	[smem:$0x7FF] =	sst s2  }
0x7: {  	s8 =	sand.u32 $0x1, s3;
	s4 =	sadd.s32 $0x1B400, s7;
	s10 =	smul.u32 $0x2800, s0  }
0x8: {  	s5 =	sadd.s32 $0x11600, s7;
	s6 =	sadd.s32 $0x7800, s7;
	s26 =	smul.u32 $0x2710, s0  }
0x9: {  	s28 =	ssub.s32 $0x8C, s0;
	s29 =	smul.u32 $0xA000, s0;
	_ =	strace $0x8000004A  }
0xa: {  	s9 =	smul.u32 $0x138800, s8;
	s11 =	sshll.u32 s8, $0x4;
	s25 =	ssub.s32 $0x2, s8  }
0xb: {  	s13 =	smul.u32 $0x27100, s8;
	s11 =	sor.u32 s0, s11;
	s12 =	sshrl.u32 s25, $0x1  }
0xc: {  	s30 =	sshrl.u32 s29, $0x2;
	s9 =	sadd.s32 s10, s9;
	s11 =	smul.u32 $0x2710, s11  }
0xd: {  	s10 =	ssub.s32 s25, s12;
	s13 =	sadd.s32 s26, s13;
	s25 =	simm.s32 $0x2  }
0xe: {  	s26 =	simm.s32 $0x0;
	s9 =	sshrl.u32 s9, $0x3;
	s31 =	sadd.s32 $0x50, s13  }
0xf: {  	s10 =	smax.u32 s10, $0x1;
	s12 =	sadd.s32 $0xA0, s13;
	s15 =	sadd.s32 s9, s7  }
0x10: {  	s11 =	sshrl.u32 s11, $0x3;
	s7 =	sshrl.u32 s28, $0x4;
	s14 =	sshrl.u32 s31, $0x3  }
0x11: {  	s8 =	sadd.s32 s5, s11;
	s9 =	sadd.s32 s6, s11;
	s11 =	sadd.s32 s30, s1  }
0x12: {  	v0 =	vimm.f32 $0.0e+00;
	s13 =	sadd.s32 s14, s6;
	s14 =	sadd.s32 s14, s5;
	s15 =	sadd.s32 $0x42600, s15  }
.LBB2_1:
0x13: {  	s28 =	simm.s32 $0x70;
	s29 =	simm.s32 $0x3C0  }
.LBB2_2:
0x14: {  	p0 =	sne.s32 s29, $0x9FC0;
	[tilespmem:s28+$0x5200] =	vst v0  }
0x15: {  	[tilespmem:s28+$0x5190] =	vst v0  }
0x16: {  	[tilespmem:s28+$0x51A0] =	vst v0  }
.Ltmp0:
0x17: {  	[tilespmem:s28+$0x51B0] =	vst v0;
	(pc) =	sbr.rel @p0 .LBB2_2-.Ltmp0, $4  }
0x18: {  	[tilespmem:s28+$0x51C0] =	vst v0  }
0x19: {  	[tilespmem:s28+$0x51D0] =	vst v0  }
0x1a: {  	[tilespmem:s28+$0x51E0] =	vst v0  }
0x1b: {  	[tilespmem:s28+$0x51F0] =	vst v0;
	s28 =	sshra.s32 s29, $0x2;
	s29 =	sadd.s32 $0x200, s29  }
0x1c: {  	[tilespmem:s28+$0x5200] =	vst v0  }
0x1d: {  	[tilespmem:s28+$0x5190] =	vst v0  }
0x1e: {  	[tilespmem:s28+$0x51A0] =	vst v0  }
0x1f: {  	[tilespmem:s28+$0x51B0] =	vst v0  }
0x20: {  	[tilespmem:s28+$0x51C0] =	vst v0  }
0x21: {  	[tilespmem:s28+$0x51D0] =	vst v0;
	p0 =	sne.s32 s7, $0x1  }
.Ltmp1:
0x22: {  	[tilespmem:s28+$0x51E0] =	vst v0;
	(pc) =	sbr.rel @!p0 .LBB2_5-.Ltmp1, $4  }
0x23: {  	[tilespmem:s28+$0x51F0] =	vst v0  }
0x24: {  	[spmem:s11] =	stream.linear.scatter [tilespmem:s16], [sflag:$0x3], $0x2800, $0x38;
	[tilespmem:$0x1B280] =	vst v63  }
0x25: {  	_ =	swait.ge [sflag:s17], $0x2800  }
0x26: {  	s28 =	sadd.s32 $0xFFFFFFFF, s7;
	s29 =	smov.u32 s11;
	[sflag:s17] =	ssyncset.done $0x0  }
.LBB2_4:
0x27: {  	p1 =	sne.s32 s28, $0x1;
	[sflag:s17] =	ssyncadd.s32 $0xFFFFD800;
	s29 =	sadd.s32 $0x28000, s29  }
.Ltmp2:
0x28: {  	s28 =	sadd.s32 $0xFFFFFFFF, s28;
	(pc) =	sbr.rel @p1 .LBB2_4-.Ltmp2, $4  }
0x29: {  	_ = 	snop  }
0x2a: {  	[spmem:s29] =	stream.linear.scatter [tilespmem:s16], [sflag:$0x3], $0x2800, $0x38;
	[tilespmem:$0x1B280] =	vst v63  }
0x2b: {  	_ =	swait.ge [sflag:s17], $0x2800  }
0x2c: {  	[sflag:s17] =	ssyncset.done $0x0  }
.LBB2_5:
0x2d: {  	[sflag:s17] =	ssyncadd.s32 $0xFFFFD800  }
0x2e: {  	s28 =	simm.s32 $0x0;
	[bflag:$0x0] =	sbarrier.arrive $0xFFFF  }
0x2f: {  	[tilespmem:s28], [sflag:$0x3] =	stream.linear.gather [hbm4b:s8+s28], $0x50, $0x38;
	[tilespmem:$0x1B280] =	vst v63  }
0x30: {  	_ =	swait.ge [sflag:s17], $0x50  }
0x31: {  	[sflag:s17] =	ssyncset.done $0x0  }
0x32: {  	[sflag:s17] =	ssyncadd.s32 $0xFFFFFFB0  }
0x33: {  	[tilespmem:s18], [sflag:$0x3] =	stream.linear.gather [hbm4b:s9+s28], $0x50, $0x38;
	[tilespmem:$0x1B280] =	vst v63  }
0x34: {  	_ =	swait.ge [sflag:s17], $0x50  }
0x35: {  	[sflag:s17] =	ssyncset.done $0x0  }
0x36: {  	[sflag:s17] =	ssyncadd.s32 $0xFFFFFFB0  }
0x37: {  	[tilespmem:s20], [sflag:$0x1] =	stream.indirect.gather [hbm4b:s4+s19], $0x80, s28, s19, $0xb8;
	[tilespmem:$0x1B280] =	vst v63  }
0x38: {  	s28 =	sadd.s32 $0x0, s14  }
0x39: {  	[tilespmem:s21], [sflag:$0x3] =	stream.linear.gather [hbm4b:s28+s2], $0x50, $0x38;
	[tilespmem:$0x1B280] =	vst v63  }
0x3a: {  	_ =	swait.ge [sflag:s17], $0x50  }
0x3b: {  	[sflag:s17] =	ssyncset.done $0x0  }
0x3c: {  	s28 =	sadd.s32 $0x0, s13;
	[sflag:s17] =	ssyncadd.s32 $0xFFFFFFB0  }
0x3d: {  	[tilespmem:s22], [sflag:$0x3] =	stream.linear.gather [hbm4b:s28+s2], $0x50, $0x38;
	[tilespmem:$0x1B280] =	vst v63  }
0x3e: {  	_ =	swait.ge [sflag:s17], $0x50  }
0x3f: {  	[sflag:s17] =	ssyncset.done $0x0  }
0x40: {  	[sflag:s17] =	ssyncadd.s32 $0xFFFFFFB0  }
0x41: {  	[tilespmem:s23], [sflag:$0x2] =	stream.indirect.gather [hbm4b:s4+s19], $0x80, s21, s19, $0xb8;
	[tilespmem:$0x1B280] =	vst v63  }
0x42: {  	_ =	swait.ge [sflag:s24], $0x2800  }
0x43: {  	[sflag:s24] =	ssyncset.done $0x0  }
0x44: {  	[sflag:s24] =	ssyncadd.s32 $0xFFFFD800  }
0x45: {  	[spmem:s1] =	stream.indirect.scatter.add.f32 [tilespmem:s20], [sflag:$0x3], $0x80, s18, s19, $0xb8;
	[tilespmem:$0x1B280] =	vst v63  }
0x46: {  	_ =	swait.ge [sflag:s17], $0x2800  }
0x47: {  	s28 =	sshrl.u32 s12, $0x3;
	[sflag:s17] =	ssyncset.done $0x0  }
0x48: {  	s29 =	sadd.s32 s5, s28;
	[sflag:s17] =	ssyncadd.s32 $0xFFFFD800  }
0x49: {  	[tilespmem:s2], [sflag:$0x3] =	stream.linear.gather [hbm4b:s29+s2], $0x50, $0x38;
	[tilespmem:$0x1B280] =	vst v63  }
0x4a: {  	_ =	swait.ge [sflag:s17], $0x50  }
0x4b: {  	[sflag:s17] =	ssyncset.done $0x0  }
0x4c: {  	s28 =	sadd.s32 s6, s28;
	[sflag:s17] =	ssyncadd.s32 $0xFFFFFFB0  }
0x4d: {  	[tilespmem:s18], [sflag:$0x3] =	stream.linear.gather [hbm4b:s28+s2], $0x50, $0x38;
	[tilespmem:$0x1B280] =	vst v63  }
0x4e: {  	_ =	swait.ge [sflag:s17], $0x50  }
0x4f: {  	[sflag:s17] =	ssyncset.done $0x0  }
0x50: {  	[sflag:s17] =	ssyncadd.s32 $0xFFFFFFB0  }
0x51: {  	[tilespmem:s20], [sflag:$0x1] =	stream.indirect.gather [hbm4b:s4+s19], $0x80, s2, s19, $0xb8;
	[tilespmem:$0x1B280] =	vst v63  }
0x52: {  	_ =	swait.ge [sflag:s25], $0x2800  }
0x53: {  	[sflag:s25] =	ssyncset.done $0x0  }
0x54: {  	[sflag:s25] =	ssyncadd.s32 $0xFFFFD800  }
0x55: {  	[spmem:s1] =	stream.indirect.scatter.add.f32 [tilespmem:s23], [sflag:$0x3], $0x80, s22, s19, $0xb8;
	[tilespmem:$0x1B280] =	vst v63  }
0x56: {  	s31 =	simm.s32 $0x28;
	_ =	swait.ge [sflag:s17], $0x2800  }
0x57: {  	s29 =	simm.s32 $0x14;
	s28 =	sadd.s32 $0xA0, s12;
	[sflag:s17] =	ssyncset.done $0x0  }
.LBB2_6:
0x58: {  	s0 =	sadd.s32 s29, s14  }
0x59: {  	[sflag:s17] =	ssyncadd.s32 $0xFFFFD800;
	s3 =	smov.u32 s31;
	s30 =	sadd.s32 $0x14, s31  }
0x5a: {  	[tilespmem:s21], [sflag:$0x3] =	stream.linear.gather [hbm4b:s0+s2], $0x50, $0x38;
	[tilespmem:$0x1B280] =	vst v63  }
0x5b: {  	p1 =	sne.s32 s31, $0x4C4;
	_ =	swait.ge [sflag:s17], $0x50  }
0x5c: {  	[sflag:s17] =	ssyncset.done $0x0  }
0x5d: {  	s0 =	sadd.s32 s29, s13;
	s29 =	smov.u32 s3;
	[sflag:s17] =	ssyncadd.s32 $0xFFFFFFB0  }
0x5e: {  	[tilespmem:s22], [sflag:$0x3] =	stream.linear.gather [hbm4b:s0+s2], $0x50, $0x38;
	[tilespmem:$0x1B280] =	vst v63  }
0x5f: {  	_ =	swait.ge [sflag:s17], $0x50  }
0x60: {  	[sflag:s17] =	ssyncset.done $0x0  }
0x61: {  	[sflag:s17] =	ssyncadd.s32 $0xFFFFFFB0  }
0x62: {  	[tilespmem:s23], [sflag:$0x2] =	stream.indirect.gather [hbm4b:s4+s19], $0x80, s21, s19, $0xb8;
	[tilespmem:$0x1B280] =	vst v63  }
0x63: {  	_ =	swait.ge [sflag:s24], $0x2800  }
0x64: {  	[sflag:s24] =	ssyncset.done $0x0  }
0x65: {  	[sflag:s24] =	ssyncadd.s32 $0xFFFFD800  }
0x66: {  	[spmem:s1] =	stream.indirect.scatter.add.f32 [tilespmem:s20], [sflag:$0x3], $0x80, s18, s19, $0xb8;
	[tilespmem:$0x1B280] =	vst v63  }
0x67: {  	_ =	swait.ge [sflag:s17], $0x2800  }
0x68: {  	s0 =	sshrl.u32 s28, $0x3;
	[sflag:s17] =	ssyncset.done $0x0  }
0x69: {  	s3 =	sadd.s32 s5, s0;
	[sflag:s17] =	ssyncadd.s32 $0xFFFFD800  }
0x6a: {  	[tilespmem:s2], [sflag:$0x3] =	stream.linear.gather [hbm4b:s3+s2], $0x50, $0x38;
	[tilespmem:$0x1B280] =	vst v63  }
0x6b: {  	_ =	swait.ge [sflag:s17], $0x50  }
0x6c: {  	[sflag:s17] =	ssyncset.done $0x0  }
0x6d: {  	s0 =	sadd.s32 s6, s0;
	[sflag:s17] =	ssyncadd.s32 $0xFFFFFFB0  }
0x6e: {  	[tilespmem:s18], [sflag:$0x3] =	stream.linear.gather [hbm4b:s0+s2], $0x50, $0x38;
	[tilespmem:$0x1B280] =	vst v63  }
0x6f: {  	_ =	swait.ge [sflag:s17], $0x50  }
0x70: {  	[sflag:s17] =	ssyncset.done $0x0  }
0x71: {  	[sflag:s17] =	ssyncadd.s32 $0xFFFFFFB0  }
0x72: {  	[tilespmem:s20], [sflag:$0x1] =	stream.indirect.gather [hbm4b:s4+s19], $0x80, s2, s19, $0xb8;
	[tilespmem:$0x1B280] =	vst v63  }
0x73: {  	_ =	swait.ge [sflag:s25], $0x2800  }
.Ltmp3:
0x74: {  	[sflag:s25] =	ssyncset.done $0x0;
	(pc) =	sbr.rel @p1 .LBB2_6-.Ltmp3, $4  }
0x75: {  	[sflag:s25] =	ssyncadd.s32 $0xFFFFD800  }
0x76: {  	[spmem:s1] =	stream.indirect.scatter.add.f32 [tilespmem:s23], [sflag:$0x3], $0x80, s22, s19, $0xb8;
	[tilespmem:$0x1B280] =	vst v63  }
0x77: {  	_ =	swait.ge [sflag:s17], $0x2800  }
0x78: {  	s31 =	smov.u32 s30;
	s28 =	sadd.s32 $0xA0, s28;
	[sflag:s17] =	ssyncset.done $0x0  }
0x79: {  	s0 =	sadd.s32 s29, s14;
	[sflag:s17] =	ssyncadd.s32 $0xFFFFD800  }
0x7a: {  	[tilespmem:s21], [sflag:$0x3] =	stream.linear.gather [hbm4b:s0+s2], $0x50, $0x38;
	[tilespmem:$0x1B280] =	vst v63  }
0x7b: {  	_ =	swait.ge [sflag:s17], $0x50  }
0x7c: {  	[sflag:s17] =	ssyncset.done $0x0  }
0x7d: {  	s3 =	sadd.s32 s29, s13;
	[sflag:s17] =	ssyncadd.s32 $0xFFFFFFB0  }
0x7e: {  	[tilespmem:s22], [sflag:$0x3] =	stream.linear.gather [hbm4b:s3+s2], $0x50, $0x38;
	[tilespmem:$0x1B280] =	vst v63  }
0x7f: {  	_ =	swait.ge [sflag:s17], $0x50  }
0x80: {  	[sflag:s17] =	ssyncset.done $0x0  }
0x81: {  	[sflag:s17] =	ssyncadd.s32 $0xFFFFFFB0  }
0x82: {  	[tilespmem:s23], [sflag:$0x2] =	stream.indirect.gather [hbm4b:s4+s19], $0x80, s21, s19, $0xb8;
	[tilespmem:$0x1B280] =	vst v63  }
0x83: {  	_ =	swait.ge [sflag:s24], $0x2800  }
0x84: {  	[sflag:s24] =	ssyncset.done $0x0  }
0x85: {  	[sflag:s24] =	ssyncadd.s32 $0xFFFFD800  }
0x86: {  	[spmem:s1] =	stream.indirect.scatter.add.f32 [tilespmem:s20], [sflag:$0x3], $0x80, s18, s19, $0xb8;
	[tilespmem:$0x1B280] =	vst v63  }
0x87: {  	_ =	swait.ge [sflag:s17], $0x2800  }
0x88: {  	s0 =	sshrl.u32 s28, $0x3;
	[sflag:s17] =	ssyncset.done $0x0  }
0x89: {  	s3 =	sadd.s32 s5, s0;
	[sflag:s17] =	ssyncadd.s32 $0xFFFFD800  }
0x8a: {  	[tilespmem:s2], [sflag:$0x3] =	stream.linear.gather [hbm4b:s3+s2], $0x50, $0x38;
	[tilespmem:$0x1B280] =	vst v63  }
0x8b: {  	_ =	swait.ge [sflag:s17], $0x50  }
0x8c: {  	[sflag:s17] =	ssyncset.done $0x0  }
0x8d: {  	s0 =	sadd.s32 s6, s0;
	[sflag:s17] =	ssyncadd.s32 $0xFFFFFFB0  }
0x8e: {  	[tilespmem:s18], [sflag:$0x3] =	stream.linear.gather [hbm4b:s0+s2], $0x50, $0x38;
	[tilespmem:$0x1B280] =	vst v63  }
0x8f: {  	_ =	swait.ge [sflag:s17], $0x50  }
0x90: {  	[sflag:s17] =	ssyncset.done $0x0  }
0x91: {  	[sflag:s17] =	ssyncadd.s32 $0xFFFFFFB0  }
0x92: {  	[tilespmem:s20], [sflag:$0x1] =	stream.indirect.gather [hbm4b:s4+s19], $0x80, s2, s19, $0xb8;
	[tilespmem:$0x1B280] =	vst v63  }
0x93: {  	_ =	swait.ge [sflag:s25], $0x2800  }
0x94: {  	[sflag:s25] =	ssyncset.done $0x0  }
0x95: {  	[sflag:s25] =	ssyncadd.s32 $0xFFFFD800  }
0x96: {  	[spmem:s1] =	stream.indirect.scatter.add.f32 [tilespmem:s23], [sflag:$0x3], $0x80, s22, s19, $0xb8;
	[tilespmem:$0x1B280] =	vst v63  }
0x97: {  	_ =	swait.ge [sflag:s17], $0x2800  }
0x98: {  	[sflag:s17] =	ssyncset.done $0x0  }
0x99: {  	[sflag:s17] =	ssyncadd.s32 $0xFFFFD800  }
0x9a: {  	_ =	swait.ge [sflag:s24], $0x2800  }
0x9b: {  	[sflag:s24] =	ssyncset.done $0x0  }
0x9c: {  	[sflag:s24] =	ssyncadd.s32 $0xFFFFD800  }
0x9d: {  	[spmem:s1] =	stream.indirect.scatter.add.f32 [tilespmem:s20], [sflag:$0x3], $0x80, s18, s19, $0xb8;
	[tilespmem:$0x1B280] =	vst v63  }
0x9e: {  	_ =	swait.ge [sflag:s17], $0x2800  }
.Ltmp4:
0x9f: {  	s3 =	stileid.u32;
	[sflag:s17] =	ssyncset.done $0x0;
	(pc) =	sbr.rel @!p0 .LBB2_9-.Ltmp4, $4  }
0xa0: {  	s29 =	sadd.s32 $0xFFFFFFFF, s7;
	s0 =	sshll.u32 s3, $0x6;
	[sflag:s17] =	ssyncadd.s32 $0xFFFFD800  }
0xa1: {  	s3 =	sshrl.u32 s11, $0x3;
	s28 =	sor.u32 $0x1C03, s0;
	[bflag:$0x0] =	sbarrier.arrive $0xFFFF  }
0xa2: {  	[hbm:s15], [sflag:s28] =	dma.local [spmem:s3], $0x500  }
0xa3: {  	s30 =	sadd.s32 $0x5000, s15;
	s31 =	smov.u32 s11;
	_ =	swait.ge [sflag:s17], $0x500  }
.LBB2_8:
0xa4: {  	[sflag:s17] =	ssyncset.done $0x0;
	s31 =	sadd.s32 $0x28000, s31;
	p0 =	sne.s32 s29, $0x1  }
.Ltmp5:
0xa5: {  	s0 =	sshrl.u32 s31, $0x3;
	[sflag:s17] =	ssyncadd.s32 $0xFFFFFB00;
	(pc) =	sbr.rel @p0 .LBB2_8-.Ltmp5, $3  }
0xa6: {  	[hbm:s30], [sflag:s28] =	dma.local [spmem:s0], $0x500  }
0xa7: {  	s29 =	sadd.s32 $0xFFFFFFFF, s29;
	_ =	sdelay $0x1  }
0xa8: {  	s30 =	sadd.s32 $0x5000, s30;
	_ =	swait.ge [sflag:s17], $0x500  }
.LBB2_9:
0xa9: {  	s26 =	sadd.s32 $0x1, s26  }
0xaa: {  	p0 =	sne.s32 s26, s10  }
.Ltmp6:
0xab: {  	_ = 	snop;
	(pc) =	sbr.rel @p0 .LBB2_1-.Ltmp6, $3  }
0xac: {  	_ =	sdelay $0x1  }
0xad: {  	[sflag:s17] =	ssyncset.done $0x0  }
0xae: {  	[sflag:s17] =	ssyncadd.s32 $0xFFFFFB00  }
0xaf: {  	_ =	sfence.sel $0x180000  }
0xb0: {  	[bflag:$0x0] =	sbarrier.arrive $0xFFFF  }
0xb1: {  	_ =	strace $0x9000004A  }
0xb2: {  	s0 =	stileid.u32;
	[bflag:$0x2] =	sbarrier.arrive $0xFFFF  }
0xb3: {  	p0 =	sne.s32 s0, $0x0;
	s0 =	rddreg [dreg:$0x2]  }
0xb4: {  	s0 =	sadd.s32 @!p0 $0x100000, s0  }
0xb5: {  	[sflag:s0] =	ssyncadd.tile.s32 @!p0 $0x1;
	_ =	shalt  }
.Lfunc_end2:
_tile_overlayer_lowered:
.L_overlay_start_2:
0xb6: {  	(tag) =	ssettag $0x2  }
0xb7: {  	s0 =	rddreg [dreg:$0x0];
	s2 =	stileid.u32  }
0xb8: {  	s1 =	rddreg [dreg:$0x1];
	p0 =	sne.s32 s2, $0x0  }
0xb9: {  	s3 =	rddreg [dreg:$0x2];
	[bflag:$0x3] =	sbarrier.arrive $0xFFFF;
	s2 =	simm.s32 @!p0 $0x1C03  }
0xba: {  	[timem:s3], [sflag:s2] =	dma.local @!p0 [hbm:s0], s1  }
0xbb: {  	s0 =	simm.s32 @!p0 $0x3  }
0xbc: {  	_ =	swait.ge @!p0 [sflag:s0], s1  }
0xbd: {  	s1 =	ssub.s32 @!p0 $0x0, s1;
	[sflag:s0] =	ssyncset.done @!p0 $0x0  }
0xbe: {  	[sflag:s0] =	ssyncadd.s32 @!p0 s1  }
0xbf: {  	[bflag:$0x3] =	sbarrier.arrive $0xFFFF  }
0xc0: {  	_ =	shalt  }

// kernel: kernel.16.cloned.1.call-start
scs
__scs_entry_jumppad:
0x0: {  	(pc) =	sbr.rel $0x88, $3  }
0x1: {  	(tag) =	ssettag $0x0;
	lr =	simm.s32 $0x1  }
0x2: {  	[smem:$0x3F79] =	sst lr;
	_ =	strace $0xD0000000  }
0x3: {  	_ = 	snop  }
0x4: {  	_ = 	snop  }
0x5: {  	_ = 	snop  }
0x6: {  	_ = 	snop  }
0x7: {  	_ = 	snop  }
__scs_overlays_trampoline_lowered:
0x8: {  	[smem:$0x3F88] =	sst s0  }
0x9: {  	[smem:$0x3F89] =	sst s1  }
0xa: {  	[smem:$0x3F8A] =	sst s2  }
0xb: {  	[smem:$0x3F8B] =	sst s3  }
0xc: {  	[smem:$0x3F8C] =	sst s4  }
0xd: {  	[smem:$0x3F8D] =	sst s5  }
0xe: {  	[smem:$0x3F8E] =	sst s6  }
0xf: {  	[smem:$0x3F8F] =	sst s7  }
0x10: {  	[smem:$0x3F90] =	sst s8  }
0x11: {  	[smem:$0x3F91] =	sst s9;
	s0 =	simm.s32 @!p0 $0x0  }
0x12: {  	s1 =	sld [smem:$0x3F77];
	s0 =	simm.s32 @p0 $0x1  }
0x13: {  	[smem:$0x3F92] =	sst s0;
	s0 =	simm.s32 @!p1 $0x0  }
0x14: {  	s2 =	sld [smem:$0x3F76];
	s0 =	simm.s32 @p1 $0x1  }
0x15: {  	[smem:$0x3F93] =	sst s0;
	s0 =	simm.s32 @!p2 $0x0  }
0x16: {  	s3 =	sld [smem:$0x3FDB];
	s0 =	simm.s32 @p2 $0x1  }
0x17: {  	s4 =	simm.s32 $0x1BF5;
	[smem:$0x3F95] =	sst s0  }
0x18: {  	s0 =	sld [smem:$0x3F78];
	_ =	swait.ge [sflag:s4], $0x0  }
0x19: {  	s7 =	sld [smem:$0x3F79]  }
0x1a: {  	s8 =	sadd.s32 $0xFFFFE003, lr  }
0x1b: {  	s9 =	sadd.s32 $0xFFFFFEF7, lr;
	s5 =	simm.s32 $0xFFFFFFFF;
	p2 =	slt.u32 s8, $0xFFFFF086  }
0x1c: {  	p1 =	slt.u32 s9, $0xF7A;
	s5 =	simm.s32 @!p2 $0x0  }
0x1d: {  	s5 =	simm.s32 @p1 $0x1;
	p0 =	seq.s32 s7, s2  }
0x1e: {  	s7 =	smul.u32 @!p0 $0xF7A, s2;
	p2 =	seq.s32 @!p0 s5, $0x0  }
0x1f: {  	s9 =	smul.u32 $0xF7A, s1;
	s8 =	simm.s32 @!p0 $0x1BF5;
	p2 =	por !p2, p0  }
0x20: {  	[sflag:s8] =	ssyncset.s32 @!p0 $0xFFFFF086;
	s6 =	sadd.s32 @!p0 s3, s7;
	s7 =	simm.s32 @!p0 $0x108  }
0x21: {  	s3 =	sadd.s32 s3, s9;
	s6 =	sadd.s32 @!p0 $0x88, s6;
	s7 =	simm.s32 @p2 $0x1082  }
0x22: {  	[simem:s7], [sflag:s8] =	dma.local @!p0 [hbm:s6], $0xF7A  }
0x23: {  	s9 =	sor.u32 $0xD0000000, s2;
	s6 =	simm.s32 $0x108;
	_ =	swait.ge @!p0 [sflag:s8], $0x0  }
0x24: {  	s3 =	sadd.s32 $0x88, s3;
	s6 =	simm.s32 @!p1 $0x1082;
	[sflag:s4] =	ssyncset.s32 $0xFFFFF086  }
0x25: {  	[simem:s6], [sflag:s4] =	dma.local [hbm:s3], $0xF7A  }
0x26: {  	[smem:$0x3F79] =	sst s1;
	(tag) =	ssettag s2;
	_ =	strace s9  }
0x27: {  	s1 =	sld [smem:$0x3F89]  }
0x28: {  	s2 =	sld [smem:$0x3F8A]  }
0x29: {  	s4 =	sld [smem:$0x3F8C]  }
0x2a: {  	p0 =	seq.s32 s5, $0x0;
	s5 =	sld [smem:$0x3F8D]  }
0x2b: {  	s6 =	sld [smem:$0x3F8E]  }
0x2c: {  	s7 =	sld [smem:$0x3F8F]  }
0x2d: {  	s3 =	simm.s32 $0x108;
	s8 =	sld [smem:$0x3F90]  }
0x2e: {  	s3 =	simm.s32 @!p0 $0x1082;
	s9 =	sld [smem:$0x3F91]  }
0x2f: {  	lr =	sadd.s32 s0, s3;
	s0 =	sld [smem:$0x3F88]  }
0x30: {  	s3 =	sld [smem:$0x3F8B]  }
0x31: {  	[smem:$0x3F94] =	sst s10  }
0x32: {  	s10 =	sld [smem:$0x3F92];
	_ =	sdelay $0x3  }
0x33: {  	p0 =	seq.s32 s10, $0x1;
	s10 =	sld [smem:$0x3F94];
	_ =	sdelay $0x3  }
0x34: {  	[smem:$0x3F94] =	sst s10  }
0x35: {  	s10 =	sld [smem:$0x3F93];
	_ =	sdelay $0x3  }
0x36: {  	p1 =	seq.s32 s10, $0x1;
	s10 =	sld [smem:$0x3F94];
	_ =	sdelay $0x3  }
0x37: {  	[smem:$0x3F94] =	sst s10  }
0x38: {  	s10 =	sld [smem:$0x3F95]  }
0x39: {  	_ = 	snop;
	(pc) =	sbr.ind lr, $3  }
0x3a: {  	_ = 	snop  }
0x3b: {  	_ = 	snop  }
0x3c: {  	p2 =	seq.s32 s10, $0x1;
	s10 =	sld [smem:$0x3F94]  }
0x3d: {  	_ =	shalt  }
0x3e: {  	_ =	shalt  }
0x3f: {  	_ =	shalt  }
0x40: {  	_ =	shalt  }
0x41: {  	_ =	shalt  }
0x42: {  	_ =	shalt  }
0x43: {  	_ =	shalt  }
0x44: {  	_ =	shalt  }
0x45: {  	_ =	shalt  }
0x46: {  	_ =	shalt  }
0x47: {  	_ =	shalt  }
0x48: {  	_ =	shalt  }
0x49: {  	_ =	shalt  }
0x4a: {  	_ =	shalt  }
0x4b: {  	_ =	shalt  }
0x4c: {  	_ =	shalt  }
0x4d: {  	_ =	shalt  }
0x4e: {  	_ =	shalt  }
0x4f: {  	_ =	shalt  }
0x50: {  	_ =	shalt  }
0x51: {  	_ =	shalt  }
0x52: {  	_ =	shalt  }
0x53: {  	_ =	shalt  }
0x54: {  	_ =	shalt  }
0x55: {  	_ =	shalt  }
0x56: {  	_ =	shalt  }
0x57: {  	_ =	shalt  }
0x58: {  	_ =	shalt  }
0x59: {  	_ =	shalt  }
0x5a: {  	_ =	shalt  }
0x5b: {  	_ =	shalt  }
0x5c: {  	_ =	shalt  }
0x5d: {  	_ =	shalt  }
0x5e: {  	_ =	shalt  }
0x5f: {  	_ =	shalt  }
0x60: {  	_ =	shalt  }
0x61: {  	_ =	shalt  }
0x62: {  	_ =	shalt  }
0x63: {  	_ =	shalt  }
0x64: {  	_ =	shalt  }
0x65: {  	_ =	shalt  }
0x66: {  	_ =	shalt  }
0x67: {  	_ =	shalt  }
0x68: {  	_ =	shalt  }
0x69: {  	_ =	shalt  }
0x6a: {  	_ =	shalt  }
0x6b: {  	_ =	shalt  }
0x6c: {  	_ =	shalt  }
0x6d: {  	_ =	shalt  }
0x6e: {  	_ =	shalt  }
0x6f: {  	_ =	shalt  }
0x70: {  	_ =	shalt  }
0x71: {  	_ =	shalt  }
0x72: {  	_ =	shalt  }
0x73: {  	_ =	shalt  }
0x74: {  	_ =	shalt  }
0x75: {  	_ =	shalt  }
0x76: {  	_ =	shalt  }
0x77: {  	_ =	shalt  }
0x78: {  	_ =	shalt  }
0x79: {  	_ =	shalt  }
0x7a: {  	_ =	shalt  }
0x7b: {  	_ =	shalt  }
0x7c: {  	_ =	shalt  }
0x7d: {  	_ =	shalt  }
0x7e: {  	_ =	shalt  }
0x7f: {  	_ =	shalt  }
0x80: {  	_ =	shalt  }
0x81: {  	_ =	shalt  }
0x82: {  	_ =	shalt  }
0x83: {  	_ =	shalt  }
0x84: {  	_ =	shalt  }
0x85: {  	_ =	shalt  }
0x86: {  	_ =	shalt  }
0x87: {  	_ =	shalt  }
.Lfunc_end0:
.L_simem_size_0:
called_computation.2_lowered:
.L_overlay_start_0:
0x88: {  	s2 =	sld [smem:$0x3FD9]  }
0x89: {  	s3 =	sld [smem:$0x3FFE];
	_ =	sdelay $0x1  }
0x8a: {  	s1 =	srdreg.scid  }
0x8b: {  	s0 =	sand.u32 $0x1, s1  }
0x8c: {  	s16 =	sshll.u32 s0, $0xA;
	s2 =	sadd.s32 s3, s2  }
0x8d: {  	s2 =	sadd.s32 s2, s16  }
0x8e: {  	[smem:$0x3FA0] =	sst s2  }
0x8f: {  	_ = 	snop  }
0x90: {  	(tm) =	ssettm $0x1  }
0x91: {  	s17 =	sld [smem:$0x3FFB];
	_ =	sdelay $0x3  }
0x92: {  	_ =	strace s17  }
0x93: {  	s2 =	sld [smem:$0x3FFC];
	_ =	sdelay $0x3  }
0x94: {  	_ =	strace s2  }
0x95: {  	s2 =	sld [smem:$0x3FFD];
	_ =	sdelay $0x3  }
0x96: {  	_ =	strace s2  }
0x97: {  	_ =	strace $0x8FFFFFFF  }
0x98: {  	s18 =	sld [smem:$0x3FDB];
	_ =	sdelay $0x1  }
0x99: {  	s19 =	simm.s32 $_scs_section_size  }
0x9a: {  	s4 =	simm.s32 $_size__tile_overlayer_lowered;
	s5 =	simm.s32 $_tile_overlayer_lowered  }
0x9b: {  	s22 =	simm.s32 $0x1BFF;
	s21 =	sshll.u32 s5, $0x1;
	s2 =	sadd.s32 s19, s18  }
0x9c: {  	s6 =	simm.s32 $0x0;
	s20 =	sshll.u32 s4, $0x1;
	s4 =	sadd.s32 s21, s2  }
0x9d: {  	[timem:s6], [sflag:s22] =	dma.local [hbm:s4], s20  }
0x9e: {  	_ =	swait.ge [sflag:s22], s20  }
0x9f: {  	s3 =	ssub.s32 $0x0, s20;
	[sflag:s22] =	ssyncset.done $0x0  }
0xa0: {  	[sflag:s22] =	ssyncadd.s32 s3;
	_ =	sdelay $0x1  }
0xa1: {  	s23 =	simm.s32 $0x1B8B  }
0xa2: {  	_ =	swait.ge [sflag:s23], $0x1  }
0xa3: {  	[sflag:s23] =	ssyncset.done $0x0  }
0xa4: {  	s25 =	simm.s32 $0x1B8E;
	s24 =	sld [smem:$0x3FFE];
	[sflag:s23] =	ssyncadd.s32 $0xFFFFFFFF  }
0xa5: {  	s26 =	simm.s32 $execute0_lowered;
	[smem:$0x3FD2] =	sst s25  }
0xa6: {  	s4 =	sshll.u32 s26, $0x1;
	_ =	strace $0x8000004C;
	[dreg:$0x1] =	wrdreg $0xFFFFFFFF  }
0xa7: {  	s28 =	simm.s32 $_size_execute0_lowered;
	s2 =	sadd.s32 s2, s4;
	[dreg:$0x0] =	wrdreg $0x0  }
0xa8: {  	s4 =	sshll.u32 s28, $0x1;
	[dreg:$0x2] =	wrdreg s2  }
0xa9: {  	[dreg:$0x3] =	wrdreg s4  }
0xaa: {  	[dreg:$0x4] =	wrdreg $0xC0  }
0xab: {  	_ =	task [dreg:s6], $0x5FFFF  }
0xac: {  	[dreg:$0x1] =	wrdreg $0xFFFFFFFF  }
0xad: {  	[dreg:$0x0] =	wrdreg $0x60  }
0xae: {  	[dreg:$0x2] =	wrdreg s24  }
0xaf: {  	[dreg:$0x3] =	wrdreg $0x7A000  }
0xb0: {  	[dreg:$0x4] =	wrdreg $0x9  }
0xb1: {  	_ =	task.clear_ibuf [dreg:s6], $0x5FFFF;
	_ =	strace $0x9000004C  }
0xb2: {  	s29 =	simm.s32 $0x9;
	_ =	strace $0x8000004E  }
0xb3: {  	_ =	swait.ge [sflag:s29], $0x1  }
0xb4: {  	[sflag:s29] =	ssyncadd.s32 $0xFFFFFFFF  }
0xb5: {  	_ =	strace $0x9000004E  }
0xb6: {  	_ =	sfence  }
0xb7: {  	s30 =	sld [smem:$0x0];
	_ =	sdelay $0x2  }
0xb8: {  	s31 =	sshll.u32 s1, $0xD;
	s1 =	sshrl.u32 s1, $0x2  }
0xb9: {  	s3 =	sand.u32 $0x4000, s31;
	s1 =	sadd.s32 s1, s30  }
0xba: {  	s0 =	sor.u32 s3, s0;
	s1 =	sshll.u32 s1, $0x11  }
0xbb: {  	s0 =	sor.u32 s1, s0  }
0xbc: {  	s0 =	sadd.s32 $0x8F2B, s0  }
0xbd: {  	[sflag:s0] =	ssyncadd.remote.s32 $0x1  }
0xbe: {  	_ =	sfence.sel $0xFFFF  }
0xbf: {  	[dreg:$0x0] =	wrdreg $0xFFFFFFFF;
	(pc) =	sbr.abs _section_cstart, $3  }
0xc0: {  	[dreg:$0x1] =	wrdreg $0xFFFFFFFF  }
0xc1: {  	_ =	task.clear_ibuf [dreg:s6], $0x2FFFF;
	_ =	strace $0x9FFFFFFF  }
0xc2: {  	(tm) =	ssettm $0x7FFFFFFF  }
0xc3: {  	_ =	shalt  }
tec
execute0_lowered:
.L_overlay_start_1:
0x0: {  	(tag) =	ssettag $0x1  }
0x1: {  	s7 =	rddreg [dreg:$0x0]  }
0x2: {  	s1 =	rddreg [dreg:$0x1];
	s2 =	simm.s32 $0x0  }
0x3: {  	s3 =	srdreg.scid;
	s0 =	stileid.u32;
	s16 =	simm.s32 $0x5200  }
0x4: {  	s17 =	simm.s32 $0x3;
	s18 =	simm.s32 $0x100;
	s19 =	simm.s32 $0x50  }
0x5: {  	s20 =	simm.s32 $0x200;
	s21 =	simm.s32 $0x80;
	s22 =	simm.s32 $0x180  }
0x6: {  	s23 =	simm.s32 $0x2A00;
	s24 =	simm.s32 $0x1;
	[smem:$0x7FF] =	sst s2  }
0x7: {  	s8 =	sand.u32 $0x1, s3;
	s4 =	sadd.s32 $0x1B400, s7;
	s10 =	smul.u32 $0x2800, s0  }
0x8: {  	s5 =	sadd.s32 $0x11600, s7;
	s6 =	sadd.s32 $0x7800, s7;
	s26 =	smul.u32 $0x2710, s0  }
0x9: {  	s28 =	ssub.s32 $0x8C, s0;
	s29 =	smul.u32 $0xA000, s0;
	_ =	strace $0x8000004D  }
0xa: {  	s9 =	smul.u32 $0x138800, s8;
	s11 =	sshll.u32 s8, $0x4;
	s25 =	ssub.s32 $0x2, s8  }
0xb: {  	s13 =	smul.u32 $0x27100, s8;
	s11 =	sor.u32 s0, s11;
	s12 =	sshrl.u32 s25, $0x1  }
0xc: {  	s30 =	sshrl.u32 s29, $0x2;
	s9 =	sadd.s32 s10, s9;
	s11 =	smul.u32 $0x2710, s11  }
0xd: {  	s10 =	ssub.s32 s25, s12;
	s13 =	sadd.s32 s26, s13;
	s25 =	simm.s32 $0x2  }
0xe: {  	s26 =	simm.s32 $0x0;
	s9 =	sshrl.u32 s9, $0x3;
	s31 =	sadd.s32 $0x50, s13  }
0xf: {  	s10 =	smax.u32 s10, $0x1;
	s12 =	sadd.s32 $0xA0, s13;
	s15 =	sadd.s32 s9, s7  }
0x10: {  	s11 =	sshrl.u32 s11, $0x3;
	s7 =	sshrl.u32 s28, $0x4;
	s14 =	sshrl.u32 s31, $0x3  }
0x11: {  	s8 =	sadd.s32 s5, s11;
	s9 =	sadd.s32 s6, s11;
	s11 =	sadd.s32 s30, s1  }
0x12: {  	v0 =	vimm.f32 $0.0e+00;
	s13 =	sadd.s32 s14, s6;
	s14 =	sadd.s32 s14, s5;
	s15 =	sadd.s32 $0x42600, s15  }
.LBB2_1:
0x13: {  	s28 =	simm.s32 $0x70;
	s29 =	simm.s32 $0x3C0  }
.LBB2_2:
0x14: {  	p0 =	sne.s32 s29, $0x9FC0;
	[tilespmem:s28+$0x5200] =	vst v0  }
0x15: {  	[tilespmem:s28+$0x5190] =	vst v0  }
0x16: {  	[tilespmem:s28+$0x51A0] =	vst v0  }
.Ltmp0:
0x17: {  	[tilespmem:s28+$0x51B0] =	vst v0;
	(pc) =	sbr.rel @p0 .LBB2_2-.Ltmp0, $4  }
0x18: {  	[tilespmem:s28+$0x51C0] =	vst v0  }
0x19: {  	[tilespmem:s28+$0x51D0] =	vst v0  }
0x1a: {  	[tilespmem:s28+$0x51E0] =	vst v0  }
0x1b: {  	[tilespmem:s28+$0x51F0] =	vst v0;
	s28 =	sshra.s32 s29, $0x2;
	s29 =	sadd.s32 $0x200, s29  }
0x1c: {  	[tilespmem:s28+$0x5200] =	vst v0  }
0x1d: {  	[tilespmem:s28+$0x5190] =	vst v0  }
0x1e: {  	[tilespmem:s28+$0x51A0] =	vst v0  }
0x1f: {  	[tilespmem:s28+$0x51B0] =	vst v0  }
0x20: {  	[tilespmem:s28+$0x51C0] =	vst v0  }
0x21: {  	[tilespmem:s28+$0x51D0] =	vst v0;
	p0 =	sne.s32 s7, $0x1  }
.Ltmp1:
0x22: {  	[tilespmem:s28+$0x51E0] =	vst v0;
	(pc) =	sbr.rel @!p0 .LBB2_5-.Ltmp1, $4  }
0x23: {  	[tilespmem:s28+$0x51F0] =	vst v0  }
0x24: {  	[spmem:s11] =	stream.linear.scatter [tilespmem:s16], [sflag:$0x3], $0x2800, $0x38;
	[tilespmem:$0x1B280] =	vst v63  }
0x25: {  	_ =	swait.ge [sflag:s17], $0x2800  }
0x26: {  	s28 =	sadd.s32 $0xFFFFFFFF, s7;
	s29 =	smov.u32 s11;
	[sflag:s17] =	ssyncset.done $0x0  }
.LBB2_4:
0x27: {  	p1 =	sne.s32 s28, $0x1;
	[sflag:s17] =	ssyncadd.s32 $0xFFFFD800;
	s29 =	sadd.s32 $0x28000, s29  }
.Ltmp2:
0x28: {  	s28 =	sadd.s32 $0xFFFFFFFF, s28;
	(pc) =	sbr.rel @p1 .LBB2_4-.Ltmp2, $4  }
0x29: {  	_ = 	snop  }
0x2a: {  	[spmem:s29] =	stream.linear.scatter [tilespmem:s16], [sflag:$0x3], $0x2800, $0x38;
	[tilespmem:$0x1B280] =	vst v63  }
0x2b: {  	_ =	swait.ge [sflag:s17], $0x2800  }
0x2c: {  	[sflag:s17] =	ssyncset.done $0x0  }
.LBB2_5:
0x2d: {  	[sflag:s17] =	ssyncadd.s32 $0xFFFFD800  }
0x2e: {  	s28 =	simm.s32 $0x0;
	[bflag:$0x0] =	sbarrier.arrive $0xFFFF  }
0x2f: {  	[tilespmem:s28], [sflag:$0x3] =	stream.linear.gather [hbm4b:s8+s28], $0x50, $0x38;
	[tilespmem:$0x1B280] =	vst v63  }
0x30: {  	_ =	swait.ge [sflag:s17], $0x50  }
0x31: {  	[sflag:s17] =	ssyncset.done $0x0  }
0x32: {  	[sflag:s17] =	ssyncadd.s32 $0xFFFFFFB0  }
0x33: {  	[tilespmem:s18], [sflag:$0x3] =	stream.linear.gather [hbm4b:s9+s28], $0x50, $0x38;
	[tilespmem:$0x1B280] =	vst v63  }
0x34: {  	_ =	swait.ge [sflag:s17], $0x50  }
0x35: {  	[sflag:s17] =	ssyncset.done $0x0  }
0x36: {  	[sflag:s17] =	ssyncadd.s32 $0xFFFFFFB0  }
0x37: {  	[tilespmem:s20], [sflag:$0x1] =	stream.indirect.gather [hbm4b:s4+s19], $0x80, s28, s19, $0xb8;
	[tilespmem:$0x1B280] =	vst v63  }
0x38: {  	s28 =	sadd.s32 $0x0, s14  }
0x39: {  	[tilespmem:s21], [sflag:$0x3] =	stream.linear.gather [hbm4b:s28+s2], $0x50, $0x38;
	[tilespmem:$0x1B280] =	vst v63  }
0x3a: {  	_ =	swait.ge [sflag:s17], $0x50  }
0x3b: {  	[sflag:s17] =	ssyncset.done $0x0  }
0x3c: {  	s28 =	sadd.s32 $0x0, s13;
	[sflag:s17] =	ssyncadd.s32 $0xFFFFFFB0  }
0x3d: {  	[tilespmem:s22], [sflag:$0x3] =	stream.linear.gather [hbm4b:s28+s2], $0x50, $0x38;
	[tilespmem:$0x1B280] =	vst v63  }
0x3e: {  	_ =	swait.ge [sflag:s17], $0x50  }
0x3f: {  	[sflag:s17] =	ssyncset.done $0x0  }
0x40: {  	[sflag:s17] =	ssyncadd.s32 $0xFFFFFFB0  }
0x41: {  	[tilespmem:s23], [sflag:$0x2] =	stream.indirect.gather [hbm4b:s4+s19], $0x80, s21, s19, $0xb8;
	[tilespmem:$0x1B280] =	vst v63  }
0x42: {  	_ =	swait.ge [sflag:s24], $0x2800  }
0x43: {  	[sflag:s24] =	ssyncset.done $0x0  }
0x44: {  	[sflag:s24] =	ssyncadd.s32 $0xFFFFD800  }
0x45: {  	[spmem:s1] =	stream.indirect.scatter.add.f32 [tilespmem:s20], [sflag:$0x3], $0x80, s18, s19, $0xb8;
	[tilespmem:$0x1B280] =	vst v63  }
0x46: {  	_ =	swait.ge [sflag:s17], $0x2800  }
0x47: {  	s28 =	sshrl.u32 s12, $0x3;
	[sflag:s17] =	ssyncset.done $0x0  }
0x48: {  	s29 =	sadd.s32 s5, s28;
	[sflag:s17] =	ssyncadd.s32 $0xFFFFD800  }
0x49: {  	[tilespmem:s2], [sflag:$0x3] =	stream.linear.gather [hbm4b:s29+s2], $0x50, $0x38;
	[tilespmem:$0x1B280] =	vst v63  }
0x4a: {  	_ =	swait.ge [sflag:s17], $0x50  }
0x4b: {  	[sflag:s17] =	ssyncset.done $0x0  }
0x4c: {  	s28 =	sadd.s32 s6, s28;
	[sflag:s17] =	ssyncadd.s32 $0xFFFFFFB0  }
0x4d: {  	[tilespmem:s18], [sflag:$0x3] =	stream.linear.gather [hbm4b:s28+s2], $0x50, $0x38;
	[tilespmem:$0x1B280] =	vst v63  }
0x4e: {  	_ =	swait.ge [sflag:s17], $0x50  }
0x4f: {  	[sflag:s17] =	ssyncset.done $0x0  }
0x50: {  	[sflag:s17] =	ssyncadd.s32 $0xFFFFFFB0  }
0x51: {  	[tilespmem:s20], [sflag:$0x1] =	stream.indirect.gather [hbm4b:s4+s19], $0x80, s2, s19, $0xb8;
	[tilespmem:$0x1B280] =	vst v63  }
0x52: {  	_ =	swait.ge [sflag:s25], $0x2800  }
0x53: {  	[sflag:s25] =	ssyncset.done $0x0  }
0x54: {  	[sflag:s25] =	ssyncadd.s32 $0xFFFFD800  }
0x55: {  	[spmem:s1] =	stream.indirect.scatter.add.f32 [tilespmem:s23], [sflag:$0x3], $0x80, s22, s19, $0xb8;
	[tilespmem:$0x1B280] =	vst v63  }
0x56: {  	s31 =	simm.s32 $0x28;
	_ =	swait.ge [sflag:s17], $0x2800  }
0x57: {  	s29 =	simm.s32 $0x14;
	s28 =	sadd.s32 $0xA0, s12;
	[sflag:s17] =	ssyncset.done $0x0  }
.LBB2_6:
0x58: {  	s0 =	sadd.s32 s29, s14  }
0x59: {  	[sflag:s17] =	ssyncadd.s32 $0xFFFFD800;
	s3 =	smov.u32 s31;
	s30 =	sadd.s32 $0x14, s31  }
0x5a: {  	[tilespmem:s21], [sflag:$0x3] =	stream.linear.gather [hbm4b:s0+s2], $0x50, $0x38;
	[tilespmem:$0x1B280] =	vst v63  }
0x5b: {  	p1 =	sne.s32 s31, $0x4C4;
	_ =	swait.ge [sflag:s17], $0x50  }
0x5c: {  	[sflag:s17] =	ssyncset.done $0x0  }
0x5d: {  	s0 =	sadd.s32 s29, s13;
	s29 =	smov.u32 s3;
	[sflag:s17] =	ssyncadd.s32 $0xFFFFFFB0  }
0x5e: {  	[tilespmem:s22], [sflag:$0x3] =	stream.linear.gather [hbm4b:s0+s2], $0x50, $0x38;
	[tilespmem:$0x1B280] =	vst v63  }
0x5f: {  	_ =	swait.ge [sflag:s17], $0x50  }
0x60: {  	[sflag:s17] =	ssyncset.done $0x0  }
0x61: {  	[sflag:s17] =	ssyncadd.s32 $0xFFFFFFB0  }
0x62: {  	[tilespmem:s23], [sflag:$0x2] =	stream.indirect.gather [hbm4b:s4+s19], $0x80, s21, s19, $0xb8;
	[tilespmem:$0x1B280] =	vst v63  }
0x63: {  	_ =	swait.ge [sflag:s24], $0x2800  }
0x64: {  	[sflag:s24] =	ssyncset.done $0x0  }
0x65: {  	[sflag:s24] =	ssyncadd.s32 $0xFFFFD800  }
0x66: {  	[spmem:s1] =	stream.indirect.scatter.add.f32 [tilespmem:s20], [sflag:$0x3], $0x80, s18, s19, $0xb8;
	[tilespmem:$0x1B280] =	vst v63  }
0x67: {  	_ =	swait.ge [sflag:s17], $0x2800  }
0x68: {  	s0 =	sshrl.u32 s28, $0x3;
	[sflag:s17] =	ssyncset.done $0x0  }
0x69: {  	s3 =	sadd.s32 s5, s0;
	[sflag:s17] =	ssyncadd.s32 $0xFFFFD800  }
0x6a: {  	[tilespmem:s2], [sflag:$0x3] =	stream.linear.gather [hbm4b:s3+s2], $0x50, $0x38;
	[tilespmem:$0x1B280] =	vst v63  }
0x6b: {  	_ =	swait.ge [sflag:s17], $0x50  }
0x6c: {  	[sflag:s17] =	ssyncset.done $0x0  }
0x6d: {  	s0 =	sadd.s32 s6, s0;
	[sflag:s17] =	ssyncadd.s32 $0xFFFFFFB0  }
0x6e: {  	[tilespmem:s18], [sflag:$0x3] =	stream.linear.gather [hbm4b:s0+s2], $0x50, $0x38;
	[tilespmem:$0x1B280] =	vst v63  }
0x6f: {  	_ =	swait.ge [sflag:s17], $0x50  }
0x70: {  	[sflag:s17] =	ssyncset.done $0x0  }
0x71: {  	[sflag:s17] =	ssyncadd.s32 $0xFFFFFFB0  }
0x72: {  	[tilespmem:s20], [sflag:$0x1] =	stream.indirect.gather [hbm4b:s4+s19], $0x80, s2, s19, $0xb8;
	[tilespmem:$0x1B280] =	vst v63  }
0x73: {  	_ =	swait.ge [sflag:s25], $0x2800  }
.Ltmp3:
0x74: {  	[sflag:s25] =	ssyncset.done $0x0;
	(pc) =	sbr.rel @p1 .LBB2_6-.Ltmp3, $4  }
0x75: {  	[sflag:s25] =	ssyncadd.s32 $0xFFFFD800  }
0x76: {  	[spmem:s1] =	stream.indirect.scatter.add.f32 [tilespmem:s23], [sflag:$0x3], $0x80, s22, s19, $0xb8;
	[tilespmem:$0x1B280] =	vst v63  }
0x77: {  	_ =	swait.ge [sflag:s17], $0x2800  }
0x78: {  	s31 =	smov.u32 s30;
	s28 =	sadd.s32 $0xA0, s28;
	[sflag:s17] =	ssyncset.done $0x0  }
0x79: {  	s0 =	sadd.s32 s29, s14;
	[sflag:s17] =	ssyncadd.s32 $0xFFFFD800  }
0x7a: {  	[tilespmem:s21], [sflag:$0x3] =	stream.linear.gather [hbm4b:s0+s2], $0x50, $0x38;
	[tilespmem:$0x1B280] =	vst v63  }
0x7b: {  	_ =	swait.ge [sflag:s17], $0x50  }
0x7c: {  	[sflag:s17] =	ssyncset.done $0x0  }
0x7d: {  	s3 =	sadd.s32 s29, s13;
	[sflag:s17] =	ssyncadd.s32 $0xFFFFFFB0  }
0x7e: {  	[tilespmem:s22], [sflag:$0x3] =	stream.linear.gather [hbm4b:s3+s2], $0x50, $0x38;
	[tilespmem:$0x1B280] =	vst v63  }
0x7f: {  	_ =	swait.ge [sflag:s17], $0x50  }
0x80: {  	[sflag:s17] =	ssyncset.done $0x0  }
0x81: {  	[sflag:s17] =	ssyncadd.s32 $0xFFFFFFB0  }
0x82: {  	[tilespmem:s23], [sflag:$0x2] =	stream.indirect.gather [hbm4b:s4+s19], $0x80, s21, s19, $0xb8;
	[tilespmem:$0x1B280] =	vst v63  }
0x83: {  	_ =	swait.ge [sflag:s24], $0x2800  }
0x84: {  	[sflag:s24] =	ssyncset.done $0x0  }
0x85: {  	[sflag:s24] =	ssyncadd.s32 $0xFFFFD800  }
0x86: {  	[spmem:s1] =	stream.indirect.scatter.add.f32 [tilespmem:s20], [sflag:$0x3], $0x80, s18, s19, $0xb8;
	[tilespmem:$0x1B280] =	vst v63  }
0x87: {  	_ =	swait.ge [sflag:s17], $0x2800  }
0x88: {  	s0 =	sshrl.u32 s28, $0x3;
	[sflag:s17] =	ssyncset.done $0x0  }
0x89: {  	s3 =	sadd.s32 s5, s0;
	[sflag:s17] =	ssyncadd.s32 $0xFFFFD800  }
0x8a: {  	[tilespmem:s2], [sflag:$0x3] =	stream.linear.gather [hbm4b:s3+s2], $0x50, $0x38;
	[tilespmem:$0x1B280] =	vst v63  }
0x8b: {  	_ =	swait.ge [sflag:s17], $0x50  }
0x8c: {  	[sflag:s17] =	ssyncset.done $0x0  }
0x8d: {  	s0 =	sadd.s32 s6, s0;
	[sflag:s17] =	ssyncadd.s32 $0xFFFFFFB0  }
0x8e: {  	[tilespmem:s18], [sflag:$0x3] =	stream.linear.gather [hbm4b:s0+s2], $0x50, $0x38;
	[tilespmem:$0x1B280] =	vst v63  }
0x8f: {  	_ =	swait.ge [sflag:s17], $0x50  }
0x90: {  	[sflag:s17] =	ssyncset.done $0x0  }
0x91: {  	[sflag:s17] =	ssyncadd.s32 $0xFFFFFFB0  }
0x92: {  	[tilespmem:s20], [sflag:$0x1] =	stream.indirect.gather [hbm4b:s4+s19], $0x80, s2, s19, $0xb8;
	[tilespmem:$0x1B280] =	vst v63  }
0x93: {  	_ =	swait.ge [sflag:s25], $0x2800  }
0x94: {  	[sflag:s25] =	ssyncset.done $0x0  }
0x95: {  	[sflag:s25] =	ssyncadd.s32 $0xFFFFD800  }
0x96: {  	[spmem:s1] =	stream.indirect.scatter.add.f32 [tilespmem:s23], [sflag:$0x3], $0x80, s22, s19, $0xb8;
	[tilespmem:$0x1B280] =	vst v63  }
0x97: {  	_ =	swait.ge [sflag:s17], $0x2800  }
0x98: {  	[sflag:s17] =	ssyncset.done $0x0  }
0x99: {  	[sflag:s17] =	ssyncadd.s32 $0xFFFFD800  }
0x9a: {  	_ =	swait.ge [sflag:s24], $0x2800  }
0x9b: {  	[sflag:s24] =	ssyncset.done $0x0  }
0x9c: {  	[sflag:s24] =	ssyncadd.s32 $0xFFFFD800  }
0x9d: {  	[spmem:s1] =	stream.indirect.scatter.add.f32 [tilespmem:s20], [sflag:$0x3], $0x80, s18, s19, $0xb8;
	[tilespmem:$0x1B280] =	vst v63  }
0x9e: {  	_ =	swait.ge [sflag:s17], $0x2800  }
.Ltmp4:
0x9f: {  	s3 =	stileid.u32;
	[sflag:s17] =	ssyncset.done $0x0;
	(pc) =	sbr.rel @!p0 .LBB2_9-.Ltmp4, $4  }
0xa0: {  	s29 =	sadd.s32 $0xFFFFFFFF, s7;
	s0 =	sshll.u32 s3, $0x6;
	[sflag:s17] =	ssyncadd.s32 $0xFFFFD800  }
0xa1: {  	s3 =	sshrl.u32 s11, $0x3;
	s28 =	sor.u32 $0x1C03, s0;
	[bflag:$0x0] =	sbarrier.arrive $0xFFFF  }
0xa2: {  	[hbm:s15], [sflag:s28] =	dma.local [spmem:s3], $0x500  }
0xa3: {  	s30 =	sadd.s32 $0x5000, s15;
	s31 =	smov.u32 s11;
	_ =	swait.ge [sflag:s17], $0x500  }
.LBB2_8:
0xa4: {  	[sflag:s17] =	ssyncset.done $0x0;
	s31 =	sadd.s32 $0x28000, s31;
	p0 =	sne.s32 s29, $0x1  }
.Ltmp5:
0xa5: {  	s0 =	sshrl.u32 s31, $0x3;
	[sflag:s17] =	ssyncadd.s32 $0xFFFFFB00;
	(pc) =	sbr.rel @p0 .LBB2_8-.Ltmp5, $3  }
0xa6: {  	[hbm:s30], [sflag:s28] =	dma.local [spmem:s0], $0x500  }
0xa7: {  	s29 =	sadd.s32 $0xFFFFFFFF, s29;
	_ =	sdelay $0x1  }
0xa8: {  	s30 =	sadd.s32 $0x5000, s30;
	_ =	swait.ge [sflag:s17], $0x500  }
.LBB2_9:
0xa9: {  	s26 =	sadd.s32 $0x1, s26  }
0xaa: {  	p0 =	sne.s32 s26, s10  }
.Ltmp6:
0xab: {  	_ = 	snop;
	(pc) =	sbr.rel @p0 .LBB2_1-.Ltmp6, $3  }
0xac: {  	_ =	sdelay $0x1  }
0xad: {  	[sflag:s17] =	ssyncset.done $0x0  }
0xae: {  	[sflag:s17] =	ssyncadd.s32 $0xFFFFFB00  }
0xaf: {  	_ =	sfence.sel $0x180000  }
0xb0: {  	[bflag:$0x0] =	sbarrier.arrive $0xFFFF  }
0xb1: {  	_ =	strace $0x9000004D  }
0xb2: {  	s0 =	stileid.u32;
	[bflag:$0x2] =	sbarrier.arrive $0xFFFF  }
0xb3: {  	p0 =	sne.s32 s0, $0x0;
	s0 =	rddreg [dreg:$0x2]  }
0xb4: {  	s0 =	sadd.s32 @!p0 $0x100000, s0  }
0xb5: {  	[sflag:s0] =	ssyncadd.tile.s32 @!p0 $0x1;
	_ =	shalt  }
.Lfunc_end2:
_tile_overlayer_lowered:
.L_overlay_start_2:
0xb6: {  	(tag) =	ssettag $0x2  }
0xb7: {  	s0 =	rddreg [dreg:$0x0];
	s2 =	stileid.u32  }
0xb8: {  	s1 =	rddreg [dreg:$0x1];
	p0 =	sne.s32 s2, $0x0  }
0xb9: {  	s3 =	rddreg [dreg:$0x2];
	[bflag:$0x3] =	sbarrier.arrive $0xFFFF;
	s2 =	simm.s32 @!p0 $0x1C03  }
0xba: {  	[timem:s3], [sflag:s2] =	dma.local @!p0 [hbm:s0], s1  }
0xbb: {  	s0 =	simm.s32 @!p0 $0x3  }
0xbc: {  	_ =	swait.ge @!p0 [sflag:s0], s1  }
0xbd: {  	s1 =	ssub.s32 @!p0 $0x0, s1;
	[sflag:s0] =	ssyncset.done @!p0 $0x0  }
0xbe: {  	[sflag:s0] =	ssyncadd.s32 @!p0 s1  }
0xbf: {  	[bflag:$0x3] =	sbarrier.arrive $0xFFFF  }
0xc0: {  	_ =	shalt  }

</sc_bundles>
